<compile_context>
chip_gen: v7x
topology: tpu7x:2x2x1
jax: 0.10.2.dev20260603
libtpu: 0.0.44.dev20260713+nightly
codegen_flags: <defaults>
</compile_context>

<pallas_src>
import jax
import jax.numpy as jnp
from jax import lax
from jax.experimental import pallas as pl
from jax.experimental.pallas import tpu as pltpu
from jax.experimental.pallas import tpu_sc as plsc

N = 10000
E = 320000
D = 128
ED = 16
LD = 128

NC = 2
NS = 16
EPAD = 331776
K = 128
ET = EPAD // NS
NCHUNK = ET // K
NBUF = 3
NOUT = NCHUNK // NBUF
NPAD = 10112
NROW = NPAD // NS
EB = 2048

_NEG = -1e30



def _node_tables_body(z_ref, w0s_ref, w0d_ref, w1s_ref, w1d_ref,
                      a0_ref, b0_ref, a1_ref, b1_ref):
    zb = z_ref[...]
    dot = lambda w: lax.dot_general(zb, w, (((1,), (0,)), ((), ())),
                                    precision=lax.Precision.HIGHEST,
                                    preferred_element_type=jnp.float32)
    a0_ref[...] = dot(w0s_ref[...])
    b0_ref[...] = dot(w0d_ref[...])
    a1_ref[...] = dot(w1s_ref[...])
    b1_ref[...] = dot(w1d_ref[...])


def _node_tables(z, w0s, w0d, w1s, w1d):
    bn = 1000
    grid = N // bn
    wspec = pl.BlockSpec((D, LD), lambda i: (0, 0))
    ospec = pl.BlockSpec((bn, LD), lambda i: (i, 0))
    return pl.pallas_call(
        _node_tables_body,
        grid=(grid,),
        in_specs=[pl.BlockSpec((bn, D), lambda i: (i, 0)), wspec, wspec, wspec, wspec],
        out_specs=[ospec, ospec, ospec, ospec],
        out_shape=[jax.ShapeDtypeStruct((N, LD), jnp.float32)] * 4,
    )(z, w0s, w0d, w1s, w1d)



def _edge_tables_body(ef_ref, w0e_ref, b0_ref, w1e_ref, b1_ref, c0_ref, c1_ref):
    i = pl.program_id(0)
    eb = ef_ref[...]
    rows = i * EB + lax.broadcasted_iota(jnp.int32, (EB, 1), 0)
    valid = rows < E
    dot = lambda w: lax.dot_general(eb, w, (((1,), (0,)), ((), ())),
                                    precision=lax.Precision.HIGHEST,
                                    preferred_element_type=jnp.float32)
    c0 = dot(w0e_ref[...]) + b0_ref[...]
    c1 = dot(w1e_ref[...]) + b1_ref[...]
    c0_ref[...] = jnp.where(valid, c0, _NEG)
    c1_ref[...] = jnp.where(valid, c1, _NEG)


def _edge_tables(e_feat_pad, w0e, bm0, w1e, bm1):
    grid = EPAD // EB
    wspec = pl.BlockSpec((ED, LD), lambda i: (0, 0))
    bspec = pl.BlockSpec((1, LD), lambda i: (0, 0))
    ospec = pl.BlockSpec((EB, LD), lambda i: (i, 0))
    return pl.pallas_call(
        _edge_tables_body,
        grid=(grid,),
        in_specs=[pl.BlockSpec((EB, ED), lambda i: (i, 0)), wspec, bspec, wspec, bspec],
        out_specs=[ospec, ospec],
        out_shape=[jax.ShapeDtypeStruct((EPAD, LD), jnp.float32)] * 2,
    )(e_feat_pad, w0e, bm0, w1e, bm1)



def _edge_pass_body(adj_hbm, a0, b0, c0, a1, b1, c1, out_hbm,
                    idxb, msg, agg,
                    sem_i0, sem_i1, sem_i2, sem_c0, sem_c1, sem_c2,
                    sem_a0, sem_a1, sem_a2, sem_b0, sem_b1, sem_b2,
                    sem_s0, sem_s1, sem_s2):
    c = lax.axis_index("c")
    s = lax.axis_index("s")
    base = s * ET
    sem_i = (sem_i0, sem_i1, sem_i2)
    sem_c = (sem_c0, sem_c1, sem_c2)
    sem_a = (sem_a0, sem_a1, sem_a2)
    sem_b = (sem_b0, sem_b1, sem_b2)
    sem_s = (sem_s0, sem_s1, sem_s2)

    z16 = jnp.zeros((16,), jnp.float32)

    @pl.loop(0, K)
    def _z(r):
        for j in range(LD // 16):
            msg[0, r, pl.ds(j * 16, 16)] = z16

    for r in range(4):
        pltpu.sync_copy(msg.at[0], agg.at[pl.ds(s * NROW + r * K, K)])
    pltpu.sync_copy(msg.at[0, :NROW - 4 * K], agg.at[pl.ds(s * NROW + 4 * K, NROW - 4 * K)])
    plsc.subcore_barrier()

    def issue_loads(jj, b):
        e0 = base + jj * K
        pltpu.async_copy(adj_hbm.at[:, pl.ds(e0, K)], idxb.at[b], sem_i[b])

        @pl.when(c == 0)
        def _():
            pltpu.async_copy(c0.at[pl.ds(e0, K)], msg.at[b], sem_c[b])

        @pl.when(c == 1)
        def _():
            pltpu.async_copy(c1.at[pl.ds(e0, K)], msg.at[b], sem_c[b])

    def wait_loads_issue_gathers(q, sq):
        pltpu.make_async_copy(adj_hbm.at[:, pl.ds(base, K)], idxb.at[sq], sem_i[sq]).wait()
        pltpu.make_async_copy(c0.at[pl.ds(base, K)], msg.at[sq], sem_c[sq]).wait()

        @pl.when(c == 0)
        def _():
            pltpu.async_copy(a0.at[idxb.at[sq, 0]], msg.at[sq], sem_a[sq], add=True)
            pltpu.async_copy(b0.at[idxb.at[sq, 1]], msg.at[sq], sem_b[sq], add=True)

        @pl.when(c == 1)
        def _():
            pltpu.async_copy(a1.at[idxb.at[sq, 0]], msg.at[sq], sem_a[sq], add=True)
            pltpu.async_copy(b1.at[idxb.at[sq, 1]], msg.at[sq], sem_b[sq], add=True)

    issue_loads(0, 0)
    issue_loads(1, 1)
    issue_loads(2, 2)
    wait_loads_issue_gathers(0, 0)

    @pl.loop(0, NOUT)
    def _outer(g):
        for b in range(NBUF):
            jj = g * NBUF + b
            b1 = (b + 1) % NBUF
            br = (b + 2) % NBUF

            if b == NBUF - 1:
                @pl.when(g < NOUT - 1)
                def _():
                    wait_loads_issue_gathers(jj + 1, b1)
            else:
                wait_loads_issue_gathers(jj + 1, b1)

            def _reload():
                pltpu.make_async_copy(msg.at[br], agg.at[idxb.at[br, 1]], sem_s[br]).wait()
                issue_loads(jj + 2, br)

            if b == 0:
                @pl.when(g >= 1)
                def _():
                    _reload()
            else:
                @pl.when(g < NOUT - 1)
                def _():
                    _reload()

            pltpu.make_async_copy(a0.at[idxb.at[b, 0]], msg.at[b], sem_a[b]).wait()
            pltpu.make_async_copy(b0.at[idxb.at[b, 1]], msg.at[b], sem_b[b]).wait()

            @pl.loop(0, K)
            def _relu(r):
                for j2 in range(LD // 16):
                    v = msg[b, r, pl.ds(j2 * 16, 16)]
                    msg[b, r, pl.ds(j2 * 16, 16)] = jnp.maximum(v, 0.0)

            pltpu.async_copy(msg.at[b], agg.at[idxb.at[b, 1]], sem_s[b], add=True)

    for b in range(NBUF):
        pltpu.make_async_copy(msg.at[b], agg.at[idxb.at[b, 1]], sem_s[b]).wait()

    plsc.subcore_barrier()
    pltpu.sync_copy(agg.at[pl.ds(s * NROW, NROW)],
                    out_hbm.at[c, pl.ds(s * NROW, NROW)])


def _edge_pass(adj_pad, a0, b0, c0, a1, b1, c1):
    mesh = plsc.VectorSubcoreMesh(core_axis_name="c", subcore_axis_name="s",
                                  num_cores=NC, num_subcores=NS)
    kern = pl.kernel(
        _edge_pass_body,
        out_type=jax.ShapeDtypeStruct((NC, NPAD, LD), jnp.float32),
        mesh=mesh,
        scratch_types=[
            pltpu.VMEM((NBUF, 2, K), jnp.int32),
            pltpu.VMEM((NBUF, K, LD), jnp.float32),
            pltpu.VMEM_SHARED((NPAD, LD), jnp.float32),
        ] + [pltpu.SemaphoreType.DMA] * 15,
    )
    return kern(adj_pad, a0, b0, c0, a1, b1, c1)



def _update_body(enc_ref, part_ref, w0e_ref, w0a_ref, bu0_ref,
                 w1e_ref, w1a_ref, bu1_ref, coef_ref, out_ref):
    encb = enc_ref[...]
    agg0 = part_ref[0]
    agg1 = part_ref[1]
    dot = lambda x, w: lax.dot_general(x, w, (((1,), (0,)), ((), ())),
                                       precision=lax.Precision.HIGHEST,
                                       preferred_element_type=jnp.float32)
    u0 = jnp.maximum(dot(encb, w0e_ref[...]) + dot(agg0, w0a_ref[...]) + bu0_ref[...], 0.0)
    u1 = jnp.maximum(dot(encb, w1e_ref[...]) + dot(agg1, w1a_ref[...]) + bu1_ref[...], 0.0)
    out_ref[...] = coef_ref[0] * u0 + coef_ref[1] * u1


def _update(enc, part, w0e, w0a, bu0, w1e, w1a, bu1, coef):
    bn = 1000
    grid = N // bn
    wspec = pl.BlockSpec((D, LD), lambda i: (0, 0))
    bspec = pl.BlockSpec((1, LD), lambda i: (0, 0))
    return pl.pallas_call(
        _update_body,
        grid=(grid,),
        in_specs=[
            pl.BlockSpec((bn, D), lambda i: (i, 0)),
            pl.BlockSpec((NC, bn, LD), lambda i: (0, i, 0)),
            wspec, wspec, bspec, wspec, wspec, bspec,
            pl.BlockSpec(memory_space=pltpu.SMEM),
        ],
        out_specs=pl.BlockSpec((bn, LD), lambda i: (i, 0)),
        out_shape=jax.ShapeDtypeStruct((N, LD), jnp.float32),
    )(enc, part, w0e, w0a, bu0, w1e, w1a, bu1, coef)



def kernel(z, e_feat, adj, enc,
           W_msg_0, b_msg_0, W_upd_0, b_upd_0,
           W_msg_1, b_msg_1, W_upd_1, b_upd_1,
           coef):
    adj_pad = jnp.pad(adj, ((0, 0), (0, EPAD - E)))
    ef_pad = jnp.pad(e_feat, ((0, EPAD - E), (0, 0)))

    a0, b0, a1, b1 = _node_tables(z, W_msg_0[:D], W_msg_0[D:2 * D],
                                  W_msg_1[:D], W_msg_1[D:2 * D])
    c0, c1 = _edge_tables(ef_pad, W_msg_0[2 * D:], b_msg_0.reshape(1, LD),
                          W_msg_1[2 * D:], b_msg_1.reshape(1, LD))
    part = _edge_pass(adj_pad, a0, b0, c0, a1, b1, c1)
    return _update(enc, part, W_upd_0[:D], W_upd_0[D:], b_upd_0.reshape(1, LD),
                   W_upd_1[:D], W_upd_1[D:], b_upd_1.reshape(1, LD), coef)

# --- scband reference (transcript-rebuilt; emitter-appended) ---
"""Pipeline reference for scband-multi-parallel-processors-17420387352974 (READ-ONLY COPY).

The authoritative reference and input builder live on the scoring server;
editing this copy changes nothing except your own understanding.
"""

import jax, jax.numpy as jnp
import numpy as np

N = 10000       # n_nodes
E = 320000      # n_edges
D = 128         # enc_dim (node feature dim)
ED = 16         # edge_dim
LD = 128        # latent_dim
P = 2           # n_procs


def setup_inputs(seed: int = 0) -> dict:
    key = jax.random.key(seed)
    ks = jax.random.split(key, 20)
    inp = {}
    # forward args
    inp["z"] = jax.random.normal(ks[0], (N, D), dtype=jnp.float32)
    inp["e_feat"] = jax.random.normal(ks[1], (E, ED), dtype=jnp.float32)
    inp["adj"] = jax.random.randint(ks[2], (2, E), 0, N, dtype=jnp.int32)
    inp["enc"] = jax.random.normal(ks[3], (N, D), dtype=jnp.float32)
    # learned parameters: one MultiMPNN per processor (message MLP + update MLP),
    # plus per-processor scalar attention coefficients (init to 1.0 as in __init__).
    kidx = 4
    for p in range(P):
        inp[f"W_msg_{p}"] = 0.05 * jax.random.normal(ks[kidx], (2 * D + ED, LD), dtype=jnp.float32); kidx += 1
        inp[f"b_msg_{p}"] = jnp.zeros((LD,), dtype=jnp.float32)
        inp[f"W_upd_{p}"] = 0.05 * jax.random.normal(ks[kidx], (D + LD, LD), dtype=jnp.float32); kidx += 1
        inp[f"b_upd_{p}"] = jnp.zeros((LD,), dtype=jnp.float32)
    inp["coef"] = jnp.ones((P,), dtype=jnp.float32)
    return inp


def _mpnn(z, e_feat, adj, enc, Wm, bm, Wu, bu):
    # One MultiMPNN message-passing step:
    # message = relu([z_src, z_dst, e_feat] @ Wm + bm)  (gather on src/dst)
    # agg     = scatter-add of messages onto dst nodes   (segment_sum)
    # update  = relu([enc, agg] @ Wu + bu)
    src = adj[0]
    dst = adj[1]
    z_src = jnp.take(z, src, axis=0)
    z_dst = jnp.take(z, dst, axis=0)
    m_in = jnp.concatenate([z_src, z_dst, e_feat], axis=1)
    msg = jax.nn.relu(m_in @ Wm + bm)
    agg = jax.ops.segment_sum(msg, dst, num_segments=N)
    u_in = jnp.concatenate([enc, agg], axis=1)
    return jax.nn.relu(u_in @ Wu + bu)


def reference(z, e_feat, adj, enc,
              W_msg_0, b_msg_0, W_upd_0, b_upd_0,
              W_msg_1, b_msg_1, W_upd_1, b_upd_1,
              coef):
    # out = sum_p coef_p * MPNN_p(z, e_feat, adj, enc)
    out0 = _mpnn(z, e_feat, adj, enc, W_msg_0, b_msg_0, W_upd_0, b_upd_0)
    out1 = _mpnn(z, e_feat, adj, enc, W_msg_1, b_msg_1, W_upd_1, b_upd_1)
    return coef[0] * out0 + coef[1] * out1

if __name__ == "__main__":
    import jax
    _d = setup_inputs()
    print(jax.jit(kernel)(*tuple(_d.values())))

</pallas_src>

<mosaic_0001>
#map = affine_map<(d0, d1) -> (0, 0)>
#map1 = affine_map<(d0, d1) -> (0, 0, 0)>
module attributes {stable_mosaic.version = 14 : i64} {
  func.func @_edge_pass_body(%arg0: i32, %arg1: i32, %arg2: memref<2x331776xi32, #tpu.memory_space<hbm>>, %arg3: memref<10000x128xf32, #tpu.memory_space<hbm>>, %arg4: memref<10000x128xf32, #tpu.memory_space<hbm>>, %arg5: memref<331776x128xf32, #tpu.memory_space<hbm>>, %arg6: memref<10000x128xf32, #tpu.memory_space<hbm>>, %arg7: memref<10000x128xf32, #tpu.memory_space<hbm>>, %arg8: memref<331776x128xf32, #tpu.memory_space<hbm>>, %arg9: memref<2x10112x128xf32, #tpu.memory_space<hbm>>, %arg10: memref<3x2x128xi32, #tpu.memory_space<vmem>>, %arg11: memref<3x128x128xf32, #tpu.memory_space<vmem>>, %arg12: memref<10112x128xf32, #tpu.memory_space<vmem_shared>>, %arg13: memref<!tpu.dma_semaphore, #tpu.memory_space<semaphore_mem>>, %arg14: memref<!tpu.dma_semaphore, #tpu.memory_space<semaphore_mem>>, %arg15: memref<!tpu.dma_semaphore, #tpu.memory_space<semaphore_mem>>, %arg16: memref<!tpu.dma_semaphore, #tpu.memory_space<semaphore_mem>>, %arg17: memref<!tpu.dma_semaphore, #tpu.memory_space<semaphore_mem>>, %arg18: memref<!tpu.dma_semaphore, #tpu.memory_space<semaphore_mem>>, %arg19: memref<!tpu.dma_semaphore, #tpu.memory_space<semaphore_mem>>, %arg20: memref<!tpu.dma_semaphore, #tpu.memory_space<semaphore_mem>>, %arg21: memref<!tpu.dma_semaphore, #tpu.memory_space<semaphore_mem>>, %arg22: memref<!tpu.dma_semaphore, #tpu.memory_space<semaphore_mem>>, %arg23: memref<!tpu.dma_semaphore, #tpu.memory_space<semaphore_mem>>, %arg24: memref<!tpu.dma_semaphore, #tpu.memory_space<semaphore_mem>>, %arg25: memref<!tpu.dma_semaphore, #tpu.memory_space<semaphore_mem>>, %arg26: memref<!tpu.dma_semaphore, #tpu.memory_space<semaphore_mem>>, %arg27: memref<!tpu.dma_semaphore, #tpu.memory_space<semaphore_mem>>) attributes {dimension_semantics = [#tpu.dimension_semantics<core_parallel>, #tpu.dimension_semantics<subcore_parallel>], iteration_bounds = array<i64: 2, 16>, scalar_prefetch = 0 : i64, scratch_operands = 18 : i64, tpu.core_type = #tpu.core_type<sc_vector_subcore>, window_params = [{transform_indices = #map}, {transform_indices = #map}, {transform_indices = #map}, {transform_indices = #map}, {transform_indices = #map}, {transform_indices = #map}, {transform_indices = #map}, {transform_indices = #map1}]} {
    %mul3A = arith.constant 20736 : i32
    %mul3A_0 = arith.muli %arg1, %mul3A : i32
    %broadcast_in_dim3A = arith.constant 0.000000e+00 : f32
    %broadcast_in_dim3A_1 = vector.broadcast %broadcast_in_dim3A : f32 to vector<16xf32>
    %scan3A = arith.constant 0 : i32
    %scan3A_2 = arith.constant 128 : i32
    %scan3A_3 = arith.addi %scan3A, %scan3A_2 : i32
    %scan3A_4 = arith.constant 1 : i32
    scf.for %scan3A_184 = %scan3A to %scan3A_3 step %scan3A_4  : i32 {
      %mul3A_185 = arith.constant 1 : i32
      %mul3A_186 = arith.muli %scan3A_184, %mul3A_185 : i32
      %add3A_187 = arith.constant 0 : i32
      %add3A_188 = arith.addi %add3A_187, %mul3A_186 : i32
      %swap3A = arith.constant 0 : i32
      %swap3A_189 = arith.index_cast %swap3A : i32 to index
      %swap3A_190 = arith.index_cast %add3A_188 : i32 to index
      %swap3A_191 = arith.constant 0 : index
      %swap3A_192 = tpu.vector_load %arg11[%swap3A_189, %swap3A_190, %swap3A_191] {strides = array<i32>} : memref<3x128x128xf32, #tpu.memory_space<vmem>>, vector<1x1x16xf32>,
      %swap3A_193 = vector.shape_cast %swap3A_192 : vector<1x1x16xf32> to vector<16xf32>
      %swap3A_194 = vector.shape_cast %broadcast_in_dim3A_1 : vector<16xf32> to vector<1x1x16xf32>
      tpu.vector_store %arg11[%swap3A_189, %swap3A_190, %swap3A_191], %swap3A_194 {strides = array<i32>} : memref<3x128x128xf32, #tpu.memory_space<vmem>>, vector<1x1x16xf32>,
      %swap3A_195 = arith.constant 0 : i32
      %swap3A_196 = arith.index_cast %swap3A_195 : i32 to index
      %swap3A_197 = arith.index_cast %add3A_188 : i32 to index
      %swap3A_198 = arith.constant 16 : index
      %swap3A_199 = tpu.vector_load %arg11[%swap3A_196, %swap3A_197, %swap3A_198] {strides = array<i32>} : memref<3x128x128xf32, #tpu.memory_space<vmem>>, vector<1x1x16xf32>,
      %swap3A_200 = vector.shape_cast %swap3A_199 : vector<1x1x16xf32> to vector<16xf32>
      %swap3A_201 = vector.shape_cast %broadcast_in_dim3A_1 : vector<16xf32> to vector<1x1x16xf32>
      tpu.vector_store %arg11[%swap3A_196, %swap3A_197, %swap3A_198], %swap3A_201 {strides = array<i32>} : memref<3x128x128xf32, #tpu.memory_space<vmem>>, vector<1x1x16xf32>,
      %swap3A_202 = arith.constant 0 : i32
      %swap3A_203 = arith.index_cast %swap3A_202 : i32 to index
      %swap3A_204 = arith.index_cast %add3A_188 : i32 to index
      %swap3A_205 = arith.constant 32 : index
      %swap3A_206 = tpu.vector_load %arg11[%swap3A_203, %swap3A_204, %swap3A_205] {strides = array<i32>} : memref<3x128x128xf32, #tpu.memory_space<vmem>>, vector<1x1x16xf32>,
      %swap3A_207 = vector.shape_cast %swap3A_206 : vector<1x1x16xf32> to vector<16xf32>
      %swap3A_208 = vector.shape_cast %broadcast_in_dim3A_1 : vector<16xf32> to vector<1x1x16xf32>
      tpu.vector_store %arg11[%swap3A_203, %swap3A_204, %swap3A_205], %swap3A_208 {strides = array<i32>} : memref<3x128x128xf32, #tpu.memory_space<vmem>>, vector<1x1x16xf32>,
      %swap3A_209 = arith.constant 0 : i32
      %swap3A_210 = arith.index_cast %swap3A_209 : i32 to index
      %swap3A_211 = arith.index_cast %add3A_188 : i32 to index
      %swap3A_212 = arith.constant 48 : index
      %swap3A_213 = tpu.vector_load %arg11[%swap3A_210, %swap3A_211, %swap3A_212] {strides = array<i32>} : memref<3x128x128xf32, #tpu.memory_space<vmem>>, vector<1x1x16xf32>,
      %swap3A_214 = vector.shape_cast %swap3A_213 : vector<1x1x16xf32> to vector<16xf32>
      %swap3A_215 = vector.shape_cast %broadcast_in_dim3A_1 : vector<16xf32> to vector<1x1x16xf32>
      tpu.vector_store %arg11[%swap3A_210, %swap3A_211, %swap3A_212], %swap3A_215 {strides = array<i32>} : memref<3x128x128xf32, #tpu.memory_space<vmem>>, vector<1x1x16xf32>,
      %swap3A_216 = arith.constant 0 : i32
      %swap3A_217 = arith.index_cast %swap3A_216 : i32 to index
      %swap3A_218 = arith.index_cast %add3A_188 : i32 to index
      %swap3A_219 = arith.constant 64 : index
      %swap3A_220 = tpu.vector_load %arg11[%swap3A_217, %swap3A_218, %swap3A_219] {strides = array<i32>} : memref<3x128x128xf32, #tpu.memory_space<vmem>>, vector<1x1x16xf32>,
      %swap3A_221 = vector.shape_cast %swap3A_220 : vector<1x1x16xf32> to vector<16xf32>
      %swap3A_222 = vector.shape_cast %broadcast_in_dim3A_1 : vector<16xf32> to vector<1x1x16xf32>
      tpu.vector_store %arg11[%swap3A_217, %swap3A_218, %swap3A_219], %swap3A_222 {strides = array<i32>} : memref<3x128x128xf32, #tpu.memory_space<vmem>>, vector<1x1x16xf32>,
      %swap3A_223 = arith.constant 0 : i32
      %swap3A_224 = arith.index_cast %swap3A_223 : i32 to index
      %swap3A_225 = arith.index_cast %add3A_188 : i32 to index
      %swap3A_226 = arith.constant 80 : index
      %swap3A_227 = tpu.vector_load %arg11[%swap3A_224, %swap3A_225, %swap3A_226] {strides = array<i32>} : memref<3x128x128xf32, #tpu.memory_space<vmem>>, vector<1x1x16xf32>,
      %swap3A_228 = vector.shape_cast %swap3A_227 : vector<1x1x16xf32> to vector<16xf32>
      %swap3A_229 = vector.shape_cast %broadcast_in_dim3A_1 : vector<16xf32> to vector<1x1x16xf32>
      tpu.vector_store %arg11[%swap3A_224, %swap3A_225, %swap3A_226], %swap3A_229 {strides = array<i32>} : memref<3x128x128xf32, #tpu.memory_space<vmem>>, vector<1x1x16xf32>,
      %swap3A_230 = arith.constant 0 : i32
      %swap3A_231 = arith.index_cast %swap3A_230 : i32 to index
      %swap3A_232 = arith.index_cast %add3A_188 : i32 to index
      %swap3A_233 = arith.constant 96 : index
      %swap3A_234 = tpu.vector_load %arg11[%swap3A_231, %swap3A_232, %swap3A_233] {strides = array<i32>} : memref<3x128x128xf32, #tpu.memory_space<vmem>>, vector<1x1x16xf32>,
      %swap3A_235 = vector.shape_cast %swap3A_234 : vector<1x1x16xf32> to vector<16xf32>
      %swap3A_236 = vector.shape_cast %broadcast_in_dim3A_1 : vector<16xf32> to vector<1x1x16xf32>
      tpu.vector_store %arg11[%swap3A_231, %swap3A_232, %swap3A_233], %swap3A_236 {strides = array<i32>} : memref<3x128x128xf32, #tpu.memory_space<vmem>>, vector<1x1x16xf32>,
      %swap3A_237 = arith.constant 0 : i32
      %swap3A_238 = arith.index_cast %swap3A_237 : i32 to index
      %swap3A_239 = arith.index_cast %add3A_188 : i32 to index
      %swap3A_240 = arith.constant 112 : index
      %swap3A_241 = tpu.vector_load %arg11[%swap3A_238, %swap3A_239, %swap3A_240] {strides = array<i32>} : memref<3x128x128xf32, #tpu.memory_space<vmem>>, vector<1x1x16xf32>,
      %swap3A_242 = vector.shape_cast %swap3A_241 : vector<1x1x16xf32> to vector<16xf32>
      %swap3A_243 = vector.shape_cast %broadcast_in_dim3A_1 : vector<16xf32> to vector<1x1x16xf32>
      tpu.vector_store %arg11[%swap3A_238, %swap3A_239, %swap3A_240], %swap3A_243 {strides = array<i32>} : memref<3x128x128xf32, #tpu.memory_space<vmem>>, vector<1x1x16xf32>,
    }
    %scan3A_5 = arith.constant 128 : i32
    %mul3A_6 = arith.constant 632 : i32
    %mul3A_7 = arith.muli %arg1, %mul3A_6 : i32
    %add3A = arith.constant 0 : i32
    %add3A_8 = arith.addi %mul3A_7, %add3A : i32
    %run_scoped3A = arith.constant 0 : i32
    "tpu.region"() ({
      %run_scoped3A_184 = tpu.sem_alloc : memref<!tpu.dma_semaphore, #tpu.memory_space<semaphore_mem>>
      %dma_start3A_185 = arith.constant 0 : i32
      %dma_start3A_186 = arith.constant 0 : i32
      %dma_start3A_187 = tpu.memref_slice %arg11[%run_scoped3A, %dma_start3A_185, %dma_start3A_186] : memref<3x128x128xf32, #tpu.memory_space<vmem>> -> memref<1x128x128xf32, #tpu.memory_space<vmem>>
      %dma_start3A_188 = tpu.memref_squeeze %dma_start3A_187 : memref<1x128x128xf32, #tpu.memory_space<vmem>> -> memref<128x128xf32, #tpu.memory_space<vmem>>
      %dma_start3A_189 = arith.constant 0 : i32
      %dma_start3A_190 = tpu.memref_slice %arg12[%add3A_8, %dma_start3A_189] : memref<10112x128xf32, #tpu.memory_space<vmem_shared>> -> memref<128x128xf32, #tpu.memory_space<vmem_shared>>
      %dma_start3A_191 = arith.constant 0 : i32
      %dma_start3A_192 = tpu.memref_slice %arg12[%add3A_8, %dma_start3A_191] : memref<10112x128xf32, #tpu.memory_space<vmem_shared>> -> memref<128x128xf32, #tpu.memory_space<vmem_shared>>
      %dma_start3A_193 = arith.constant 0 : i32
      %dma_start3A_194 = arith.constant 0 : i32
      %dma_start3A_195 = tpu.memref_slice %arg11[%run_scoped3A, %dma_start3A_193, %dma_start3A_194] : memref<3x128x128xf32, #tpu.memory_space<vmem>> -> memref<1x128x128xf32, #tpu.memory_space<vmem>>
      %dma_start3A_196 = tpu.memref_squeeze %dma_start3A_195 : memref<1x128x128xf32, #tpu.memory_space<vmem>> -> memref<128x128xf32, #tpu.memory_space<vmem>>
      tpu.enqueue_dma source(%dma_start3A_196 : memref<128x128xf32, #tpu.memory_space<vmem>>) target(%dma_start3A_192 : memref<128x128xf32, #tpu.memory_space<vmem_shared>>) target_semaphore(%run_scoped3A_184 : memref<!tpu.dma_semaphore, #tpu.memory_space<semaphore_mem>>)
      %dma_wait3A_197 = arith.constant 0 : i32
      %dma_wait3A_198 = arith.constant 0 : i32
      %dma_wait3A_199 = tpu.memref_slice %arg11[%run_scoped3A, %dma_wait3A_197, %dma_wait3A_198] : memref<3x128x128xf32, #tpu.memory_space<vmem>> -> memref<1x128x128xf32, #tpu.memory_space<vmem>>
      %dma_wait3A_200 = tpu.memref_squeeze %dma_wait3A_199 : memref<1x128x128xf32, #tpu.memory_space<vmem>> -> memref<128x128xf32, #tpu.memory_space<vmem>>
      %dma_wait3A_201 = arith.constant 0 : i32
      %dma_wait3A_202 = tpu.memref_slice %arg12[%add3A_8, %dma_wait3A_201] : memref<10112x128xf32, #tpu.memory_space<vmem_shared>> -> memref<128x128xf32, #tpu.memory_space<vmem_shared>>
      %dma_wait3A_203 = arith.constant 0 : i32
      %dma_wait3A_204 = tpu.memref_slice %arg12[%add3A_8, %dma_wait3A_203] : memref<10112x128xf32, #tpu.memory_space<vmem_shared>> -> memref<128x128xf32, #tpu.memory_space<vmem_shared>>
      %dma_wait3A_205 = arith.constant 0 : i32
      %dma_wait3A_206 = arith.constant 0 : i32
      %dma_wait3A_207 = tpu.memref_slice %arg11[%run_scoped3A, %dma_wait3A_205, %dma_wait3A_206] : memref<3x128x128xf32, #tpu.memory_space<vmem>> -> memref<1x128x128xf32, #tpu.memory_space<vmem>>
      %dma_wait3A_208 = tpu.memref_squeeze %dma_wait3A_207 : memref<1x128x128xf32, #tpu.memory_space<vmem>> -> memref<128x128xf32, #tpu.memory_space<vmem>>
      tpu.wait_dma2 semaphore(%run_scoped3A_184 : memref<!tpu.dma_semaphore, #tpu.memory_space<semaphore_mem>>) src(%dma_wait3A_208 : memref<128x128xf32, #tpu.memory_space<vmem>>) dst(%dma_wait3A_204 : memref<128x128xf32, #tpu.memory_space<vmem_shared>>)
      tpu.yield
    }) : () -> ()
    %mul3A_9 = arith.constant 632 : i32
    %mul3A_10 = arith.muli %arg1, %mul3A_9 : i32
    %add3A_11 = arith.constant 128 : i32
    %add3A_12 = arith.addi %mul3A_10, %add3A_11 : i32
    %run_scoped3A_13 = arith.constant 0 : i32
    "tpu.region"() ({
      %run_scoped3A_184 = tpu.sem_alloc : memref<!tpu.dma_semaphore, #tpu.memory_space<semaphore_mem>>
      %dma_start3A_185 = arith.constant 0 : i32
      %dma_start3A_186 = arith.constant 0 : i32
      %dma_start3A_187 = tpu.memref_slice %arg11[%run_scoped3A_13, %dma_start3A_185, %dma_start3A_186] : memref<3x128x128xf32, #tpu.memory_space<vmem>> -> memref<1x128x128xf32, #tpu.memory_space<vmem>>
      %dma_start3A_188 = tpu.memref_squeeze %dma_start3A_187 : memref<1x128x128xf32, #tpu.memory_space<vmem>> -> memref<128x128xf32, #tpu.memory_space<vmem>>
      %dma_start3A_189 = arith.constant 0 : i32
      %dma_start3A_190 = tpu.memref_slice %arg12[%add3A_12, %dma_start3A_189] : memref<10112x128xf32, #tpu.memory_space<vmem_shared>> -> memref<128x128xf32, #tpu.memory_space<vmem_shared>>
      %dma_start3A_191 = arith.constant 0 : i32
      %dma_start3A_192 = tpu.memref_slice %arg12[%add3A_12, %dma_start3A_191] : memref<10112x128xf32, #tpu.memory_space<vmem_shared>> -> memref<128x128xf32, #tpu.memory_space<vmem_shared>>
      %dma_start3A_193 = arith.constant 0 : i32
      %dma_start3A_194 = arith.constant 0 : i32
      %dma_start3A_195 = tpu.memref_slice %arg11[%run_scoped3A_13, %dma_start3A_193, %dma_start3A_194] : memref<3x128x128xf32, #tpu.memory_space<vmem>> -> memref<1x128x128xf32, #tpu.memory_space<vmem>>
      %dma_start3A_196 = tpu.memref_squeeze %dma_start3A_195 : memref<1x128x128xf32, #tpu.memory_space<vmem>> -> memref<128x128xf32, #tpu.memory_space<vmem>>
      tpu.enqueue_dma source(%dma_start3A_196 : memref<128x128xf32, #tpu.memory_space<vmem>>) target(%dma_start3A_192 : memref<128x128xf32, #tpu.memory_space<vmem_shared>>) target_semaphore(%run_scoped3A_184 : memref<!tpu.dma_semaphore, #tpu.memory_space<semaphore_mem>>)
      %dma_wait3A_197 = arith.constant 0 : i32
      %dma_wait3A_198 = arith.constant 0 : i32
      %dma_wait3A_199 = tpu.memref_slice %arg11[%run_scoped3A_13, %dma_wait3A_197, %dma_wait3A_198] : memref<3x128x128xf32, #tpu.memory_space<vmem>> -> memref<1x128x128xf32, #tpu.memory_space<vmem>>
      %dma_wait3A_200 = tpu.memref_squeeze %dma_wait3A_199 : memref<1x128x128xf32, #tpu.memory_space<vmem>> -> memref<128x128xf32, #tpu.memory_space<vmem>>
      %dma_wait3A_201 = arith.constant 0 : i32
      %dma_wait3A_202 = tpu.memref_slice %arg12[%add3A_12, %dma_wait3A_201] : memref<10112x128xf32, #tpu.memory_space<vmem_shared>> -> memref<128x128xf32, #tpu.memory_space<vmem_shared>>
      %dma_wait3A_203 = arith.constant 0 : i32
      %dma_wait3A_204 = tpu.memref_slice %arg12[%add3A_12, %dma_wait3A_203] : memref<10112x128xf32, #tpu.memory_space<vmem_shared>> -> memref<128x128xf32, #tpu.memory_space<vmem_shared>>
      %dma_wait3A_205 = arith.constant 0 : i32
      %dma_wait3A_206 = arith.constant 0 : i32
      %dma_wait3A_207 = tpu.memref_slice %arg11[%run_scoped3A_13, %dma_wait3A_205, %dma_wait3A_206] : memref<3x128x128xf32, #tpu.memory_space<vmem>> -> memref<1x128x128xf32, #tpu.memory_space<vmem>>
      %dma_wait3A_208 = tpu.memref_squeeze %dma_wait3A_207 : memref<1x128x128xf32, #tpu.memory_space<vmem>> -> memref<128x128xf32, #tpu.memory_space<vmem>>
      tpu.wait_dma2 semaphore(%run_scoped3A_184 : memref<!tpu.dma_semaphore, #tpu.memory_space<semaphore_mem>>) src(%dma_wait3A_208 : memref<128x128xf32, #tpu.memory_space<vmem>>) dst(%dma_wait3A_204 : memref<128x128xf32, #tpu.memory_space<vmem_shared>>)
      tpu.yield
    }) : () -> ()
    %mul3A_14 = arith.constant 632 : i32
    %mul3A_15 = arith.muli %arg1, %mul3A_14 : i32
    %add3A_16 = arith.constant 256 : i32
    %add3A_17 = arith.addi %mul3A_15, %add3A_16 : i32
    %run_scoped3A_18 = arith.constant 0 : i32
    "tpu.region"() ({
      %run_scoped3A_184 = tpu.sem_alloc : memref<!tpu.dma_semaphore, #tpu.memory_space<semaphore_mem>>
      %dma_start3A_185 = arith.constant 0 : i32
      %dma_start3A_186 = arith.constant 0 : i32
      %dma_start3A_187 = tpu.memref_slice %arg11[%run_scoped3A_18, %dma_start3A_185, %dma_start3A_186] : memref<3x128x128xf32, #tpu.memory_space<vmem>> -> memref<1x128x128xf32, #tpu.memory_space<vmem>>
      %dma_start3A_188 = tpu.memref_squeeze %dma_start3A_187 : memref<1x128x128xf32, #tpu.memory_space<vmem>> -> memref<128x128xf32, #tpu.memory_space<vmem>>
      %dma_start3A_189 = arith.constant 0 : i32
      %dma_start3A_190 = tpu.memref_slice %arg12[%add3A_17, %dma_start3A_189] : memref<10112x128xf32, #tpu.memory_space<vmem_shared>> -> memref<128x128xf32, #tpu.memory_space<vmem_shared>>
      %dma_start3A_191 = arith.constant 0 : i32
      %dma_start3A_192 = tpu.memref_slice %arg12[%add3A_17, %dma_start3A_191] : memref<10112x128xf32, #tpu.memory_space<vmem_shared>> -> memref<128x128xf32, #tpu.memory_space<vmem_shared>>
      %dma_start3A_193 = arith.constant 0 : i32
      %dma_start3A_194 = arith.constant 0 : i32
      %dma_start3A_195 = tpu.memref_slice %arg11[%run_scoped3A_18, %dma_start3A_193, %dma_start3A_194] : memref<3x128x128xf32, #tpu.memory_space<vmem>> -> memref<1x128x128xf32, #tpu.memory_space<vmem>>
      %dma_start3A_196 = tpu.memref_squeeze %dma_start3A_195 : memref<1x128x128xf32, #tpu.memory_space<vmem>> -> memref<128x128xf32, #tpu.memory_space<vmem>>
      tpu.enqueue_dma source(%dma_start3A_196 : memref<128x128xf32, #tpu.memory_space<vmem>>) target(%dma_start3A_192 : memref<128x128xf32, #tpu.memory_space<vmem_shared>>) target_semaphore(%run_scoped3A_184 : memref<!tpu.dma_semaphore, #tpu.memory_space<semaphore_mem>>)
      %dma_wait3A_197 = arith.constant 0 : i32
      %dma_wait3A_198 = arith.constant 0 : i32
      %dma_wait3A_199 = tpu.memref_slice %arg11[%run_scoped3A_18, %dma_wait3A_197, %dma_wait3A_198] : memref<3x128x128xf32, #tpu.memory_space<vmem>> -> memref<1x128x128xf32, #tpu.memory_space<vmem>>
      %dma_wait3A_200 = tpu.memref_squeeze %dma_wait3A_199 : memref<1x128x128xf32, #tpu.memory_space<vmem>> -> memref<128x128xf32, #tpu.memory_space<vmem>>
      %dma_wait3A_201 = arith.constant 0 : i32
      %dma_wait3A_202 = tpu.memref_slice %arg12[%add3A_17, %dma_wait3A_201] : memref<10112x128xf32, #tpu.memory_space<vmem_shared>> -> memref<128x128xf32, #tpu.memory_space<vmem_shared>>
      %dma_wait3A_203 = arith.constant 0 : i32
      %dma_wait3A_204 = tpu.memref_slice %arg12[%add3A_17, %dma_wait3A_203] : memref<10112x128xf32, #tpu.memory_space<vmem_shared>> -> memref<128x128xf32, #tpu.memory_space<vmem_shared>>
      %dma_wait3A_205 = arith.constant 0 : i32
      %dma_wait3A_206 = arith.constant 0 : i32
      %dma_wait3A_207 = tpu.memref_slice %arg11[%run_scoped3A_18, %dma_wait3A_205, %dma_wait3A_206] : memref<3x128x128xf32, #tpu.memory_space<vmem>> -> memref<1x128x128xf32, #tpu.memory_space<vmem>>
      %dma_wait3A_208 = tpu.memref_squeeze %dma_wait3A_207 : memref<1x128x128xf32, #tpu.memory_space<vmem>> -> memref<128x128xf32, #tpu.memory_space<vmem>>
      tpu.wait_dma2 semaphore(%run_scoped3A_184 : memref<!tpu.dma_semaphore, #tpu.memory_space<semaphore_mem>>) src(%dma_wait3A_208 : memref<128x128xf32, #tpu.memory_space<vmem>>) dst(%dma_wait3A_204 : memref<128x128xf32, #tpu.memory_space<vmem_shared>>)
      tpu.yield
    }) : () -> ()
    %mul3A_19 = arith.constant 632 : i32
    %mul3A_20 = arith.muli %arg1, %mul3A_19 : i32
    %add3A_21 = arith.constant 384 : i32
    %add3A_22 = arith.addi %mul3A_20, %add3A_21 : i32
    %run_scoped3A_23 = arith.constant 0 : i32
    "tpu.region"() ({
      %run_scoped3A_184 = tpu.sem_alloc : memref<!tpu.dma_semaphore, #tpu.memory_space<semaphore_mem>>
      %dma_start3A_185 = arith.constant 0 : i32
      %dma_start3A_186 = arith.constant 0 : i32
      %dma_start3A_187 = tpu.memref_slice %arg11[%run_scoped3A_23, %dma_start3A_185, %dma_start3A_186] : memref<3x128x128xf32, #tpu.memory_space<vmem>> -> memref<1x128x128xf32, #tpu.memory_space<vmem>>
      %dma_start3A_188 = tpu.memref_squeeze %dma_start3A_187 : memref<1x128x128xf32, #tpu.memory_space<vmem>> -> memref<128x128xf32, #tpu.memory_space<vmem>>
      %dma_start3A_189 = arith.constant 0 : i32
      %dma_start3A_190 = tpu.memref_slice %arg12[%add3A_22, %dma_start3A_189] : memref<10112x128xf32, #tpu.memory_space<vmem_shared>> -> memref<128x128xf32, #tpu.memory_space<vmem_shared>>
      %dma_start3A_191 = arith.constant 0 : i32
      %dma_start3A_192 = tpu.memref_slice %arg12[%add3A_22, %dma_start3A_191] : memref<10112x128xf32, #tpu.memory_space<vmem_shared>> -> memref<128x128xf32, #tpu.memory_space<vmem_shared>>
      %dma_start3A_193 = arith.constant 0 : i32
      %dma_start3A_194 = arith.constant 0 : i32
      %dma_start3A_195 = tpu.memref_slice %arg11[%run_scoped3A_23, %dma_start3A_193, %dma_start3A_194] : memref<3x128x128xf32, #tpu.memory_space<vmem>> -> memref<1x128x128xf32, #tpu.memory_space<vmem>>
      %dma_start3A_196 = tpu.memref_squeeze %dma_start3A_195 : memref<1x128x128xf32, #tpu.memory_space<vmem>> -> memref<128x128xf32, #tpu.memory_space<vmem>>
      tpu.enqueue_dma source(%dma_start3A_196 : memref<128x128xf32, #tpu.memory_space<vmem>>) target(%dma_start3A_192 : memref<128x128xf32, #tpu.memory_space<vmem_shared>>) target_semaphore(%run_scoped3A_184 : memref<!tpu.dma_semaphore, #tpu.memory_space<semaphore_mem>>)
      %dma_wait3A_197 = arith.constant 0 : i32
      %dma_wait3A_198 = arith.constant 0 : i32
      %dma_wait3A_199 = tpu.memref_slice %arg11[%run_scoped3A_23, %dma_wait3A_197, %dma_wait3A_198] : memref<3x128x128xf32, #tpu.memory_space<vmem>> -> memref<1x128x128xf32, #tpu.memory_space<vmem>>
      %dma_wait3A_200 = tpu.memref_squeeze %dma_wait3A_199 : memref<1x128x128xf32, #tpu.memory_space<vmem>> -> memref<128x128xf32, #tpu.memory_space<vmem>>
      %dma_wait3A_201 = arith.constant 0 : i32
      %dma_wait3A_202 = tpu.memref_slice %arg12[%add3A_22, %dma_wait3A_201] : memref<10112x128xf32, #tpu.memory_space<vmem_shared>> -> memref<128x128xf32, #tpu.memory_space<vmem_shared>>
      %dma_wait3A_203 = arith.constant 0 : i32
      %dma_wait3A_204 = tpu.memref_slice %arg12[%add3A_22, %dma_wait3A_203] : memref<10112x128xf32, #tpu.memory_space<vmem_shared>> -> memref<128x128xf32, #tpu.memory_space<vmem_shared>>
      %dma_wait3A_205 = arith.constant 0 : i32
      %dma_wait3A_206 = arith.constant 0 : i32
      %dma_wait3A_207 = tpu.memref_slice %arg11[%run_scoped3A_23, %dma_wait3A_205, %dma_wait3A_206] : memref<3x128x128xf32, #tpu.memory_space<vmem>> -> memref<1x128x128xf32, #tpu.memory_space<vmem>>
      %dma_wait3A_208 = tpu.memref_squeeze %dma_wait3A_207 : memref<1x128x128xf32, #tpu.memory_space<vmem>> -> memref<128x128xf32, #tpu.memory_space<vmem>>
      tpu.wait_dma2 semaphore(%run_scoped3A_184 : memref<!tpu.dma_semaphore, #tpu.memory_space<semaphore_mem>>) src(%dma_wait3A_208 : memref<128x128xf32, #tpu.memory_space<vmem>>) dst(%dma_wait3A_204 : memref<128x128xf32, #tpu.memory_space<vmem_shared>>)
      tpu.yield
    }) : () -> ()
    %mul3A_24 = arith.constant 632 : i32
    %mul3A_25 = arith.muli %arg1, %mul3A_24 : i32
    %add3A_26 = arith.constant 512 : i32
    %add3A_27 = arith.addi %mul3A_25, %add3A_26 : i32
    %run_scoped3A_28 = arith.constant 0 : i32
    "tpu.region"() ({
      %run_scoped3A_184 = tpu.sem_alloc : memref<!tpu.dma_semaphore, #tpu.memory_space<semaphore_mem>>
      %dma_start3A_185 = arith.constant 0 : i32
      %dma_start3A_186 = arith.constant 0 : i32
      %dma_start3A_187 = tpu.memref_slice %arg11[%run_scoped3A_28, %dma_start3A_185, %dma_start3A_186] : memref<3x128x128xf32, #tpu.memory_space<vmem>> -> memref<1x120x128xf32, #tpu.memory_space<vmem>>
      %dma_start3A_188 = tpu.memref_squeeze %dma_start3A_187 : memref<1x120x128xf32, #tpu.memory_space<vmem>> -> memref<120x128xf32, #tpu.memory_space<vmem>>
      %dma_start3A_189 = arith.constant 0 : i32
      %dma_start3A_190 = tpu.memref_slice %arg12[%add3A_27, %dma_start3A_189] : memref<10112x128xf32, #tpu.memory_space<vmem_shared>> -> memref<120x128xf32, #tpu.memory_space<vmem_shared>>
      %dma_start3A_191 = arith.constant 0 : i32
      %dma_start3A_192 = tpu.memref_slice %arg12[%add3A_27, %dma_start3A_191] : memref<10112x128xf32, #tpu.memory_space<vmem_shared>> -> memref<120x128xf32, #tpu.memory_space<vmem_shared>>
      %dma_start3A_193 = arith.constant 0 : i32
      %dma_start3A_194 = arith.constant 0 : i32
      %dma_start3A_195 = tpu.memref_slice %arg11[%run_scoped3A_28, %dma_start3A_193, %dma_start3A_194] : memref<3x128x128xf32, #tpu.memory_space<vmem>> -> memref<1x120x128xf32, #tpu.memory_space<vmem>>
      %dma_start3A_196 = tpu.memref_squeeze %dma_start3A_195 : memref<1x120x128xf32, #tpu.memory_space<vmem>> -> memref<120x128xf32, #tpu.memory_space<vmem>>
      tpu.enqueue_dma source(%dma_start3A_196 : memref<120x128xf32, #tpu.memory_space<vmem>>) target(%dma_start3A_192 : memref<120x128xf32, #tpu.memory_space<vmem_shared>>) target_semaphore(%run_scoped3A_184 : memref<!tpu.dma_semaphore, #tpu.memory_space<semaphore_mem>>)
      %dma_wait3A_197 = arith.constant 0 : i32
      %dma_wait3A_198 = arith.constant 0 : i32
      %dma_wait3A_199 = tpu.memref_slice %arg11[%run_scoped3A_28, %dma_wait3A_197, %dma_wait3A_198] : memref<3x128x128xf32, #tpu.memory_space<vmem>> -> memref<1x120x128xf32, #tpu.memory_space<vmem>>
      %dma_wait3A_200 = tpu.memref_squeeze %dma_wait3A_199 : memref<1x120x128xf32, #tpu.memory_space<vmem>> -> memref<120x128xf32, #tpu.memory_space<vmem>>
      %dma_wait3A_201 = arith.constant 0 : i32
      %dma_wait3A_202 = tpu.memref_slice %arg12[%add3A_27, %dma_wait3A_201] : memref<10112x128xf32, #tpu.memory_space<vmem_shared>> -> memref<120x128xf32, #tpu.memory_space<vmem_shared>>
      %dma_wait3A_203 = arith.constant 0 : i32
      %dma_wait3A_204 = tpu.memref_slice %arg12[%add3A_27, %dma_wait3A_203] : memref<10112x128xf32, #tpu.memory_space<vmem_shared>> -> memref<120x128xf32, #tpu.memory_space<vmem_shared>>
      %dma_wait3A_205 = arith.constant 0 : i32
      %dma_wait3A_206 = arith.constant 0 : i32
      %dma_wait3A_207 = tpu.memref_slice %arg11[%run_scoped3A_28, %dma_wait3A_205, %dma_wait3A_206] : memref<3x128x128xf32, #tpu.memory_space<vmem>> -> memref<1x120x128xf32, #tpu.memory_space<vmem>>
      %dma_wait3A_208 = tpu.memref_squeeze %dma_wait3A_207 : memref<1x120x128xf32, #tpu.memory_space<vmem>> -> memref<120x128xf32, #tpu.memory_space<vmem>>
      tpu.wait_dma2 semaphore(%run_scoped3A_184 : memref<!tpu.dma_semaphore, #tpu.memory_space<semaphore_mem>>) src(%dma_wait3A_208 : memref<120x128xf32, #tpu.memory_space<vmem>>) dst(%dma_wait3A_204 : memref<120x128xf32, #tpu.memory_space<vmem_shared>>)
      tpu.yield
    }) : () -> ()
    %barrier3A = arith.constant 0 : index
    tpu.barrier barrier_id(%barrier3A)
    %add3A_29 = arith.constant 0 : i32
    %add3A_30 = arith.addi %mul3A_0, %add3A_29 : i32
    %dma_start3A = arith.constant 0 : i32
    %dma_start3A_31 = arith.constant 0 : i32
    %dma_start3A_32 = arith.constant 0 : i32
    %dma_start3A_33 = tpu.memref_slice %arg10[%dma_start3A, %dma_start3A_31, %dma_start3A_32] : memref<3x2x128xi32, #tpu.memory_space<vmem>> -> memref<1x2x128xi32, #tpu.memory_space<vmem>>
    %dma_start3A_34 = tpu.memref_squeeze %dma_start3A_33 : memref<1x2x128xi32, #tpu.memory_space<vmem>> -> memref<2x128xi32, #tpu.memory_space<vmem>>
    %dma_start3A_35 = arith.constant 0 : i32
    %dma_start3A_36 = tpu.memref_slice %arg2[%dma_start3A_35, %add3A_30] : memref<2x331776xi32, #tpu.memory_space<hbm>> -> memref<2x128xi32, #tpu.memory_space<hbm>>
    %dma_start3A_37 = arith.constant 0 : i32
    %dma_start3A_38 = arith.constant 0 : i32
    %dma_start3A_39 = tpu.memref_slice %arg10[%dma_start3A, %dma_start3A_37, %dma_start3A_38] : memref<3x2x128xi32, #tpu.memory_space<vmem>> -> memref<1x2x128xi32, #tpu.memory_space<vmem>>
    %dma_start3A_40 = tpu.memref_squeeze %dma_start3A_39 : memref<1x2x128xi32, #tpu.memory_space<vmem>> -> memref<2x128xi32, #tpu.memory_space<vmem>>
    %dma_start3A_41 = arith.constant 0 : i32
    %dma_start3A_42 = tpu.memref_slice %arg2[%dma_start3A_41, %add3A_30] : memref<2x331776xi32, #tpu.memory_space<hbm>> -> memref<2x128xi32, #tpu.memory_space<hbm>>
    tpu.enqueue_dma source(%dma_start3A_42 : memref<2x128xi32, #tpu.memory_space<hbm>>) target(%dma_start3A_40 : memref<2x128xi32, #tpu.memory_space<vmem>>) target_semaphore(%arg13 : memref<!tpu.dma_semaphore, #tpu.memory_space<semaphore_mem>>)
    %eq3A = arith.constant 0 : i32
    %eq3A_43 = arith.cmpi eq, %arg0, %eq3A : i32
    %convert_element_type3A = arith.extui %eq3A_43 : i1 to i32
    %cond3A = arith.constant 0 : i32
    %cond3A_44 = arith.cmpi ne, %convert_element_type3A, %cond3A : i32
    scf.if %cond3A_44 {
      %dma_start3A_184 = arith.constant 0 : i32
      %dma_start3A_185 = arith.constant 0 : i32
      %dma_start3A_186 = arith.constant 0 : i32
      %dma_start3A_187 = tpu.memref_slice %arg11[%dma_start3A_184, %dma_start3A_185, %dma_start3A_186] : memref<3x128x128xf32, #tpu.memory_space<vmem>> -> memref<1x128x128xf32, #tpu.memory_space<vmem>>
      %dma_start3A_188 = tpu.memref_squeeze %dma_start3A_187 : memref<1x128x128xf32, #tpu.memory_space<vmem>> -> memref<128x128xf32, #tpu.memory_space<vmem>>
      %dma_start3A_189 = arith.constant 0 : i32
      %dma_start3A_190 = tpu.memref_slice %arg5[%add3A_30, %dma_start3A_189] : memref<331776x128xf32, #tpu.memory_space<hbm>> -> memref<128x128xf32, #tpu.memory_space<hbm>>
      %dma_start3A_191 = arith.constant 0 : i32
      %dma_start3A_192 = arith.constant 0 : i32
      %dma_start3A_193 = tpu.memref_slice %arg11[%dma_start3A_184, %dma_start3A_191, %dma_start3A_192] : memref<3x128x128xf32, #tpu.memory_space<vmem>> -> memref<1x128x128xf32, #tpu.memory_space<vmem>>
      %dma_start3A_194 = tpu.memref_squeeze %dma_start3A_193 : memref<1x128x128xf32, #tpu.memory_space<vmem>> -> memref<128x128xf32, #tpu.memory_space<vmem>>
      %dma_start3A_195 = arith.constant 0 : i32
      %dma_start3A_196 = tpu.memref_slice %arg5[%add3A_30, %dma_start3A_195] : memref<331776x128xf32, #tpu.memory_space<hbm>> -> memref<128x128xf32, #tpu.memory_space<hbm>>
      tpu.enqueue_dma source(%dma_start3A_196 : memref<128x128xf32, #tpu.memory_space<hbm>>) target(%dma_start3A_194 : memref<128x128xf32, #tpu.memory_space<vmem>>) target_semaphore(%arg16 : memref<!tpu.dma_semaphore, #tpu.memory_space<semaphore_mem>>)
    } else {
    }
    %eq3A_45 = arith.constant 1 : i32
    %eq3A_46 = arith.cmpi eq, %arg0, %eq3A_45 : i32
    %convert_element_type3A_47 = arith.extui %eq3A_46 : i1 to i32
    %cond3A_48 = arith.constant 0 : i32
    %cond3A_49 = arith.cmpi ne, %convert_element_type3A_47, %cond3A_48 : i32
    scf.if %cond3A_49 {
      %dma_start3A_184 = arith.constant 0 : i32
      %dma_start3A_185 = arith.constant 0 : i32
      %dma_start3A_186 = arith.constant 0 : i32
      %dma_start3A_187 = tpu.memref_slice %arg11[%dma_start3A_184, %dma_start3A_185, %dma_start3A_186] : memref<3x128x128xf32, #tpu.memory_space<vmem>> -> memref<1x128x128xf32, #tpu.memory_space<vmem>>
      %dma_start3A_188 = tpu.memref_squeeze %dma_start3A_187 : memref<1x128x128xf32, #tpu.memory_space<vmem>> -> memref<128x128xf32, #tpu.memory_space<vmem>>
      %dma_start3A_189 = arith.constant 0 : i32
      %dma_start3A_190 = tpu.memref_slice %arg8[%add3A_30, %dma_start3A_189] : memref<331776x128xf32, #tpu.memory_space<hbm>> -> memref<128x128xf32, #tpu.memory_space<hbm>>
      %dma_start3A_191 = arith.constant 0 : i32
      %dma_start3A_192 = arith.constant 0 : i32
      %dma_start3A_193 = tpu.memref_slice %arg11[%dma_start3A_184, %dma_start3A_191, %dma_start3A_192] : memref<3x128x128xf32, #tpu.memory_space<vmem>> -> memref<1x128x128xf32, #tpu.memory_space<vmem>>
      %dma_start3A_194 = tpu.memref_squeeze %dma_start3A_193 : memref<1x128x128xf32, #tpu.memory_space<vmem>> -> memref<128x128xf32, #tpu.memory_space<vmem>>
      %dma_start3A_195 = arith.constant 0 : i32
      %dma_start3A_196 = tpu.memref_slice %arg8[%add3A_30, %dma_start3A_195] : memref<331776x128xf32, #tpu.memory_space<hbm>> -> memref<128x128xf32, #tpu.memory_space<hbm>>
      tpu.enqueue_dma source(%dma_start3A_196 : memref<128x128xf32, #tpu.memory_space<hbm>>) target(%dma_start3A_194 : memref<128x128xf32, #tpu.memory_space<vmem>>) target_semaphore(%arg16 : memref<!tpu.dma_semaphore, #tpu.memory_space<semaphore_mem>>)
    } else {
    }
    %add3A_50 = arith.constant 128 : i32
    %add3A_51 = arith.addi %mul3A_0, %add3A_50 : i32
    %dma_start3A_52 = arith.constant 1 : i32
    %dma_start3A_53 = arith.constant 0 : i32
    %dma_start3A_54 = arith.constant 0 : i32
    %dma_start3A_55 = tpu.memref_slice %arg10[%dma_start3A_52, %dma_start3A_53, %dma_start3A_54] : memref<3x2x128xi32, #tpu.memory_space<vmem>> -> memref<1x2x128xi32, #tpu.memory_space<vmem>>
    %dma_start3A_56 = tpu.memref_squeeze %dma_start3A_55 : memref<1x2x128xi32, #tpu.memory_space<vmem>> -> memref<2x128xi32, #tpu.memory_space<vmem>>
    %dma_start3A_57 = arith.constant 0 : i32
    %dma_start3A_58 = tpu.memref_slice %arg2[%dma_start3A_57, %add3A_51] : memref<2x331776xi32, #tpu.memory_space<hbm>> -> memref<2x128xi32, #tpu.memory_space<hbm>>
    %dma_start3A_59 = arith.constant 0 : i32
    %dma_start3A_60 = arith.constant 0 : i32
    %dma_start3A_61 = tpu.memref_slice %arg10[%dma_start3A_52, %dma_start3A_59, %dma_start3A_60] : memref<3x2x128xi32, #tpu.memory_space<vmem>> -> memref<1x2x128xi32, #tpu.memory_space<vmem>>
    %dma_start3A_62 = tpu.memref_squeeze %dma_start3A_61 : memref<1x2x128xi32, #tpu.memory_space<vmem>> -> memref<2x128xi32, #tpu.memory_space<vmem>>
    %dma_start3A_63 = arith.constant 0 : i32
    %dma_start3A_64 = tpu.memref_slice %arg2[%dma_start3A_63, %add3A_51] : memref<2x331776xi32, #tpu.memory_space<hbm>> -> memref<2x128xi32, #tpu.memory_space<hbm>>
    tpu.enqueue_dma source(%dma_start3A_64 : memref<2x128xi32, #tpu.memory_space<hbm>>) target(%dma_start3A_62 : memref<2x128xi32, #tpu.memory_space<vmem>>) target_semaphore(%arg14 : memref<!tpu.dma_semaphore, #tpu.memory_space<semaphore_mem>>)
    %eq3A_65 = arith.constant 0 : i32
    %eq3A_66 = arith.cmpi eq, %arg0, %eq3A_65 : i32
    %convert_element_type3A_67 = arith.extui %eq3A_66 : i1 to i32
    %cond3A_68 = arith.constant 0 : i32
    %cond3A_69 = arith.cmpi ne, %convert_element_type3A_67, %cond3A_68 : i32
    scf.if %cond3A_69 {
      %dma_start3A_184 = arith.constant 1 : i32
      %dma_start3A_185 = arith.constant 0 : i32
      %dma_start3A_186 = arith.constant 0 : i32
      %dma_start3A_187 = tpu.memref_slice %arg11[%dma_start3A_184, %dma_start3A_185, %dma_start3A_186] : memref<3x128x128xf32, #tpu.memory_space<vmem>> -> memref<1x128x128xf32, #tpu.memory_space<vmem>>
      %dma_start3A_188 = tpu.memref_squeeze %dma_start3A_187 : memref<1x128x128xf32, #tpu.memory_space<vmem>> -> memref<128x128xf32, #tpu.memory_space<vmem>>
      %dma_start3A_189 = arith.constant 0 : i32
      %dma_start3A_190 = tpu.memref_slice %arg5[%add3A_51, %dma_start3A_189] : memref<331776x128xf32, #tpu.memory_space<hbm>> -> memref<128x128xf32, #tpu.memory_space<hbm>>
      %dma_start3A_191 = arith.constant 0 : i32
      %dma_start3A_192 = arith.constant 0 : i32
      %dma_start3A_193 = tpu.memref_slice %arg11[%dma_start3A_184, %dma_start3A_191, %dma_start3A_192] : memref<3x128x128xf32, #tpu.memory_space<vmem>> -> memref<1x128x128xf32, #tpu.memory_space<vmem>>
      %dma_start3A_194 = tpu.memref_squeeze %dma_start3A_193 : memref<1x128x128xf32, #tpu.memory_space<vmem>> -> memref<128x128xf32, #tpu.memory_space<vmem>>
      %dma_start3A_195 = arith.constant 0 : i32
      %dma_start3A_196 = tpu.memref_slice %arg5[%add3A_51, %dma_start3A_195] : memref<331776x128xf32, #tpu.memory_space<hbm>> -> memref<128x128xf32, #tpu.memory_space<hbm>>
      tpu.enqueue_dma source(%dma_start3A_196 : memref<128x128xf32, #tpu.memory_space<hbm>>) target(%dma_start3A_194 : memref<128x128xf32, #tpu.memory_space<vmem>>) target_semaphore(%arg17 : memref<!tpu.dma_semaphore, #tpu.memory_space<semaphore_mem>>)
    } else {
    }
    %eq3A_70 = arith.constant 1 : i32
    %eq3A_71 = arith.cmpi eq, %arg0, %eq3A_70 : i32
    %convert_element_type3A_72 = arith.extui %eq3A_71 : i1 to i32
    %cond3A_73 = arith.constant 0 : i32
    %cond3A_74 = arith.cmpi ne, %convert_element_type3A_72, %cond3A_73 : i32
    scf.if %cond3A_74 {
      %dma_start3A_184 = arith.constant 1 : i32
      %dma_start3A_185 = arith.constant 0 : i32
      %dma_start3A_186 = arith.constant 0 : i32
      %dma_start3A_187 = tpu.memref_slice %arg11[%dma_start3A_184, %dma_start3A_185, %dma_start3A_186] : memref<3x128x128xf32, #tpu.memory_space<vmem>> -> memref<1x128x128xf32, #tpu.memory_space<vmem>>
      %dma_start3A_188 = tpu.memref_squeeze %dma_start3A_187 : memref<1x128x128xf32, #tpu.memory_space<vmem>> -> memref<128x128xf32, #tpu.memory_space<vmem>>
      %dma_start3A_189 = arith.constant 0 : i32
      %dma_start3A_190 = tpu.memref_slice %arg8[%add3A_51, %dma_start3A_189] : memref<331776x128xf32, #tpu.memory_space<hbm>> -> memref<128x128xf32, #tpu.memory_space<hbm>>
      %dma_start3A_191 = arith.constant 0 : i32
      %dma_start3A_192 = arith.constant 0 : i32
      %dma_start3A_193 = tpu.memref_slice %arg11[%dma_start3A_184, %dma_start3A_191, %dma_start3A_192] : memref<3x128x128xf32, #tpu.memory_space<vmem>> -> memref<1x128x128xf32, #tpu.memory_space<vmem>>
      %dma_start3A_194 = tpu.memref_squeeze %dma_start3A_193 : memref<1x128x128xf32, #tpu.memory_space<vmem>> -> memref<128x128xf32, #tpu.memory_space<vmem>>
      %dma_start3A_195 = arith.constant 0 : i32
      %dma_start3A_196 = tpu.memref_slice %arg8[%add3A_51, %dma_start3A_195] : memref<331776x128xf32, #tpu.memory_space<hbm>> -> memref<128x128xf32, #tpu.memory_space<hbm>>
      tpu.enqueue_dma source(%dma_start3A_196 : memref<128x128xf32, #tpu.memory_space<hbm>>) target(%dma_start3A_194 : memref<128x128xf32, #tpu.memory_space<vmem>>) target_semaphore(%arg17 : memref<!tpu.dma_semaphore, #tpu.memory_space<semaphore_mem>>)
    } else {
    }
    %add3A_75 = arith.constant 256 : i32
    %add3A_76 = arith.addi %mul3A_0, %add3A_75 : i32
    %dma_start3A_77 = arith.constant 2 : i32
    %dma_start3A_78 = arith.constant 0 : i32
    %dma_start3A_79 = arith.constant 0 : i32
    %dma_start3A_80 = tpu.memref_slice %arg10[%dma_start3A_77, %dma_start3A_78, %dma_start3A_79] : memref<3x2x128xi32, #tpu.memory_space<vmem>> -> memref<1x2x128xi32, #tpu.memory_space<vmem>>
    %dma_start3A_81 = tpu.memref_squeeze %dma_start3A_80 : memref<1x2x128xi32, #tpu.memory_space<vmem>> -> memref<2x128xi32, #tpu.memory_space<vmem>>
    %dma_start3A_82 = arith.constant 0 : i32
    %dma_start3A_83 = tpu.memref_slice %arg2[%dma_start3A_82, %add3A_76] : memref<2x331776xi32, #tpu.memory_space<hbm>> -> memref<2x128xi32, #tpu.memory_space<hbm>>
    %dma_start3A_84 = arith.constant 0 : i32
    %dma_start3A_85 = arith.constant 0 : i32
    %dma_start3A_86 = tpu.memref_slice %arg10[%dma_start3A_77, %dma_start3A_84, %dma_start3A_85] : memref<3x2x128xi32, #tpu.memory_space<vmem>> -> memref<1x2x128xi32, #tpu.memory_space<vmem>>
    %dma_start3A_87 = tpu.memref_squeeze %dma_start3A_86 : memref<1x2x128xi32, #tpu.memory_space<vmem>> -> memref<2x128xi32, #tpu.memory_space<vmem>>
    %dma_start3A_88 = arith.constant 0 : i32
    %dma_start3A_89 = tpu.memref_slice %arg2[%dma_start3A_88, %add3A_76] : memref<2x331776xi32, #tpu.memory_space<hbm>> -> memref<2x128xi32, #tpu.memory_space<hbm>>
    tpu.enqueue_dma source(%dma_start3A_89 : memref<2x128xi32, #tpu.memory_space<hbm>>) target(%dma_start3A_87 : memref<2x128xi32, #tpu.memory_space<vmem>>) target_semaphore(%arg15 : memref<!tpu.dma_semaphore, #tpu.memory_space<semaphore_mem>>)
    %eq3A_90 = arith.constant 0 : i32
    %eq3A_91 = arith.cmpi eq, %arg0, %eq3A_90 : i32
    %convert_element_type3A_92 = arith.extui %eq3A_91 : i1 to i32
    %cond3A_93 = arith.constant 0 : i32
    %cond3A_94 = arith.cmpi ne, %convert_element_type3A_92, %cond3A_93 : i32
    scf.if %cond3A_94 {
      %dma_start3A_184 = arith.constant 2 : i32
      %dma_start3A_185 = arith.constant 0 : i32
      %dma_start3A_186 = arith.constant 0 : i32
      %dma_start3A_187 = tpu.memref_slice %arg11[%dma_start3A_184, %dma_start3A_185, %dma_start3A_186] : memref<3x128x128xf32, #tpu.memory_space<vmem>> -> memref<1x128x128xf32, #tpu.memory_space<vmem>>
      %dma_start3A_188 = tpu.memref_squeeze %dma_start3A_187 : memref<1x128x128xf32, #tpu.memory_space<vmem>> -> memref<128x128xf32, #tpu.memory_space<vmem>>
      %dma_start3A_189 = arith.constant 0 : i32
      %dma_start3A_190 = tpu.memref_slice %arg5[%add3A_76, %dma_start3A_189] : memref<331776x128xf32, #tpu.memory_space<hbm>> -> memref<128x128xf32, #tpu.memory_space<hbm>>
      %dma_start3A_191 = arith.constant 0 : i32
      %dma_start3A_192 = arith.constant 0 : i32
      %dma_start3A_193 = tpu.memref_slice %arg11[%dma_start3A_184, %dma_start3A_191, %dma_start3A_192] : memref<3x128x128xf32, #tpu.memory_space<vmem>> -> memref<1x128x128xf32, #tpu.memory_space<vmem>>
      %dma_start3A_194 = tpu.memref_squeeze %dma_start3A_193 : memref<1x128x128xf32, #tpu.memory_space<vmem>> -> memref<128x128xf32, #tpu.memory_space<vmem>>
      %dma_start3A_195 = arith.constant 0 : i32
      %dma_start3A_196 = tpu.memref_slice %arg5[%add3A_76, %dma_start3A_195] : memref<331776x128xf32, #tpu.memory_space<hbm>> -> memref<128x128xf32, #tpu.memory_space<hbm>>
      tpu.enqueue_dma source(%dma_start3A_196 : memref<128x128xf32, #tpu.memory_space<hbm>>) target(%dma_start3A_194 : memref<128x128xf32, #tpu.memory_space<vmem>>) target_semaphore(%arg18 : memref<!tpu.dma_semaphore, #tpu.memory_space<semaphore_mem>>)
    } else {
    }
    %eq3A_95 = arith.constant 1 : i32
    %eq3A_96 = arith.cmpi eq, %arg0, %eq3A_95 : i32
    %convert_element_type3A_97 = arith.extui %eq3A_96 : i1 to i32
    %cond3A_98 = arith.constant 0 : i32
    %cond3A_99 = arith.cmpi ne, %convert_element_type3A_97, %cond3A_98 : i32
    scf.if %cond3A_99 {
      %dma_start3A_184 = arith.constant 2 : i32
      %dma_start3A_185 = arith.constant 0 : i32
      %dma_start3A_186 = arith.constant 0 : i32
      %dma_start3A_187 = tpu.memref_slice %arg11[%dma_start3A_184, %dma_start3A_185, %dma_start3A_186] : memref<3x128x128xf32, #tpu.memory_space<vmem>> -> memref<1x128x128xf32, #tpu.memory_space<vmem>>
      %dma_start3A_188 = tpu.memref_squeeze %dma_start3A_187 : memref<1x128x128xf32, #tpu.memory_space<vmem>> -> memref<128x128xf32, #tpu.memory_space<vmem>>
      %dma_start3A_189 = arith.constant 0 : i32
      %dma_start3A_190 = tpu.memref_slice %arg8[%add3A_76, %dma_start3A_189] : memref<331776x128xf32, #tpu.memory_space<hbm>> -> memref<128x128xf32, #tpu.memory_space<hbm>>
      %dma_start3A_191 = arith.constant 0 : i32
      %dma_start3A_192 = arith.constant 0 : i32
      %dma_start3A_193 = tpu.memref_slice %arg11[%dma_start3A_184, %dma_start3A_191, %dma_start3A_192] : memref<3x128x128xf32, #tpu.memory_space<vmem>> -> memref<1x128x128xf32, #tpu.memory_space<vmem>>
      %dma_start3A_194 = tpu.memref_squeeze %dma_start3A_193 : memref<1x128x128xf32, #tpu.memory_space<vmem>> -> memref<128x128xf32, #tpu.memory_space<vmem>>
      %dma_start3A_195 = arith.constant 0 : i32
      %dma_start3A_196 = tpu.memref_slice %arg8[%add3A_76, %dma_start3A_195] : memref<331776x128xf32, #tpu.memory_space<hbm>> -> memref<128x128xf32, #tpu.memory_space<hbm>>
      tpu.enqueue_dma source(%dma_start3A_196 : memref<128x128xf32, #tpu.memory_space<hbm>>) target(%dma_start3A_194 : memref<128x128xf32, #tpu.memory_space<vmem>>) target_semaphore(%arg18 : memref<!tpu.dma_semaphore, #tpu.memory_space<semaphore_mem>>)
    } else {
    }
    %dma_wait3A = arith.constant 0 : i32
    %dma_wait3A_100 = arith.constant 0 : i32
    %dma_wait3A_101 = arith.constant 0 : i32
    %dma_wait3A_102 = tpu.memref_slice %arg10[%dma_wait3A, %dma_wait3A_100, %dma_wait3A_101] : memref<3x2x128xi32, #tpu.memory_space<vmem>> -> memref<1x2x128xi32, #tpu.memory_space<vmem>>
    %dma_wait3A_103 = tpu.memref_squeeze %dma_wait3A_102 : memref<1x2x128xi32, #tpu.memory_space<vmem>> -> memref<2x128xi32, #tpu.memory_space<vmem>>
    %dma_wait3A_104 = arith.constant 0 : i32
    %dma_wait3A_105 = tpu.memref_slice %arg2[%dma_wait3A_104, %mul3A_0] : memref<2x331776xi32, #tpu.memory_space<hbm>> -> memref<2x128xi32, #tpu.memory_space<hbm>>
    %dma_wait3A_106 = arith.constant 0 : i32
    %dma_wait3A_107 = arith.constant 0 : i32
    %dma_wait3A_108 = tpu.memref_slice %arg10[%dma_wait3A, %dma_wait3A_106, %dma_wait3A_107] : memref<3x2x128xi32, #tpu.memory_space<vmem>> -> memref<1x2x128xi32, #tpu.memory_space<vmem>>
    %dma_wait3A_109 = tpu.memref_squeeze %dma_wait3A_108 : memref<1x2x128xi32, #tpu.memory_space<vmem>> -> memref<2x128xi32, #tpu.memory_space<vmem>>
    %dma_wait3A_110 = arith.constant 0 : i32
    %dma_wait3A_111 = tpu.memref_slice %arg2[%dma_wait3A_110, %mul3A_0] : memref<2x331776xi32, #tpu.memory_space<hbm>> -> memref<2x128xi32, #tpu.memory_space<hbm>>
    tpu.wait_dma2 semaphore(%arg13 : memref<!tpu.dma_semaphore, #tpu.memory_space<semaphore_mem>>) src(%dma_wait3A_111 : memref<2x128xi32, #tpu.memory_space<hbm>>) dst(%dma_wait3A_109 : memref<2x128xi32, #tpu.memory_space<vmem>>)
    %dma_wait3A_112 = arith.constant 0 : i32
    %dma_wait3A_113 = arith.constant 0 : i32
    %dma_wait3A_114 = arith.constant 0 : i32
    %dma_wait3A_115 = tpu.memref_slice %arg11[%dma_wait3A_112, %dma_wait3A_113, %dma_wait3A_114] : memref<3x128x128xf32, #tpu.memory_space<vmem>> -> memref<1x128x128xf32, #tpu.memory_space<vmem>>
    %dma_wait3A_116 = tpu.memref_squeeze %dma_wait3A_115 : memref<1x128x128xf32, #tpu.memory_space<vmem>> -> memref<128x128xf32, #tpu.memory_space<vmem>>
    %dma_wait3A_117 = arith.constant 0 : i32
    %dma_wait3A_118 = tpu.memref_slice %arg5[%mul3A_0, %dma_wait3A_117] : memref<331776x128xf32, #tpu.memory_space<hbm>> -> memref<128x128xf32, #tpu.memory_space<hbm>>
    %dma_wait3A_119 = arith.constant 0 : i32
    %dma_wait3A_120 = arith.constant 0 : i32
    %dma_wait3A_121 = tpu.memref_slice %arg11[%dma_wait3A_112, %dma_wait3A_119, %dma_wait3A_120] : memref<3x128x128xf32, #tpu.memory_space<vmem>> -> memref<1x128x128xf32, #tpu.memory_space<vmem>>
    %dma_wait3A_122 = tpu.memref_squeeze %dma_wait3A_121 : memref<1x128x128xf32, #tpu.memory_space<vmem>> -> memref<128x128xf32, #tpu.memory_space<vmem>>
    %dma_wait3A_123 = arith.constant 0 : i32
    %dma_wait3A_124 = tpu.memref_slice %arg5[%mul3A_0, %dma_wait3A_123] : memref<331776x128xf32, #tpu.memory_space<hbm>> -> memref<128x128xf32, #tpu.memory_space<hbm>>
    tpu.wait_dma2 semaphore(%arg16 : memref<!tpu.dma_semaphore, #tpu.memory_space<semaphore_mem>>) src(%dma_wait3A_124 : memref<128x128xf32, #tpu.memory_space<hbm>>) dst(%dma_wait3A_122 : memref<128x128xf32, #tpu.memory_space<vmem>>)
    %eq3A_125 = arith.constant 0 : i32
    %eq3A_126 = arith.cmpi eq, %arg0, %eq3A_125 : i32
    %convert_element_type3A_127 = arith.extui %eq3A_126 : i1 to i32
    %cond3A_128 = arith.constant 0 : i32
    %cond3A_129 = arith.cmpi ne, %convert_element_type3A_127, %cond3A_128 : i32
    scf.if %cond3A_129 {
      %dma_start3A_184 = arith.constant 0 : i32
      %dma_start3A_185 = arith.constant 0 : i32
      %dma_start3A_186 = arith.constant 0 : i32
      %dma_start3A_187 = arith.constant 0 : i32
      %dma_start3A_188 = arith.constant 0 : i32
      %dma_start3A_189 = tpu.memref_slice %arg11[%dma_start3A_186, %dma_start3A_187, %dma_start3A_188] : memref<3x128x128xf32, #tpu.memory_space<vmem>> -> memref<1x128x128xf32, #tpu.memory_space<vmem>>
      %dma_start3A_190 = tpu.memref_squeeze %dma_start3A_189 : memref<1x128x128xf32, #tpu.memory_space<vmem>> -> memref<128x128xf32, #tpu.memory_space<vmem>>
      %dma_start3A_191 = arith.constant 0 : i32
      %dma_start3A_192 = tpu.memref_slice %arg10[%dma_start3A_184, %dma_start3A_185, %dma_start3A_191] : memref<3x2x128xi32, #tpu.memory_space<vmem>> -> memref<1x1x128xi32, #tpu.memory_space<vmem>>
      %dma_start3A_193 = tpu.memref_squeeze %dma_start3A_192 : memref<1x1x128xi32, #tpu.memory_space<vmem>> -> memref<128xi32, #tpu.memory_space<vmem>>
      %dma_start3A_194 = arith.constant 0 : i32
      %dma_start3A_195 = arith.constant 0 : i32
      %dma_start3A_196 = tpu.memref_slice %arg3[%dma_start3A_194, %dma_start3A_195] : memref<10000x128xf32, #tpu.memory_space<hbm>> -> memref<10000x128xf32, #tpu.memory_space<hbm>>
      tpu.enqueue_indirect_dma source(%dma_start3A_196 : memref<10000x128xf32, #tpu.memory_space<hbm>>) target(%dma_start3A_190 : memref<128x128xf32, #tpu.memory_space<vmem>>) offsets(%dma_start3A_193 : memref<128xi32, #tpu.memory_space<vmem>>) semaphore(%arg19 : memref<!tpu.dma_semaphore, #tpu.memory_space<semaphore_mem>>) {add = true}
      %dma_start3A_197 = arith.constant 0 : i32
      %dma_start3A_198 = arith.constant 1 : i32
      %dma_start3A_199 = arith.constant 0 : i32
      %dma_start3A_200 = arith.constant 0 : i32
      %dma_start3A_201 = arith.constant 0 : i32
      %dma_start3A_202 = tpu.memref_slice %arg11[%dma_start3A_199, %dma_start3A_200, %dma_start3A_201] : memref<3x128x128xf32, #tpu.memory_space<vmem>> -> memref<1x128x128xf32, #tpu.memory_space<vmem>>
      %dma_start3A_203 = tpu.memref_squeeze %dma_start3A_202 : memref<1x128x128xf32, #tpu.memory_space<vmem>> -> memref<128x128xf32, #tpu.memory_space<vmem>>
      %dma_start3A_204 = arith.constant 0 : i32
      %dma_start3A_205 = tpu.memref_slice %arg10[%dma_start3A_197, %dma_start3A_198, %dma_start3A_204] : memref<3x2x128xi32, #tpu.memory_space<vmem>> -> memref<1x1x128xi32, #tpu.memory_space<vmem>>
      %dma_start3A_206 = tpu.memref_squeeze %dma_start3A_205 : memref<1x1x128xi32, #tpu.memory_space<vmem>> -> memref<128xi32, #tpu.memory_space<vmem>>
      %dma_start3A_207 = arith.constant 0 : i32
      %dma_start3A_208 = arith.constant 0 : i32
      %dma_start3A_209 = tpu.memref_slice %arg4[%dma_start3A_207, %dma_start3A_208] : memref<10000x128xf32, #tpu.memory_space<hbm>> -> memref<10000x128xf32, #tpu.memory_space<hbm>>
      tpu.enqueue_indirect_dma source(%dma_start3A_209 : memref<10000x128xf32, #tpu.memory_space<hbm>>) target(%dma_start3A_203 : memref<128x128xf32, #tpu.memory_space<vmem>>) offsets(%dma_start3A_206 : memref<128xi32, #tpu.memory_space<vmem>>) semaphore(%arg22 : memref<!tpu.dma_semaphore, #tpu.memory_space<semaphore_mem>>) {add = true}
    } else {
    }
    %eq3A_130 = arith.constant 1 : i32
    %eq3A_131 = arith.cmpi eq, %arg0, %eq3A_130 : i32
    %convert_element_type3A_132 = arith.extui %eq3A_131 : i1 to i32
    %cond3A_133 = arith.constant 0 : i32
    %cond3A_134 = arith.cmpi ne, %convert_element_type3A_132, %cond3A_133 : i32
    scf.if %cond3A_134 {
      %dma_start3A_184 = arith.constant 0 : i32
      %dma_start3A_185 = arith.constant 0 : i32
      %dma_start3A_186 = arith.constant 0 : i32
      %dma_start3A_187 = arith.constant 0 : i32
      %dma_start3A_188 = arith.constant 0 : i32
      %dma_start3A_189 = tpu.memref_slice %arg11[%dma_start3A_186, %dma_start3A_187, %dma_start3A_188] : memref<3x128x128xf32, #tpu.memory_space<vmem>> -> memref<1x128x128xf32, #tpu.memory_space<vmem>>
      %dma_start3A_190 = tpu.memref_squeeze %dma_start3A_189 : memref<1x128x128xf32, #tpu.memory_space<vmem>> -> memref<128x128xf32, #tpu.memory_space<vmem>>
      %dma_start3A_191 = arith.constant 0 : i32
      %dma_start3A_192 = tpu.memref_slice %arg10[%dma_start3A_184, %dma_start3A_185, %dma_start3A_191] : memref<3x2x128xi32, #tpu.memory_space<vmem>> -> memref<1x1x128xi32, #tpu.memory_space<vmem>>
      %dma_start3A_193 = tpu.memref_squeeze %dma_start3A_192 : memref<1x1x128xi32, #tpu.memory_space<vmem>> -> memref<128xi32, #tpu.memory_space<vmem>>
      %dma_start3A_194 = arith.constant 0 : i32
      %dma_start3A_195 = arith.constant 0 : i32
      %dma_start3A_196 = tpu.memref_slice %arg6[%dma_start3A_194, %dma_start3A_195] : memref<10000x128xf32, #tpu.memory_space<hbm>> -> memref<10000x128xf32, #tpu.memory_space<hbm>>
      tpu.enqueue_indirect_dma source(%dma_start3A_196 : memref<10000x128xf32, #tpu.memory_space<hbm>>) target(%dma_start3A_190 : memref<128x128xf32, #tpu.memory_space<vmem>>) offsets(%dma_start3A_193 : memref<128xi32, #tpu.memory_space<vmem>>) semaphore(%arg19 : memref<!tpu.dma_semaphore, #tpu.memory_space<semaphore_mem>>) {add = true}
      %dma_start3A_197 = arith.constant 0 : i32
      %dma_start3A_198 = arith.constant 1 : i32
      %dma_start3A_199 = arith.constant 0 : i32
      %dma_start3A_200 = arith.constant 0 : i32
      %dma_start3A_201 = arith.constant 0 : i32
      %dma_start3A_202 = tpu.memref_slice %arg11[%dma_start3A_199, %dma_start3A_200, %dma_start3A_201] : memref<3x128x128xf32, #tpu.memory_space<vmem>> -> memref<1x128x128xf32, #tpu.memory_space<vmem>>
      %dma_start3A_203 = tpu.memref_squeeze %dma_start3A_202 : memref<1x128x128xf32, #tpu.memory_space<vmem>> -> memref<128x128xf32, #tpu.memory_space<vmem>>
      %dma_start3A_204 = arith.constant 0 : i32
      %dma_start3A_205 = tpu.memref_slice %arg10[%dma_start3A_197, %dma_start3A_198, %dma_start3A_204] : memref<3x2x128xi32, #tpu.memory_space<vmem>> -> memref<1x1x128xi32, #tpu.memory_space<vmem>>
      %dma_start3A_206 = tpu.memref_squeeze %dma_start3A_205 : memref<1x1x128xi32, #tpu.memory_space<vmem>> -> memref<128xi32, #tpu.memory_space<vmem>>
      %dma_start3A_207 = arith.constant 0 : i32
      %dma_start3A_208 = arith.constant 0 : i32
      %dma_start3A_209 = tpu.memref_slice %arg7[%dma_start3A_207, %dma_start3A_208] : memref<10000x128xf32, #tpu.memory_space<hbm>> -> memref<10000x128xf32, #tpu.memory_space<hbm>>
      tpu.enqueue_indirect_dma source(%dma_start3A_209 : memref<10000x128xf32, #tpu.memory_space<hbm>>) target(%dma_start3A_203 : memref<128x128xf32, #tpu.memory_space<vmem>>) offsets(%dma_start3A_206 : memref<128xi32, #tpu.memory_space<vmem>>) semaphore(%arg22 : memref<!tpu.dma_semaphore, #tpu.memory_space<semaphore_mem>>) {add = true}
    } else {
    }
    %scan3A_135 = arith.constant 0 : i32
    %scan3A_136 = arith.constant 54 : i32
    %scan3A_137 = arith.addi %scan3A_135, %scan3A_136 : i32
    %scan3A_138 = arith.constant 1 : i32
    scf.for %scan3A_184 = %scan3A_135 to %scan3A_137 step %scan3A_138  : i32 {
      %mul3A_185 = arith.constant 1 : i32
      %mul3A_186 = arith.muli %scan3A_184, %mul3A_185 : i32
      %add3A_187 = arith.constant 0 : i32
      %add3A_188 = arith.addi %add3A_187, %mul3A_186 : i32
      %mul3A_189 = arith.constant 3 : i32
      %mul3A_190 = arith.muli %add3A_188, %mul3A_189 : i32
      %add3A_191 = arith.constant 0 : i32
      %add3A_192 = arith.addi %mul3A_190, %add3A_191 : i32
      %add3A_193 = arith.constant 1 : i32
      %add3A_194 = arith.addi %add3A_192, %add3A_193 : i32
      %dma_wait3A_195 = arith.constant 1 : i32
      %dma_wait3A_196 = arith.constant 0 : i32
      %dma_wait3A_197 = arith.constant 0 : i32
      %dma_wait3A_198 = tpu.memref_slice %arg10[%dma_wait3A_195, %dma_wait3A_196, %dma_wait3A_197] : memref<3x2x128xi32, #tpu.memory_space<vmem>> -> memref<1x2x128xi32, #tpu.memory_space<vmem>>
      %dma_wait3A_199 = tpu.memref_squeeze %dma_wait3A_198 : memref<1x2x128xi32, #tpu.memory_space<vmem>> -> memref<2x128xi32, #tpu.memory_space<vmem>>
      %dma_wait3A_200 = arith.constant 0 : i32
      %dma_wait3A_201 = tpu.memref_slice %arg2[%dma_wait3A_200, %mul3A_0] : memref<2x331776xi32, #tpu.memory_space<hbm>> -> memref<2x128xi32, #tpu.memory_space<hbm>>
      %dma_wait3A_202 = arith.constant 0 : i32
      %dma_wait3A_203 = arith.constant 0 : i32
      %dma_wait3A_204 = tpu.memref_slice %arg10[%dma_wait3A_195, %dma_wait3A_202, %dma_wait3A_203] : memref<3x2x128xi32, #tpu.memory_space<vmem>> -> memref<1x2x128xi32, #tpu.memory_space<vmem>>
      %dma_wait3A_205 = tpu.memref_squeeze %dma_wait3A_204 : memref<1x2x128xi32, #tpu.memory_space<vmem>> -> memref<2x128xi32, #tpu.memory_space<vmem>>
      %dma_wait3A_206 = arith.constant 0 : i32
      %dma_wait3A_207 = tpu.memref_slice %arg2[%dma_wait3A_206, %mul3A_0] : memref<2x331776xi32, #tpu.memory_space<hbm>> -> memref<2x128xi32, #tpu.memory_space<hbm>>
      tpu.wait_dma2 semaphore(%arg14 : memref<!tpu.dma_semaphore, #tpu.memory_space<semaphore_mem>>) src(%dma_wait3A_207 : memref<2x128xi32, #tpu.memory_space<hbm>>) dst(%dma_wait3A_205 : memref<2x128xi32, #tpu.memory_space<vmem>>)
      %dma_wait3A_208 = arith.constant 1 : i32
      %dma_wait3A_209 = arith.constant 0 : i32
      %dma_wait3A_210 = arith.constant 0 : i32
      %dma_wait3A_211 = tpu.memref_slice %arg11[%dma_wait3A_208, %dma_wait3A_209, %dma_wait3A_210] : memref<3x128x128xf32, #tpu.memory_space<vmem>> -> memref<1x128x128xf32, #tpu.memory_space<vmem>>
      %dma_wait3A_212 = tpu.memref_squeeze %dma_wait3A_211 : memref<1x128x128xf32, #tpu.memory_space<vmem>> -> memref<128x128xf32, #tpu.memory_space<vmem>>
      %dma_wait3A_213 = arith.constant 0 : i32
      %dma_wait3A_214 = tpu.memref_slice %arg5[%mul3A_0, %dma_wait3A_213] : memref<331776x128xf32, #tpu.memory_space<hbm>> -> memref<128x128xf32, #tpu.memory_space<hbm>>
      %dma_wait3A_215 = arith.constant 0 : i32
      %dma_wait3A_216 = arith.constant 0 : i32
      %dma_wait3A_217 = tpu.memref_slice %arg11[%dma_wait3A_208, %dma_wait3A_215, %dma_wait3A_216] : memref<3x128x128xf32, #tpu.memory_space<vmem>> -> memref<1x128x128xf32, #tpu.memory_space<vmem>>
      %dma_wait3A_218 = tpu.memref_squeeze %dma_wait3A_217 : memref<1x128x128xf32, #tpu.memory_space<vmem>> -> memref<128x128xf32, #tpu.memory_space<vmem>>
      %dma_wait3A_219 = arith.constant 0 : i32
      %dma_wait3A_220 = tpu.memref_slice %arg5[%mul3A_0, %dma_wait3A_219] : memref<331776x128xf32, #tpu.memory_space<hbm>> -> memref<128x128xf32, #tpu.memory_space<hbm>>
      tpu.wait_dma2 semaphore(%arg17 : memref<!tpu.dma_semaphore, #tpu.memory_space<semaphore_mem>>) src(%dma_wait3A_220 : memref<128x128xf32, #tpu.memory_space<hbm>>) dst(%dma_wait3A_218 : memref<128x128xf32, #tpu.memory_space<vmem>>)
      %eq3A_221 = arith.constant 0 : i32
      %eq3A_222 = arith.cmpi eq, %arg0, %eq3A_221 : i32
      %convert_element_type3A_223 = arith.extui %eq3A_222 : i1 to i32
      %cond3A_224 = arith.constant 0 : i32
      %cond3A_225 = arith.cmpi ne, %convert_element_type3A_223, %cond3A_224 : i32
      scf.if %cond3A_225 {
        %dma_start3A_427 = arith.constant 1 : i32
        %dma_start3A_428 = arith.constant 0 : i32
        %dma_start3A_429 = arith.constant 1 : i32
        %dma_start3A_430 = arith.constant 0 : i32
        %dma_start3A_431 = arith.constant 0 : i32
        %dma_start3A_432 = tpu.memref_slice %arg11[%dma_start3A_429, %dma_start3A_430, %dma_start3A_431] : memref<3x128x128xf32, #tpu.memory_space<vmem>> -> memref<1x128x128xf32, #tpu.memory_space<vmem>>
        %dma_start3A_433 = tpu.memref_squeeze %dma_start3A_432 : memref<1x128x128xf32, #tpu.memory_space<vmem>> -> memref<128x128xf32, #tpu.memory_space<vmem>>
        %dma_start3A_434 = arith.constant 0 : i32
        %dma_start3A_435 = tpu.memref_slice %arg10[%dma_start3A_427, %dma_start3A_428, %dma_start3A_434] : memref<3x2x128xi32, #tpu.memory_space<vmem>> -> memref<1x1x128xi32, #tpu.memory_space<vmem>>
        %dma_start3A_436 = tpu.memref_squeeze %dma_start3A_435 : memref<1x1x128xi32, #tpu.memory_space<vmem>> -> memref<128xi32, #tpu.memory_space<vmem>>
        %dma_start3A_437 = arith.constant 0 : i32
        %dma_start3A_438 = arith.constant 0 : i32
        %dma_start3A_439 = tpu.memref_slice %arg3[%dma_start3A_437, %dma_start3A_438] : memref<10000x128xf32, #tpu.memory_space<hbm>> -> memref<10000x128xf32, #tpu.memory_space<hbm>>
        tpu.enqueue_indirect_dma source(%dma_start3A_439 : memref<10000x128xf32, #tpu.memory_space<hbm>>) target(%dma_start3A_433 : memref<128x128xf32, #tpu.memory_space<vmem>>) offsets(%dma_start3A_436 : memref<128xi32, #tpu.memory_space<vmem>>) semaphore(%arg20 : memref<!tpu.dma_semaphore, #tpu.memory_space<semaphore_mem>>) {add = true}
        %dma_start3A_440 = arith.constant 1 : i32
        %dma_start3A_441 = arith.constant 1 : i32
        %dma_start3A_442 = arith.constant 1 : i32
        %dma_start3A_443 = arith.constant 0 : i32
        %dma_start3A_444 = arith.constant 0 : i32
        %dma_start3A_445 = tpu.memref_slice %arg11[%dma_start3A_442, %dma_start3A_443, %dma_start3A_444] : memref<3x128x128xf32, #tpu.memory_space<vmem>> -> memref<1x128x128xf32, #tpu.memory_space<vmem>>
        %dma_start3A_446 = tpu.memref_squeeze %dma_start3A_445 : memref<1x128x128xf32, #tpu.memory_space<vmem>> -> memref<128x128xf32, #tpu.memory_space<vmem>>
        %dma_start3A_447 = arith.constant 0 : i32
        %dma_start3A_448 = tpu.memref_slice %arg10[%dma_start3A_440, %dma_start3A_441, %dma_start3A_447] : memref<3x2x128xi32, #tpu.memory_space<vmem>> -> memref<1x1x128xi32, #tpu.memory_space<vmem>>
        %dma_start3A_449 = tpu.memref_squeeze %dma_start3A_448 : memref<1x1x128xi32, #tpu.memory_space<vmem>> -> memref<128xi32, #tpu.memory_space<vmem>>
        %dma_start3A_450 = arith.constant 0 : i32
        %dma_start3A_451 = arith.constant 0 : i32
        %dma_start3A_452 = tpu.memref_slice %arg4[%dma_start3A_450, %dma_start3A_451] : memref<10000x128xf32, #tpu.memory_space<hbm>> -> memref<10000x128xf32, #tpu.memory_space<hbm>>
        tpu.enqueue_indirect_dma source(%dma_start3A_452 : memref<10000x128xf32, #tpu.memory_space<hbm>>) target(%dma_start3A_446 : memref<128x128xf32, #tpu.memory_space<vmem>>) offsets(%dma_start3A_449 : memref<128xi32, #tpu.memory_space<vmem>>) semaphore(%arg23 : memref<!tpu.dma_semaphore, #tpu.memory_space<semaphore_mem>>) {add = true}
      } else {
      }
      %eq3A_226 = arith.constant 1 : i32
      %eq3A_227 = arith.cmpi eq, %arg0, %eq3A_226 : i32
      %convert_element_type3A_228 = arith.extui %eq3A_227 : i1 to i32
      %cond3A_229 = arith.constant 0 : i32
      %cond3A_230 = arith.cmpi ne, %convert_element_type3A_228, %cond3A_229 : i32
      scf.if %cond3A_230 {
        %dma_start3A_427 = arith.constant 1 : i32
        %dma_start3A_428 = arith.constant 0 : i32
        %dma_start3A_429 = arith.constant 1 : i32
        %dma_start3A_430 = arith.constant 0 : i32
        %dma_start3A_431 = arith.constant 0 : i32
        %dma_start3A_432 = tpu.memref_slice %arg11[%dma_start3A_429, %dma_start3A_430, %dma_start3A_431] : memref<3x128x128xf32, #tpu.memory_space<vmem>> -> memref<1x128x128xf32, #tpu.memory_space<vmem>>
        %dma_start3A_433 = tpu.memref_squeeze %dma_start3A_432 : memref<1x128x128xf32, #tpu.memory_space<vmem>> -> memref<128x128xf32, #tpu.memory_space<vmem>>
        %dma_start3A_434 = arith.constant 0 : i32
        %dma_start3A_435 = tpu.memref_slice %arg10[%dma_start3A_427, %dma_start3A_428, %dma_start3A_434] : memref<3x2x128xi32, #tpu.memory_space<vmem>> -> memref<1x1x128xi32, #tpu.memory_space<vmem>>
        %dma_start3A_436 = tpu.memref_squeeze %dma_start3A_435 : memref<1x1x128xi32, #tpu.memory_space<vmem>> -> memref<128xi32, #tpu.memory_space<vmem>>
        %dma_start3A_437 = arith.constant 0 : i32
        %dma_start3A_438 = arith.constant 0 : i32
        %dma_start3A_439 = tpu.memref_slice %arg6[%dma_start3A_437, %dma_start3A_438] : memref<10000x128xf32, #tpu.memory_space<hbm>> -> memref<10000x128xf32, #tpu.memory_space<hbm>>
        tpu.enqueue_indirect_dma source(%dma_start3A_439 : memref<10000x128xf32, #tpu.memory_space<hbm>>) target(%dma_start3A_433 : memref<128x128xf32, #tpu.memory_space<vmem>>) offsets(%dma_start3A_436 : memref<128xi32, #tpu.memory_space<vmem>>) semaphore(%arg20 : memref<!tpu.dma_semaphore, #tpu.memory_space<semaphore_mem>>) {add = true}
        %dma_start3A_440 = arith.constant 1 : i32
        %dma_start3A_441 = arith.constant 1 : i32
        %dma_start3A_442 = arith.constant 1 : i32
        %dma_start3A_443 = arith.constant 0 : i32
        %dma_start3A_444 = arith.constant 0 : i32
        %dma_start3A_445 = tpu.memref_slice %arg11[%dma_start3A_442, %dma_start3A_443, %dma_start3A_444] : memref<3x128x128xf32, #tpu.memory_space<vmem>> -> memref<1x128x128xf32, #tpu.memory_space<vmem>>
        %dma_start3A_446 = tpu.memref_squeeze %dma_start3A_445 : memref<1x128x128xf32, #tpu.memory_space<vmem>> -> memref<128x128xf32, #tpu.memory_space<vmem>>
        %dma_start3A_447 = arith.constant 0 : i32
        %dma_start3A_448 = tpu.memref_slice %arg10[%dma_start3A_440, %dma_start3A_441, %dma_start3A_447] : memref<3x2x128xi32, #tpu.memory_space<vmem>> -> memref<1x1x128xi32, #tpu.memory_space<vmem>>
        %dma_start3A_449 = tpu.memref_squeeze %dma_start3A_448 : memref<1x1x128xi32, #tpu.memory_space<vmem>> -> memref<128xi32, #tpu.memory_space<vmem>>
        %dma_start3A_450 = arith.constant 0 : i32
        %dma_start3A_451 = arith.constant 0 : i32
        %dma_start3A_452 = tpu.memref_slice %arg7[%dma_start3A_450, %dma_start3A_451] : memref<10000x128xf32, #tpu.memory_space<hbm>> -> memref<10000x128xf32, #tpu.memory_space<hbm>>
        tpu.enqueue_indirect_dma source(%dma_start3A_452 : memref<10000x128xf32, #tpu.memory_space<hbm>>) target(%dma_start3A_446 : memref<128x128xf32, #tpu.memory_space<vmem>>) offsets(%dma_start3A_449 : memref<128xi32, #tpu.memory_space<vmem>>) semaphore(%arg23 : memref<!tpu.dma_semaphore, #tpu.memory_space<semaphore_mem>>) {add = true}
      } else {
      }
      %ge3A = arith.constant 1 : i32
      %ge3A_231 = arith.cmpi sge, %add3A_188, %ge3A : i32
      %convert_element_type3A_232 = arith.extui %ge3A_231 : i1 to i32
      %cond3A_233 = arith.constant 0 : i32
      %cond3A_234 = arith.cmpi ne, %convert_element_type3A_232, %cond3A_233 : i32
      scf.if %cond3A_234 {
        %dma_wait3A_427 = arith.constant 2 : i32
        %dma_wait3A_428 = arith.constant 2 : i32
        %dma_wait3A_429 = arith.constant 1 : i32
        %dma_wait3A_430 = arith.constant 0 : i32
        %dma_wait3A_431 = arith.constant 0 : i32
        %dma_wait3A_432 = tpu.memref_slice %arg11[%dma_wait3A_427, %dma_wait3A_430, %dma_wait3A_431] : memref<3x128x128xf32, #tpu.memory_space<vmem>> -> memref<1x128x128xf32, #tpu.memory_space<vmem>>
        %dma_wait3A_433 = tpu.memref_squeeze %dma_wait3A_432 : memref<1x128x128xf32, #tpu.memory_space<vmem>> -> memref<128x128xf32, #tpu.memory_space<vmem>>
        %dma_wait3A_434 = arith.constant 0 : i32
        %dma_wait3A_435 = tpu.memref_slice %arg10[%dma_wait3A_428, %dma_wait3A_429, %dma_wait3A_434] : memref<3x2x128xi32, #tpu.memory_space<vmem>> -> memref<1x1x128xi32, #tpu.memory_space<vmem>>
        %dma_wait3A_436 = tpu.memref_squeeze %dma_wait3A_435 : memref<1x1x128xi32, #tpu.memory_space<vmem>> -> memref<128xi32, #tpu.memory_space<vmem>>
        %dma_wait3A_437 = arith.constant 0 : i32
        %dma_wait3A_438 = arith.constant 0 : i32
        %dma_wait3A_439 = tpu.memref_slice %arg12[%dma_wait3A_437, %dma_wait3A_438] : memref<10112x128xf32, #tpu.memory_space<vmem_shared>> -> memref<10112x128xf32, #tpu.memory_space<vmem_shared>>
        tpu.wait_indirect_dma semaphore(%arg27 : memref<!tpu.dma_semaphore, #tpu.memory_space<semaphore_mem>>) src(%dma_wait3A_433 : memref<128x128xf32, #tpu.memory_space<vmem>>) dst(%dma_wait3A_439 : memref<10112x128xf32, #tpu.memory_space<vmem_shared>>)
        %add3A_440 = arith.constant 2 : i32
        %add3A_441 = arith.addi %add3A_192, %add3A_440 : i32
        %mul3A_442 = arith.constant 128 : i32
        %mul3A_443 = arith.muli %add3A_441, %mul3A_442 : i32
        %add3A_444 = arith.addi %mul3A_0, %mul3A_443 : i32
        %dma_start3A_445 = arith.constant 2 : i32
        %dma_start3A_446 = arith.constant 0 : i32
        %dma_start3A_447 = arith.constant 0 : i32
        %dma_start3A_448 = tpu.memref_slice %arg10[%dma_start3A_445, %dma_start3A_446, %dma_start3A_447] : memref<3x2x128xi32, #tpu.memory_space<vmem>> -> memref<1x2x128xi32, #tpu.memory_space<vmem>>
        %dma_start3A_449 = tpu.memref_squeeze %dma_start3A_448 : memref<1x2x128xi32, #tpu.memory_space<vmem>> -> memref<2x128xi32, #tpu.memory_space<vmem>>
        %dma_start3A_450 = arith.constant 0 : i32
        %dma_start3A_451 = tpu.memref_slice %arg2[%dma_start3A_450, %add3A_444] : memref<2x331776xi32, #tpu.memory_space<hbm>> -> memref<2x128xi32, #tpu.memory_space<hbm>>
        %dma_start3A_452 = arith.constant 0 : i32
        %dma_start3A_453 = arith.constant 0 : i32
        %dma_start3A_454 = tpu.memref_slice %arg10[%dma_start3A_445, %dma_start3A_452, %dma_start3A_453] : memref<3x2x128xi32, #tpu.memory_space<vmem>> -> memref<1x2x128xi32, #tpu.memory_space<vmem>>
        %dma_start3A_455 = tpu.memref_squeeze %dma_start3A_454 : memref<1x2x128xi32, #tpu.memory_space<vmem>> -> memref<2x128xi32, #tpu.memory_space<vmem>>
        %dma_start3A_456 = arith.constant 0 : i32
        %dma_start3A_457 = tpu.memref_slice %arg2[%dma_start3A_456, %add3A_444] : memref<2x331776xi32, #tpu.memory_space<hbm>> -> memref<2x128xi32, #tpu.memory_space<hbm>>
        tpu.enqueue_dma source(%dma_start3A_457 : memref<2x128xi32, #tpu.memory_space<hbm>>) target(%dma_start3A_455 : memref<2x128xi32, #tpu.memory_space<vmem>>) target_semaphore(%arg15 : memref<!tpu.dma_semaphore, #tpu.memory_space<semaphore_mem>>)
        %eq3A_458 = arith.constant 0 : i32
        %eq3A_459 = arith.cmpi eq, %arg0, %eq3A_458 : i32
        %convert_element_type3A_460 = arith.extui %eq3A_459 : i1 to i32
        %cond3A_461 = arith.constant 0 : i32
        %cond3A_462 = arith.cmpi ne, %convert_element_type3A_460, %cond3A_461 : i32
        scf.if %cond3A_462 {
          %dma_start3A_468 = arith.constant 2 : i32
          %dma_start3A_469 = arith.constant 0 : i32
          %dma_start3A_470 = arith.constant 0 : i32
          %dma_start3A_471 = tpu.memref_slice %arg11[%dma_start3A_468, %dma_start3A_469, %dma_start3A_470] : memref<3x128x128xf32, #tpu.memory_space<vmem>> -> memref<1x128x128xf32, #tpu.memory_space<vmem>>
          %dma_start3A_472 = tpu.memref_squeeze %dma_start3A_471 : memref<1x128x128xf32, #tpu.memory_space<vmem>> -> memref<128x128xf32, #tpu.memory_space<vmem>>
          %dma_start3A_473 = arith.constant 0 : i32
          %dma_start3A_474 = tpu.memref_slice %arg5[%add3A_444, %dma_start3A_473] : memref<331776x128xf32, #tpu.memory_space<hbm>> -> memref<128x128xf32, #tpu.memory_space<hbm>>
          %dma_start3A_475 = arith.constant 0 : i32
          %dma_start3A_476 = arith.constant 0 : i32
          %dma_start3A_477 = tpu.memref_slice %arg11[%dma_start3A_468, %dma_start3A_475, %dma_start3A_476] : memref<3x128x128xf32, #tpu.memory_space<vmem>> -> memref<1x128x128xf32, #tpu.memory_space<vmem>>
          %dma_start3A_478 = tpu.memref_squeeze %dma_start3A_477 : memref<1x128x128xf32, #tpu.memory_space<vmem>> -> memref<128x128xf32, #tpu.memory_space<vmem>>
          %dma_start3A_479 = arith.constant 0 : i32
          %dma_start3A_480 = tpu.memref_slice %arg5[%add3A_444, %dma_start3A_479] : memref<331776x128xf32, #tpu.memory_space<hbm>> -> memref<128x128xf32, #tpu.memory_space<hbm>>
          tpu.enqueue_dma source(%dma_start3A_480 : memref<128x128xf32, #tpu.memory_space<hbm>>) target(%dma_start3A_478 : memref<128x128xf32, #tpu.memory_space<vmem>>) target_semaphore(%arg18 : memref<!tpu.dma_semaphore, #tpu.memory_space<semaphore_mem>>)
        } else {
        }
        %eq3A_463 = arith.constant 1 : i32
        %eq3A_464 = arith.cmpi eq, %arg0, %eq3A_463 : i32
        %convert_element_type3A_465 = arith.extui %eq3A_464 : i1 to i32
        %cond3A_466 = arith.constant 0 : i32
        %cond3A_467 = arith.cmpi ne, %convert_element_type3A_465, %cond3A_466 : i32
        scf.if %cond3A_467 {
          %dma_start3A_468 = arith.constant 2 : i32
          %dma_start3A_469 = arith.constant 0 : i32
          %dma_start3A_470 = arith.constant 0 : i32
          %dma_start3A_471 = tpu.memref_slice %arg11[%dma_start3A_468, %dma_start3A_469, %dma_start3A_470] : memref<3x128x128xf32, #tpu.memory_space<vmem>> -> memref<1x128x128xf32, #tpu.memory_space<vmem>>
          %dma_start3A_472 = tpu.memref_squeeze %dma_start3A_471 : memref<1x128x128xf32, #tpu.memory_space<vmem>> -> memref<128x128xf32, #tpu.memory_space<vmem>>
          %dma_start3A_473 = arith.constant 0 : i32
          %dma_start3A_474 = tpu.memref_slice %arg8[%add3A_444, %dma_start3A_473] : memref<331776x128xf32, #tpu.memory_space<hbm>> -> memref<128x128xf32, #tpu.memory_space<hbm>>
          %dma_start3A_475 = arith.constant 0 : i32
          %dma_start3A_476 = arith.constant 0 : i32
          %dma_start3A_477 = tpu.memref_slice %arg11[%dma_start3A_468, %dma_start3A_475, %dma_start3A_476] : memref<3x128x128xf32, #tpu.memory_space<vmem>> -> memref<1x128x128xf32, #tpu.memory_space<vmem>>
          %dma_start3A_478 = tpu.memref_squeeze %dma_start3A_477 : memref<1x128x128xf32, #tpu.memory_space<vmem>> -> memref<128x128xf32, #tpu.memory_space<vmem>>
          %dma_start3A_479 = arith.constant 0 : i32
          %dma_start3A_480 = tpu.memref_slice %arg8[%add3A_444, %dma_start3A_479] : memref<331776x128xf32, #tpu.memory_space<hbm>> -> memref<128x128xf32, #tpu.memory_space<hbm>>
          tpu.enqueue_dma source(%dma_start3A_480 : memref<128x128xf32, #tpu.memory_space<hbm>>) target(%dma_start3A_478 : memref<128x128xf32, #tpu.memory_space<vmem>>) target_semaphore(%arg18 : memref<!tpu.dma_semaphore, #tpu.memory_space<semaphore_mem>>)
        } else {
        }
      } else {
      }
      %dma_wait3A_235 = arith.constant 0 : i32
      %dma_wait3A_236 = arith.constant 0 : i32
      %dma_wait3A_237 = arith.constant 0 : i32
      %dma_wait3A_238 = arith.constant 0 : i32
      %dma_wait3A_239 = arith.constant 0 : i32
      %dma_wait3A_240 = tpu.memref_slice %arg11[%dma_wait3A_237, %dma_wait3A_238, %dma_wait3A_239] : memref<3x128x128xf32, #tpu.memory_space<vmem>> -> memref<1x128x128xf32, #tpu.memory_space<vmem>>
      %dma_wait3A_241 = tpu.memref_squeeze %dma_wait3A_240 : memref<1x128x128xf32, #tpu.memory_space<vmem>> -> memref<128x128xf32, #tpu.memory_space<vmem>>
      %dma_wait3A_242 = arith.constant 0 : i32
      %dma_wait3A_243 = tpu.memref_slice %arg10[%dma_wait3A_235, %dma_wait3A_236, %dma_wait3A_242] : memref<3x2x128xi32, #tpu.memory_space<vmem>> -> memref<1x1x128xi32, #tpu.memory_space<vmem>>
      %dma_wait3A_244 = tpu.memref_squeeze %dma_wait3A_243 : memref<1x1x128xi32, #tpu.memory_space<vmem>> -> memref<128xi32, #tpu.memory_space<vmem>>
      %dma_wait3A_245 = arith.constant 0 : i32
      %dma_wait3A_246 = arith.constant 0 : i32
      %dma_wait3A_247 = tpu.memref_slice %arg3[%dma_wait3A_245, %dma_wait3A_246] : memref<10000x128xf32, #tpu.memory_space<hbm>> -> memref<10000x128xf32, #tpu.memory_space<hbm>>
      tpu.wait_indirect_dma semaphore(%arg19 : memref<!tpu.dma_semaphore, #tpu.memory_space<semaphore_mem>>) src(%dma_wait3A_247 : memref<10000x128xf32, #tpu.memory_space<hbm>>) dst(%dma_wait3A_241 : memref<128x128xf32, #tpu.memory_space<vmem>>)
      %dma_wait3A_248 = arith.constant 0 : i32
      %dma_wait3A_249 = arith.constant 1 : i32
      %dma_wait3A_250 = arith.constant 0 : i32
      %dma_wait3A_251 = arith.constant 0 : i32
      %dma_wait3A_252 = arith.constant 0 : i32
      %dma_wait3A_253 = tpu.memref_slice %arg11[%dma_wait3A_250, %dma_wait3A_251, %dma_wait3A_252] : memref<3x128x128xf32, #tpu.memory_space<vmem>> -> memref<1x128x128xf32, #tpu.memory_space<vmem>>
      %dma_wait3A_254 = tpu.memref_squeeze %dma_wait3A_253 : memref<1x128x128xf32, #tpu.memory_space<vmem>> -> memref<128x128xf32, #tpu.memory_space<vmem>>
      %dma_wait3A_255 = arith.constant 0 : i32
      %dma_wait3A_256 = tpu.memref_slice %arg10[%dma_wait3A_248, %dma_wait3A_249, %dma_wait3A_255] : memref<3x2x128xi32, #tpu.memory_space<vmem>> -> memref<1x1x128xi32, #tpu.memory_space<vmem>>
      %dma_wait3A_257 = tpu.memref_squeeze %dma_wait3A_256 : memref<1x1x128xi32, #tpu.memory_space<vmem>> -> memref<128xi32, #tpu.memory_space<vmem>>
      %dma_wait3A_258 = arith.constant 0 : i32
      %dma_wait3A_259 = arith.constant 0 : i32
      %dma_wait3A_260 = tpu.memref_slice %arg4[%dma_wait3A_258, %dma_wait3A_259] : memref<10000x128xf32, #tpu.memory_space<hbm>> -> memref<10000x128xf32, #tpu.memory_space<hbm>>
      tpu.wait_indirect_dma semaphore(%arg22 : memref<!tpu.dma_semaphore, #tpu.memory_space<semaphore_mem>>) src(%dma_wait3A_260 : memref<10000x128xf32, #tpu.memory_space<hbm>>) dst(%dma_wait3A_254 : memref<128x128xf32, #tpu.memory_space<vmem>>)
      %scan3A_261 = arith.constant 0 : i32
      %scan3A_262 = arith.constant 128 : i32
      %scan3A_263 = arith.addi %scan3A_261, %scan3A_262 : i32
      %scan3A_264 = arith.constant 1 : i32
      scf.for %scan3A_427 = %scan3A_261 to %scan3A_263 step %scan3A_264  : i32 {
        %mul3A_428 = arith.constant 1 : i32
        %mul3A_429 = arith.muli %scan3A_427, %mul3A_428 : i32
        %add3A_430 = arith.constant 0 : i32
        %add3A_431 = arith.addi %add3A_430, %mul3A_429 : i32
        %get3A = arith.constant 0 : i32
        %get3A_432 = arith.index_cast %get3A : i32 to index
        %get3A_433 = arith.index_cast %add3A_431 : i32 to index
        %get3A_434 = arith.constant 0 : index
        %get3A_435 = tpu.vector_load %arg11[%get3A_432, %get3A_433, %get3A_434] {strides = array<i32>} : memref<3x128x128xf32, #tpu.memory_space<vmem>>, vector<1x1x16xf32>,
        %get3A_436 = vector.shape_cast %get3A_435 : vector<1x1x16xf32> to vector<16xf32>
        %max3A = arith.constant 0.000000e+00 : f32
        %max3A_437 = vector.broadcast %max3A : f32 to vector<16xf32>
        %max3A_438 = arith.maximumf %get3A_436, %max3A_437 : vector<16xf32>
        %swap3A = arith.constant 0 : i32
        %swap3A_439 = arith.index_cast %swap3A : i32 to index
        %swap3A_440 = arith.index_cast %add3A_431 : i32 to index
        %swap3A_441 = arith.constant 0 : index
        %swap3A_442 = tpu.vector_load %arg11[%swap3A_439, %swap3A_440, %swap3A_441] {strides = array<i32>} : memref<3x128x128xf32, #tpu.memory_space<vmem>>, vector<1x1x16xf32>,
        %swap3A_443 = vector.shape_cast %swap3A_442 : vector<1x1x16xf32> to vector<16xf32>
        %swap3A_444 = vector.shape_cast %max3A_438 : vector<16xf32> to vector<1x1x16xf32>
        tpu.vector_store %arg11[%swap3A_439, %swap3A_440, %swap3A_441], %swap3A_444 {strides = array<i32>} : memref<3x128x128xf32, #tpu.memory_space<vmem>>, vector<1x1x16xf32>,
        %get3A_445 = arith.constant 0 : i32
        %get3A_446 = arith.index_cast %get3A_445 : i32 to index
        %get3A_447 = arith.index_cast %add3A_431 : i32 to index
        %get3A_448 = arith.constant 16 : index
        %get3A_449 = tpu.vector_load %arg11[%get3A_446, %get3A_447, %get3A_448] {strides = array<i32>} : memref<3x128x128xf32, #tpu.memory_space<vmem>>, vector<1x1x16xf32>,
        %get3A_450 = vector.shape_cast %get3A_449 : vector<1x1x16xf32> to vector<16xf32>
        %max3A_451 = arith.constant 0.000000e+00 : f32
        %max3A_452 = vector.broadcast %max3A_451 : f32 to vector<16xf32>
        %max3A_453 = arith.maximumf %get3A_450, %max3A_452 : vector<16xf32>
        %swap3A_454 = arith.constant 0 : i32
        %swap3A_455 = arith.index_cast %swap3A_454 : i32 to index
        %swap3A_456 = arith.index_cast %add3A_431 : i32 to index
        %swap3A_457 = arith.constant 16 : index
        %swap3A_458 = tpu.vector_load %arg11[%swap3A_455, %swap3A_456, %swap3A_457] {strides = array<i32>} : memref<3x128x128xf32, #tpu.memory_space<vmem>>, vector<1x1x16xf32>,
        %swap3A_459 = vector.shape_cast %swap3A_458 : vector<1x1x16xf32> to vector<16xf32>
        %swap3A_460 = vector.shape_cast %max3A_453 : vector<16xf32> to vector<1x1x16xf32>
        tpu.vector_store %arg11[%swap3A_455, %swap3A_456, %swap3A_457], %swap3A_460 {strides = array<i32>} : memref<3x128x128xf32, #tpu.memory_space<vmem>>, vector<1x1x16xf32>,
        %get3A_461 = arith.constant 0 : i32
        %get3A_462 = arith.index_cast %get3A_461 : i32 to index
        %get3A_463 = arith.index_cast %add3A_431 : i32 to index
        %get3A_464 = arith.constant 32 : index
        %get3A_465 = tpu.vector_load %arg11[%get3A_462, %get3A_463, %get3A_464] {strides = array<i32>} : memref<3x128x128xf32, #tpu.memory_space<vmem>>, vector<1x1x16xf32>,
        %get3A_466 = vector.shape_cast %get3A_465 : vector<1x1x16xf32> to vector<16xf32>
        %max3A_467 = arith.constant 0.000000e+00 : f32
        %max3A_468 = vector.broadcast %max3A_467 : f32 to vector<16xf32>
        %max3A_469 = arith.maximumf %get3A_466, %max3A_468 : vector<16xf32>
        %swap3A_470 = arith.constant 0 : i32
        %swap3A_471 = arith.index_cast %swap3A_470 : i32 to index
        %swap3A_472 = arith.index_cast %add3A_431 : i32 to index
        %swap3A_473 = arith.constant 32 : index
        %swap3A_474 = tpu.vector_load %arg11[%swap3A_471, %swap3A_472, %swap3A_473] {strides = array<i32>} : memref<3x128x128xf32, #tpu.memory_space<vmem>>, vector<1x1x16xf32>,
        %swap3A_475 = vector.shape_cast %swap3A_474 : vector<1x1x16xf32> to vector<16xf32>
        %swap3A_476 = vector.shape_cast %max3A_469 : vector<16xf32> to vector<1x1x16xf32>
        tpu.vector_store %arg11[%swap3A_471, %swap3A_472, %swap3A_473], %swap3A_476 {strides = array<i32>} : memref<3x128x128xf32, #tpu.memory_space<vmem>>, vector<1x1x16xf32>,
        %get3A_477 = arith.constant 0 : i32
        %get3A_478 = arith.index_cast %get3A_477 : i32 to index
        %get3A_479 = arith.index_cast %add3A_431 : i32 to index
        %get3A_480 = arith.constant 48 : index
        %get3A_481 = tpu.vector_load %arg11[%get3A_478, %get3A_479, %get3A_480] {strides = array<i32>} : memref<3x128x128xf32, #tpu.memory_space<vmem>>, vector<1x1x16xf32>,
        %get3A_482 = vector.shape_cast %get3A_481 : vector<1x1x16xf32> to vector<16xf32>
        %max3A_483 = arith.constant 0.000000e+00 : f32
        %max3A_484 = vector.broadcast %max3A_483 : f32 to vector<16xf32>
        %max3A_485 = arith.maximumf %get3A_482, %max3A_484 : vector<16xf32>
        %swap3A_486 = arith.constant 0 : i32
        %swap3A_487 = arith.index_cast %swap3A_486 : i32 to index
        %swap3A_488 = arith.index_cast %add3A_431 : i32 to index
        %swap3A_489 = arith.constant 48 : index
        %swap3A_490 = tpu.vector_load %arg11[%swap3A_487, %swap3A_488, %swap3A_489] {strides = array<i32>} : memref<3x128x128xf32, #tpu.memory_space<vmem>>, vector<1x1x16xf32>,
        %swap3A_491 = vector.shape_cast %swap3A_490 : vector<1x1x16xf32> to vector<16xf32>
        %swap3A_492 = vector.shape_cast %max3A_485 : vector<16xf32> to vector<1x1x16xf32>
        tpu.vector_store %arg11[%swap3A_487, %swap3A_488, %swap3A_489], %swap3A_492 {strides = array<i32>} : memref<3x128x128xf32, #tpu.memory_space<vmem>>, vector<1x1x16xf32>,
        %get3A_493 = arith.constant 0 : i32
        %get3A_494 = arith.index_cast %get3A_493 : i32 to index
        %get3A_495 = arith.index_cast %add3A_431 : i32 to index
        %get3A_496 = arith.constant 64 : index
        %get3A_497 = tpu.vector_load %arg11[%get3A_494, %get3A_495, %get3A_496] {strides = array<i32>} : memref<3x128x128xf32, #tpu.memory_space<vmem>>, vector<1x1x16xf32>,
        %get3A_498 = vector.shape_cast %get3A_497 : vector<1x1x16xf32> to vector<16xf32>
        %max3A_499 = arith.constant 0.000000e+00 : f32
        %max3A_500 = vector.broadcast %max3A_499 : f32 to vector<16xf32>
        %max3A_501 = arith.maximumf %get3A_498, %max3A_500 : vector<16xf32>
        %swap3A_502 = arith.constant 0 : i32
        %swap3A_503 = arith.index_cast %swap3A_502 : i32 to index
        %swap3A_504 = arith.index_cast %add3A_431 : i32 to index
        %swap3A_505 = arith.constant 64 : index
        %swap3A_506 = tpu.vector_load %arg11[%swap3A_503, %swap3A_504, %swap3A_505] {strides = array<i32>} : memref<3x128x128xf32, #tpu.memory_space<vmem>>, vector<1x1x16xf32>,
        %swap3A_507 = vector.shape_cast %swap3A_506 : vector<1x1x16xf32> to vector<16xf32>
        %swap3A_508 = vector.shape_cast %max3A_501 : vector<16xf32> to vector<1x1x16xf32>
        tpu.vector_store %arg11[%swap3A_503, %swap3A_504, %swap3A_505], %swap3A_508 {strides = array<i32>} : memref<3x128x128xf32, #tpu.memory_space<vmem>>, vector<1x1x16xf32>,
        %get3A_509 = arith.constant 0 : i32
        %get3A_510 = arith.index_cast %get3A_509 : i32 to index
        %get3A_511 = arith.index_cast %add3A_431 : i32 to index
        %get3A_512 = arith.constant 80 : index
        %get3A_513 = tpu.vector_load %arg11[%get3A_510, %get3A_511, %get3A_512] {strides = array<i32>} : memref<3x128x128xf32, #tpu.memory_space<vmem>>, vector<1x1x16xf32>,
        %get3A_514 = vector.shape_cast %get3A_513 : vector<1x1x16xf32> to vector<16xf32>
        %max3A_515 = arith.constant 0.000000e+00 : f32
        %max3A_516 = vector.broadcast %max3A_515 : f32 to vector<16xf32>
        %max3A_517 = arith.maximumf %get3A_514, %max3A_516 : vector<16xf32>
        %swap3A_518 = arith.constant 0 : i32
        %swap3A_519 = arith.index_cast %swap3A_518 : i32 to index
        %swap3A_520 = arith.index_cast %add3A_431 : i32 to index
        %swap3A_521 = arith.constant 80 : index
        %swap3A_522 = tpu.vector_load %arg11[%swap3A_519, %swap3A_520, %swap3A_521] {strides = array<i32>} : memref<3x128x128xf32, #tpu.memory_space<vmem>>, vector<1x1x16xf32>,
        %swap3A_523 = vector.shape_cast %swap3A_522 : vector<1x1x16xf32> to vector<16xf32>
        %swap3A_524 = vector.shape_cast %max3A_517 : vector<16xf32> to vector<1x1x16xf32>
        tpu.vector_store %arg11[%swap3A_519, %swap3A_520, %swap3A_521], %swap3A_524 {strides = array<i32>} : memref<3x128x128xf32, #tpu.memory_space<vmem>>, vector<1x1x16xf32>,
        %get3A_525 = arith.constant 0 : i32
        %get3A_526 = arith.index_cast %get3A_525 : i32 to index
        %get3A_527 = arith.index_cast %add3A_431 : i32 to index
        %get3A_528 = arith.constant 96 : index
        %get3A_529 = tpu.vector_load %arg11[%get3A_526, %get3A_527, %get3A_528] {strides = array<i32>} : memref<3x128x128xf32, #tpu.memory_space<vmem>>, vector<1x1x16xf32>,
        %get3A_530 = vector.shape_cast %get3A_529 : vector<1x1x16xf32> to vector<16xf32>
        %max3A_531 = arith.constant 0.000000e+00 : f32
        %max3A_532 = vector.broadcast %max3A_531 : f32 to vector<16xf32>
        %max3A_533 = arith.maximumf %get3A_530, %max3A_532 : vector<16xf32>
        %swap3A_534 = arith.constant 0 : i32
        %swap3A_535 = arith.index_cast %swap3A_534 : i32 to index
        %swap3A_536 = arith.index_cast %add3A_431 : i32 to index
        %swap3A_537 = arith.constant 96 : index
        %swap3A_538 = tpu.vector_load %arg11[%swap3A_535, %swap3A_536, %swap3A_537] {strides = array<i32>} : memref<3x128x128xf32, #tpu.memory_space<vmem>>, vector<1x1x16xf32>,
        %swap3A_539 = vector.shape_cast %swap3A_538 : vector<1x1x16xf32> to vector<16xf32>
        %swap3A_540 = vector.shape_cast %max3A_533 : vector<16xf32> to vector<1x1x16xf32>
        tpu.vector_store %arg11[%swap3A_535, %swap3A_536, %swap3A_537], %swap3A_540 {strides = array<i32>} : memref<3x128x128xf32, #tpu.memory_space<vmem>>, vector<1x1x16xf32>,
        %get3A_541 = arith.constant 0 : i32
        %get3A_542 = arith.index_cast %get3A_541 : i32 to index
        %get3A_543 = arith.index_cast %add3A_431 : i32 to index
        %get3A_544 = arith.constant 112 : index
        %get3A_545 = tpu.vector_load %arg11[%get3A_542, %get3A_543, %get3A_544] {strides = array<i32>} : memref<3x128x128xf32, #tpu.memory_space<vmem>>, vector<1x1x16xf32>,
        %get3A_546 = vector.shape_cast %get3A_545 : vector<1x1x16xf32> to vector<16xf32>
        %max3A_547 = arith.constant 0.000000e+00 : f32
        %max3A_548 = vector.broadcast %max3A_547 : f32 to vector<16xf32>
        %max3A_549 = arith.maximumf %get3A_546, %max3A_548 : vector<16xf32>
        %swap3A_550 = arith.constant 0 : i32
        %swap3A_551 = arith.index_cast %swap3A_550 : i32 to index
        %swap3A_552 = arith.index_cast %add3A_431 : i32 to index
        %swap3A_553 = arith.constant 112 : index
        %swap3A_554 = tpu.vector_load %arg11[%swap3A_551, %swap3A_552, %swap3A_553] {strides = array<i32>} : memref<3x128x128xf32, #tpu.memory_space<vmem>>, vector<1x1x16xf32>,
        %swap3A_555 = vector.shape_cast %swap3A_554 : vector<1x1x16xf32> to vector<16xf32>
        %swap3A_556 = vector.shape_cast %max3A_549 : vector<16xf32> to vector<1x1x16xf32>
        tpu.vector_store %arg11[%swap3A_551, %swap3A_552, %swap3A_553], %swap3A_556 {strides = array<i32>} : memref<3x128x128xf32, #tpu.memory_space<vmem>>, vector<1x1x16xf32>,
      }
      %scan3A_265 = arith.constant 128 : i32
      %dma_start3A_266 = arith.constant 0 : i32
      %dma_start3A_267 = arith.constant 0 : i32
      %dma_start3A_268 = arith.constant 1 : i32
      %dma_start3A_269 = arith.constant 0 : i32
      %dma_start3A_270 = arith.constant 0 : i32
      %dma_start3A_271 = tpu.memref_slice %arg11[%dma_start3A_266, %dma_start3A_269, %dma_start3A_270] : memref<3x128x128xf32, #tpu.memory_space<vmem>> -> memref<1x128x128xf32, #tpu.memory_space<vmem>>
      %dma_start3A_272 = tpu.memref_squeeze %dma_start3A_271 : memref<1x128x128xf32, #tpu.memory_space<vmem>> -> memref<128x128xf32, #tpu.memory_space<vmem>>
      %dma_start3A_273 = arith.constant 0 : i32
      %dma_start3A_274 = tpu.memref_slice %arg10[%dma_start3A_267, %dma_start3A_268, %dma_start3A_273] : memref<3x2x128xi32, #tpu.memory_space<vmem>> -> memref<1x1x128xi32, #tpu.memory_space<vmem>>
      %dma_start3A_275 = tpu.memref_squeeze %dma_start3A_274 : memref<1x1x128xi32, #tpu.memory_space<vmem>> -> memref<128xi32, #tpu.memory_space<vmem>>
      %dma_start3A_276 = arith.constant 0 : i32
      %dma_start3A_277 = arith.constant 0 : i32
      %dma_start3A_278 = tpu.memref_slice %arg12[%dma_start3A_276, %dma_start3A_277] : memref<10112x128xf32, #tpu.memory_space<vmem_shared>> -> memref<10112x128xf32, #tpu.memory_space<vmem_shared>>
      tpu.enqueue_indirect_dma source(%dma_start3A_272 : memref<128x128xf32, #tpu.memory_space<vmem>>) target(%dma_start3A_278 : memref<10112x128xf32, #tpu.memory_space<vmem_shared>>) offsets(%dma_start3A_275 : memref<128xi32, #tpu.memory_space<vmem>>) semaphore(%arg25 : memref<!tpu.dma_semaphore, #tpu.memory_space<semaphore_mem>>) {add = true}
      %mul3A_279 = arith.constant 3 : i32
      %mul3A_280 = arith.muli %add3A_188, %mul3A_279 : i32
      %add3A_281 = arith.constant 1 : i32
      %add3A_282 = arith.addi %mul3A_280, %add3A_281 : i32
      %add3A_283 = arith.constant 1 : i32
      %add3A_284 = arith.addi %add3A_282, %add3A_283 : i32
      %dma_wait3A_285 = arith.constant 2 : i32
      %dma_wait3A_286 = arith.constant 0 : i32
      %dma_wait3A_287 = arith.constant 0 : i32
      %dma_wait3A_288 = tpu.memref_slice %arg10[%dma_wait3A_285, %dma_wait3A_286, %dma_wait3A_287] : memref<3x2x128xi32, #tpu.memory_space<vmem>> -> memref<1x2x128xi32, #tpu.memory_space<vmem>>
      %dma_wait3A_289 = tpu.memref_squeeze %dma_wait3A_288 : memref<1x2x128xi32, #tpu.memory_space<vmem>> -> memref<2x128xi32, #tpu.memory_space<vmem>>
      %dma_wait3A_290 = arith.constant 0 : i32
      %dma_wait3A_291 = tpu.memref_slice %arg2[%dma_wait3A_290, %mul3A_0] : memref<2x331776xi32, #tpu.memory_space<hbm>> -> memref<2x128xi32, #tpu.memory_space<hbm>>
      %dma_wait3A_292 = arith.constant 0 : i32
      %dma_wait3A_293 = arith.constant 0 : i32
      %dma_wait3A_294 = tpu.memref_slice %arg10[%dma_wait3A_285, %dma_wait3A_292, %dma_wait3A_293] : memref<3x2x128xi32, #tpu.memory_space<vmem>> -> memref<1x2x128xi32, #tpu.memory_space<vmem>>
      %dma_wait3A_295 = tpu.memref_squeeze %dma_wait3A_294 : memref<1x2x128xi32, #tpu.memory_space<vmem>> -> memref<2x128xi32, #tpu.memory_space<vmem>>
      %dma_wait3A_296 = arith.constant 0 : i32
      %dma_wait3A_297 = tpu.memref_slice %arg2[%dma_wait3A_296, %mul3A_0] : memref<2x331776xi32, #tpu.memory_space<hbm>> -> memref<2x128xi32, #tpu.memory_space<hbm>>
      tpu.wait_dma2 semaphore(%arg15 : memref<!tpu.dma_semaphore, #tpu.memory_space<semaphore_mem>>) src(%dma_wait3A_297 : memref<2x128xi32, #tpu.memory_space<hbm>>) dst(%dma_wait3A_295 : memref<2x128xi32, #tpu.memory_space<vmem>>)
      %dma_wait3A_298 = arith.constant 2 : i32
      %dma_wait3A_299 = arith.constant 0 : i32
      %dma_wait3A_300 = arith.constant 0 : i32
      %dma_wait3A_301 = tpu.memref_slice %arg11[%dma_wait3A_298, %dma_wait3A_299, %dma_wait3A_300] : memref<3x128x128xf32, #tpu.memory_space<vmem>> -> memref<1x128x128xf32, #tpu.memory_space<vmem>>
      %dma_wait3A_302 = tpu.memref_squeeze %dma_wait3A_301 : memref<1x128x128xf32, #tpu.memory_space<vmem>> -> memref<128x128xf32, #tpu.memory_space<vmem>>
      %dma_wait3A_303 = arith.constant 0 : i32
      %dma_wait3A_304 = tpu.memref_slice %arg5[%mul3A_0, %dma_wait3A_303] : memref<331776x128xf32, #tpu.memory_space<hbm>> -> memref<128x128xf32, #tpu.memory_space<hbm>>
      %dma_wait3A_305 = arith.constant 0 : i32
      %dma_wait3A_306 = arith.constant 0 : i32
      %dma_wait3A_307 = tpu.memref_slice %arg11[%dma_wait3A_298, %dma_wait3A_305, %dma_wait3A_306] : memref<3x128x128xf32, #tpu.memory_space<vmem>> -> memref<1x128x128xf32, #tpu.memory_space<vmem>>
      %dma_wait3A_308 = tpu.memref_squeeze %dma_wait3A_307 : memref<1x128x128xf32, #tpu.memory_space<vmem>> -> memref<128x128xf32, #tpu.memory_space<vmem>>
      %dma_wait3A_309 = arith.constant 0 : i32
      %dma_wait3A_310 = tpu.memref_slice %arg5[%mul3A_0, %dma_wait3A_309] : memref<331776x128xf32, #tpu.memory_space<hbm>> -> memref<128x128xf32, #tpu.memory_space<hbm>>
      tpu.wait_dma2 semaphore(%arg18 : memref<!tpu.dma_semaphore, #tpu.memory_space<semaphore_mem>>) src(%dma_wait3A_310 : memref<128x128xf32, #tpu.memory_space<hbm>>) dst(%dma_wait3A_308 : memref<128x128xf32, #tpu.memory_space<vmem>>)
      %eq3A_311 = arith.constant 0 : i32
      %eq3A_312 = arith.cmpi eq, %arg0, %eq3A_311 : i32
      %convert_element_type3A_313 = arith.extui %eq3A_312 : i1 to i32
      %cond3A_314 = arith.constant 0 : i32
      %cond3A_315 = arith.cmpi ne, %convert_element_type3A_313, %cond3A_314 : i32
      scf.if %cond3A_315 {
        %dma_start3A_427 = arith.constant 2 : i32
        %dma_start3A_428 = arith.constant 0 : i32
        %dma_start3A_429 = arith.constant 2 : i32
        %dma_start3A_430 = arith.constant 0 : i32
        %dma_start3A_431 = arith.constant 0 : i32
        %dma_start3A_432 = tpu.memref_slice %arg11[%dma_start3A_429, %dma_start3A_430, %dma_start3A_431] : memref<3x128x128xf32, #tpu.memory_space<vmem>> -> memref<1x128x128xf32, #tpu.memory_space<vmem>>
        %dma_start3A_433 = tpu.memref_squeeze %dma_start3A_432 : memref<1x128x128xf32, #tpu.memory_space<vmem>> -> memref<128x128xf32, #tpu.memory_space<vmem>>
        %dma_start3A_434 = arith.constant 0 : i32
        %dma_start3A_435 = tpu.memref_slice %arg10[%dma_start3A_427, %dma_start3A_428, %dma_start3A_434] : memref<3x2x128xi32, #tpu.memory_space<vmem>> -> memref<1x1x128xi32, #tpu.memory_space<vmem>>
        %dma_start3A_436 = tpu.memref_squeeze %dma_start3A_435 : memref<1x1x128xi32, #tpu.memory_space<vmem>> -> memref<128xi32, #tpu.memory_space<vmem>>
        %dma_start3A_437 = arith.constant 0 : i32
        %dma_start3A_438 = arith.constant 0 : i32
        %dma_start3A_439 = tpu.memref_slice %arg3[%dma_start3A_437, %dma_start3A_438] : memref<10000x128xf32, #tpu.memory_space<hbm>> -> memref<10000x128xf32, #tpu.memory_space<hbm>>
        tpu.enqueue_indirect_dma source(%dma_start3A_439 : memref<10000x128xf32, #tpu.memory_space<hbm>>) target(%dma_start3A_433 : memref<128x128xf32, #tpu.memory_space<vmem>>) offsets(%dma_start3A_436 : memref<128xi32, #tpu.memory_space<vmem>>) semaphore(%arg21 : memref<!tpu.dma_semaphore, #tpu.memory_space<semaphore_mem>>) {add = true}
        %dma_start3A_440 = arith.constant 2 : i32
        %dma_start3A_441 = arith.constant 1 : i32
        %dma_start3A_442 = arith.constant 2 : i32
        %dma_start3A_443 = arith.constant 0 : i32
        %dma_start3A_444 = arith.constant 0 : i32
        %dma_start3A_445 = tpu.memref_slice %arg11[%dma_start3A_442, %dma_start3A_443, %dma_start3A_444] : memref<3x128x128xf32, #tpu.memory_space<vmem>> -> memref<1x128x128xf32, #tpu.memory_space<vmem>>
        %dma_start3A_446 = tpu.memref_squeeze %dma_start3A_445 : memref<1x128x128xf32, #tpu.memory_space<vmem>> -> memref<128x128xf32, #tpu.memory_space<vmem>>
        %dma_start3A_447 = arith.constant 0 : i32
        %dma_start3A_448 = tpu.memref_slice %arg10[%dma_start3A_440, %dma_start3A_441, %dma_start3A_447] : memref<3x2x128xi32, #tpu.memory_space<vmem>> -> memref<1x1x128xi32, #tpu.memory_space<vmem>>
        %dma_start3A_449 = tpu.memref_squeeze %dma_start3A_448 : memref<1x1x128xi32, #tpu.memory_space<vmem>> -> memref<128xi32, #tpu.memory_space<vmem>>
        %dma_start3A_450 = arith.constant 0 : i32
        %dma_start3A_451 = arith.constant 0 : i32
        %dma_start3A_452 = tpu.memref_slice %arg4[%dma_start3A_450, %dma_start3A_451] : memref<10000x128xf32, #tpu.memory_space<hbm>> -> memref<10000x128xf32, #tpu.memory_space<hbm>>
        tpu.enqueue_indirect_dma source(%dma_start3A_452 : memref<10000x128xf32, #tpu.memory_space<hbm>>) target(%dma_start3A_446 : memref<128x128xf32, #tpu.memory_space<vmem>>) offsets(%dma_start3A_449 : memref<128xi32, #tpu.memory_space<vmem>>) semaphore(%arg24 : memref<!tpu.dma_semaphore, #tpu.memory_space<semaphore_mem>>) {add = true}
      } else {
      }
      %eq3A_316 = arith.constant 1 : i32
      %eq3A_317 = arith.cmpi eq, %arg0, %eq3A_316 : i32
      %convert_element_type3A_318 = arith.extui %eq3A_317 : i1 to i32
      %cond3A_319 = arith.constant 0 : i32
      %cond3A_320 = arith.cmpi ne, %convert_element_type3A_318, %cond3A_319 : i32
      scf.if %cond3A_320 {
        %dma_start3A_427 = arith.constant 2 : i32
        %dma_start3A_428 = arith.constant 0 : i32
        %dma_start3A_429 = arith.constant 2 : i32
        %dma_start3A_430 = arith.constant 0 : i32
        %dma_start3A_431 = arith.constant 0 : i32
        %dma_start3A_432 = tpu.memref_slice %arg11[%dma_start3A_429, %dma_start3A_430, %dma_start3A_431] : memref<3x128x128xf32, #tpu.memory_space<vmem>> -> memref<1x128x128xf32, #tpu.memory_space<vmem>>
        %dma_start3A_433 = tpu.memref_squeeze %dma_start3A_432 : memref<1x128x128xf32, #tpu.memory_space<vmem>> -> memref<128x128xf32, #tpu.memory_space<vmem>>
        %dma_start3A_434 = arith.constant 0 : i32
        %dma_start3A_435 = tpu.memref_slice %arg10[%dma_start3A_427, %dma_start3A_428, %dma_start3A_434] : memref<3x2x128xi32, #tpu.memory_space<vmem>> -> memref<1x1x128xi32, #tpu.memory_space<vmem>>
        %dma_start3A_436 = tpu.memref_squeeze %dma_start3A_435 : memref<1x1x128xi32, #tpu.memory_space<vmem>> -> memref<128xi32, #tpu.memory_space<vmem>>
        %dma_start3A_437 = arith.constant 0 : i32
        %dma_start3A_438 = arith.constant 0 : i32
        %dma_start3A_439 = tpu.memref_slice %arg6[%dma_start3A_437, %dma_start3A_438] : memref<10000x128xf32, #tpu.memory_space<hbm>> -> memref<10000x128xf32, #tpu.memory_space<hbm>>
        tpu.enqueue_indirect_dma source(%dma_start3A_439 : memref<10000x128xf32, #tpu.memory_space<hbm>>) target(%dma_start3A_433 : memref<128x128xf32, #tpu.memory_space<vmem>>) offsets(%dma_start3A_436 : memref<128xi32, #tpu.memory_space<vmem>>) semaphore(%arg21 : memref<!tpu.dma_semaphore, #tpu.memory_space<semaphore_mem>>) {add = true}
        %dma_start3A_440 = arith.constant 2 : i32
        %dma_start3A_441 = arith.constant 1 : i32
        %dma_start3A_442 = arith.constant 2 : i32
        %dma_start3A_443 = arith.constant 0 : i32
        %dma_start3A_444 = arith.constant 0 : i32
        %dma_start3A_445 = tpu.memref_slice %arg11[%dma_start3A_442, %dma_start3A_443, %dma_start3A_444] : memref<3x128x128xf32, #tpu.memory_space<vmem>> -> memref<1x128x128xf32, #tpu.memory_space<vmem>>
        %dma_start3A_446 = tpu.memref_squeeze %dma_start3A_445 : memref<1x128x128xf32, #tpu.memory_space<vmem>> -> memref<128x128xf32, #tpu.memory_space<vmem>>
        %dma_start3A_447 = arith.constant 0 : i32
        %dma_start3A_448 = tpu.memref_slice %arg10[%dma_start3A_440, %dma_start3A_441, %dma_start3A_447] : memref<3x2x128xi32, #tpu.memory_space<vmem>> -> memref<1x1x128xi32, #tpu.memory_space<vmem>>
        %dma_start3A_449 = tpu.memref_squeeze %dma_start3A_448 : memref<1x1x128xi32, #tpu.memory_space<vmem>> -> memref<128xi32, #tpu.memory_space<vmem>>
        %dma_start3A_450 = arith.constant 0 : i32
        %dma_start3A_451 = arith.constant 0 : i32
        %dma_start3A_452 = tpu.memref_slice %arg7[%dma_start3A_450, %dma_start3A_451] : memref<10000x128xf32, #tpu.memory_space<hbm>> -> memref<10000x128xf32, #tpu.memory_space<hbm>>
        tpu.enqueue_indirect_dma source(%dma_start3A_452 : memref<10000x128xf32, #tpu.memory_space<hbm>>) target(%dma_start3A_446 : memref<128x128xf32, #tpu.memory_space<vmem>>) offsets(%dma_start3A_449 : memref<128xi32, #tpu.memory_space<vmem>>) semaphore(%arg24 : memref<!tpu.dma_semaphore, #tpu.memory_space<semaphore_mem>>) {add = true}
      } else {
      }
      %lt3A = arith.constant 53 : i32
      %lt3A_321 = arith.cmpi slt, %add3A_188, %lt3A : i32
      %convert_element_type3A_322 = arith.extui %lt3A_321 : i1 to i32
      %cond3A_323 = arith.constant 0 : i32
      %cond3A_324 = arith.cmpi ne, %convert_element_type3A_322, %cond3A_323 : i32
      scf.if %cond3A_324 {
        %dma_wait3A_427 = arith.constant 0 : i32
        %dma_wait3A_428 = arith.constant 0 : i32
        %dma_wait3A_429 = arith.constant 1 : i32
        %dma_wait3A_430 = arith.constant 0 : i32
        %dma_wait3A_431 = arith.constant 0 : i32
        %dma_wait3A_432 = tpu.memref_slice %arg11[%dma_wait3A_427, %dma_wait3A_430, %dma_wait3A_431] : memref<3x128x128xf32, #tpu.memory_space<vmem>> -> memref<1x128x128xf32, #tpu.memory_space<vmem>>
        %dma_wait3A_433 = tpu.memref_squeeze %dma_wait3A_432 : memref<1x128x128xf32, #tpu.memory_space<vmem>> -> memref<128x128xf32, #tpu.memory_space<vmem>>
        %dma_wait3A_434 = arith.constant 0 : i32
        %dma_wait3A_435 = tpu.memref_slice %arg10[%dma_wait3A_428, %dma_wait3A_429, %dma_wait3A_434] : memref<3x2x128xi32, #tpu.memory_space<vmem>> -> memref<1x1x128xi32, #tpu.memory_space<vmem>>
        %dma_wait3A_436 = tpu.memref_squeeze %dma_wait3A_435 : memref<1x1x128xi32, #tpu.memory_space<vmem>> -> memref<128xi32, #tpu.memory_space<vmem>>
        %dma_wait3A_437 = arith.constant 0 : i32
        %dma_wait3A_438 = arith.constant 0 : i32
        %dma_wait3A_439 = tpu.memref_slice %arg12[%dma_wait3A_437, %dma_wait3A_438] : memref<10112x128xf32, #tpu.memory_space<vmem_shared>> -> memref<10112x128xf32, #tpu.memory_space<vmem_shared>>
        tpu.wait_indirect_dma semaphore(%arg25 : memref<!tpu.dma_semaphore, #tpu.memory_space<semaphore_mem>>) src(%dma_wait3A_433 : memref<128x128xf32, #tpu.memory_space<vmem>>) dst(%dma_wait3A_439 : memref<10112x128xf32, #tpu.memory_space<vmem_shared>>)
        %add3A_440 = arith.constant 2 : i32
        %add3A_441 = arith.addi %add3A_282, %add3A_440 : i32
        %mul3A_442 = arith.constant 128 : i32
        %mul3A_443 = arith.muli %add3A_441, %mul3A_442 : i32
        %add3A_444 = arith.addi %mul3A_0, %mul3A_443 : i32
        %dma_start3A_445 = arith.constant 0 : i32
        %dma_start3A_446 = arith.constant 0 : i32
        %dma_start3A_447 = arith.constant 0 : i32
        %dma_start3A_448 = tpu.memref_slice %arg10[%dma_start3A_445, %dma_start3A_446, %dma_start3A_447] : memref<3x2x128xi32, #tpu.memory_space<vmem>> -> memref<1x2x128xi32, #tpu.memory_space<vmem>>
        %dma_start3A_449 = tpu.memref_squeeze %dma_start3A_448 : memref<1x2x128xi32, #tpu.memory_space<vmem>> -> memref<2x128xi32, #tpu.memory_space<vmem>>
        %dma_start3A_450 = arith.constant 0 : i32
        %dma_start3A_451 = tpu.memref_slice %arg2[%dma_start3A_450, %add3A_444] : memref<2x331776xi32, #tpu.memory_space<hbm>> -> memref<2x128xi32, #tpu.memory_space<hbm>>
        %dma_start3A_452 = arith.constant 0 : i32
        %dma_start3A_453 = arith.constant 0 : i32
        %dma_start3A_454 = tpu.memref_slice %arg10[%dma_start3A_445, %dma_start3A_452, %dma_start3A_453] : memref<3x2x128xi32, #tpu.memory_space<vmem>> -> memref<1x2x128xi32, #tpu.memory_space<vmem>>
        %dma_start3A_455 = tpu.memref_squeeze %dma_start3A_454 : memref<1x2x128xi32, #tpu.memory_space<vmem>> -> memref<2x128xi32, #tpu.memory_space<vmem>>
        %dma_start3A_456 = arith.constant 0 : i32
        %dma_start3A_457 = tpu.memref_slice %arg2[%dma_start3A_456, %add3A_444] : memref<2x331776xi32, #tpu.memory_space<hbm>> -> memref<2x128xi32, #tpu.memory_space<hbm>>
        tpu.enqueue_dma source(%dma_start3A_457 : memref<2x128xi32, #tpu.memory_space<hbm>>) target(%dma_start3A_455 : memref<2x128xi32, #tpu.memory_space<vmem>>) target_semaphore(%arg13 : memref<!tpu.dma_semaphore, #tpu.memory_space<semaphore_mem>>)
        %eq3A_458 = arith.constant 0 : i32
        %eq3A_459 = arith.cmpi eq, %arg0, %eq3A_458 : i32
        %convert_element_type3A_460 = arith.extui %eq3A_459 : i1 to i32
        %cond3A_461 = arith.constant 0 : i32
        %cond3A_462 = arith.cmpi ne, %convert_element_type3A_460, %cond3A_461 : i32
        scf.if %cond3A_462 {
          %dma_start3A_468 = arith.constant 0 : i32
          %dma_start3A_469 = arith.constant 0 : i32
          %dma_start3A_470 = arith.constant 0 : i32
          %dma_start3A_471 = tpu.memref_slice %arg11[%dma_start3A_468, %dma_start3A_469, %dma_start3A_470] : memref<3x128x128xf32, #tpu.memory_space<vmem>> -> memref<1x128x128xf32, #tpu.memory_space<vmem>>
          %dma_start3A_472 = tpu.memref_squeeze %dma_start3A_471 : memref<1x128x128xf32, #tpu.memory_space<vmem>> -> memref<128x128xf32, #tpu.memory_space<vmem>>
          %dma_start3A_473 = arith.constant 0 : i32
          %dma_start3A_474 = tpu.memref_slice %arg5[%add3A_444, %dma_start3A_473] : memref<331776x128xf32, #tpu.memory_space<hbm>> -> memref<128x128xf32, #tpu.memory_space<hbm>>
          %dma_start3A_475 = arith.constant 0 : i32
          %dma_start3A_476 = arith.constant 0 : i32
          %dma_start3A_477 = tpu.memref_slice %arg11[%dma_start3A_468, %dma_start3A_475, %dma_start3A_476] : memref<3x128x128xf32, #tpu.memory_space<vmem>> -> memref<1x128x128xf32, #tpu.memory_space<vmem>>
          %dma_start3A_478 = tpu.memref_squeeze %dma_start3A_477 : memref<1x128x128xf32, #tpu.memory_space<vmem>> -> memref<128x128xf32, #tpu.memory_space<vmem>>
          %dma_start3A_479 = arith.constant 0 : i32
          %dma_start3A_480 = tpu.memref_slice %arg5[%add3A_444, %dma_start3A_479] : memref<331776x128xf32, #tpu.memory_space<hbm>> -> memref<128x128xf32, #tpu.memory_space<hbm>>
          tpu.enqueue_dma source(%dma_start3A_480 : memref<128x128xf32, #tpu.memory_space<hbm>>) target(%dma_start3A_478 : memref<128x128xf32, #tpu.memory_space<vmem>>) target_semaphore(%arg16 : memref<!tpu.dma_semaphore, #tpu.memory_space<semaphore_mem>>)
        } else {
        }
        %eq3A_463 = arith.constant 1 : i32
        %eq3A_464 = arith.cmpi eq, %arg0, %eq3A_463 : i32
        %convert_element_type3A_465 = arith.extui %eq3A_464 : i1 to i32
        %cond3A_466 = arith.constant 0 : i32
        %cond3A_467 = arith.cmpi ne, %convert_element_type3A_465, %cond3A_466 : i32
        scf.if %cond3A_467 {
          %dma_start3A_468 = arith.constant 0 : i32
          %dma_start3A_469 = arith.constant 0 : i32
          %dma_start3A_470 = arith.constant 0 : i32
          %dma_start3A_471 = tpu.memref_slice %arg11[%dma_start3A_468, %dma_start3A_469, %dma_start3A_470] : memref<3x128x128xf32, #tpu.memory_space<vmem>> -> memref<1x128x128xf32, #tpu.memory_space<vmem>>
          %dma_start3A_472 = tpu.memref_squeeze %dma_start3A_471 : memref<1x128x128xf32, #tpu.memory_space<vmem>> -> memref<128x128xf32, #tpu.memory_space<vmem>>
          %dma_start3A_473 = arith.constant 0 : i32
          %dma_start3A_474 = tpu.memref_slice %arg8[%add3A_444, %dma_start3A_473] : memref<331776x128xf32, #tpu.memory_space<hbm>> -> memref<128x128xf32, #tpu.memory_space<hbm>>
          %dma_start3A_475 = arith.constant 0 : i32
          %dma_start3A_476 = arith.constant 0 : i32
          %dma_start3A_477 = tpu.memref_slice %arg11[%dma_start3A_468, %dma_start3A_475, %dma_start3A_476] : memref<3x128x128xf32, #tpu.memory_space<vmem>> -> memref<1x128x128xf32, #tpu.memory_space<vmem>>
          %dma_start3A_478 = tpu.memref_squeeze %dma_start3A_477 : memref<1x128x128xf32, #tpu.memory_space<vmem>> -> memref<128x128xf32, #tpu.memory_space<vmem>>
          %dma_start3A_479 = arith.constant 0 : i32
          %dma_start3A_480 = tpu.memref_slice %arg8[%add3A_444, %dma_start3A_479] : memref<331776x128xf32, #tpu.memory_space<hbm>> -> memref<128x128xf32, #tpu.memory_space<hbm>>
          tpu.enqueue_dma source(%dma_start3A_480 : memref<128x128xf32, #tpu.memory_space<hbm>>) target(%dma_start3A_478 : memref<128x128xf32, #tpu.memory_space<vmem>>) target_semaphore(%arg16 : memref<!tpu.dma_semaphore, #tpu.memory_space<semaphore_mem>>)
        } else {
        }
      } else {
      }
      %dma_wait3A_325 = arith.constant 1 : i32
      %dma_wait3A_326 = arith.constant 0 : i32
      %dma_wait3A_327 = arith.constant 1 : i32
      %dma_wait3A_328 = arith.constant 0 : i32
      %dma_wait3A_329 = arith.constant 0 : i32
      %dma_wait3A_330 = tpu.memref_slice %arg11[%dma_wait3A_327, %dma_wait3A_328, %dma_wait3A_329] : memref<3x128x128xf32, #tpu.memory_space<vmem>> -> memref<1x128x128xf32, #tpu.memory_space<vmem>>
      %dma_wait3A_331 = tpu.memref_squeeze %dma_wait3A_330 : memref<1x128x128xf32, #tpu.memory_space<vmem>> -> memref<128x128xf32, #tpu.memory_space<vmem>>
      %dma_wait3A_332 = arith.constant 0 : i32
      %dma_wait3A_333 = tpu.memref_slice %arg10[%dma_wait3A_325, %dma_wait3A_326, %dma_wait3A_332] : memref<3x2x128xi32, #tpu.memory_space<vmem>> -> memref<1x1x128xi32, #tpu.memory_space<vmem>>
      %dma_wait3A_334 = tpu.memref_squeeze %dma_wait3A_333 : memref<1x1x128xi32, #tpu.memory_space<vmem>> -> memref<128xi32, #tpu.memory_space<vmem>>
      %dma_wait3A_335 = arith.constant 0 : i32
      %dma_wait3A_336 = arith.constant 0 : i32
      %dma_wait3A_337 = tpu.memref_slice %arg3[%dma_wait3A_335, %dma_wait3A_336] : memref<10000x128xf32, #tpu.memory_space<hbm>> -> memref<10000x128xf32, #tpu.memory_space<hbm>>
      tpu.wait_indirect_dma semaphore(%arg20 : memref<!tpu.dma_semaphore, #tpu.memory_space<semaphore_mem>>) src(%dma_wait3A_337 : memref<10000x128xf32, #tpu.memory_space<hbm>>) dst(%dma_wait3A_331 : memref<128x128xf32, #tpu.memory_space<vmem>>)
      %dma_wait3A_338 = arith.constant 1 : i32
      %dma_wait3A_339 = arith.constant 1 : i32
      %dma_wait3A_340 = arith.constant 1 : i32
      %dma_wait3A_341 = arith.constant 0 : i32
      %dma_wait3A_342 = arith.constant 0 : i32
      %dma_wait3A_343 = tpu.memref_slice %arg11[%dma_wait3A_340, %dma_wait3A_341, %dma_wait3A_342] : memref<3x128x128xf32, #tpu.memory_space<vmem>> -> memref<1x128x128xf32, #tpu.memory_space<vmem>>
      %dma_wait3A_344 = tpu.memref_squeeze %dma_wait3A_343 : memref<1x128x128xf32, #tpu.memory_space<vmem>> -> memref<128x128xf32, #tpu.memory_space<vmem>>
      %dma_wait3A_345 = arith.constant 0 : i32
      %dma_wait3A_346 = tpu.memref_slice %arg10[%dma_wait3A_338, %dma_wait3A_339, %dma_wait3A_345] : memref<3x2x128xi32, #tpu.memory_space<vmem>> -> memref<1x1x128xi32, #tpu.memory_space<vmem>>
      %dma_wait3A_347 = tpu.memref_squeeze %dma_wait3A_346 : memref<1x1x128xi32, #tpu.memory_space<vmem>> -> memref<128xi32, #tpu.memory_space<vmem>>
      %dma_wait3A_348 = arith.constant 0 : i32
      %dma_wait3A_349 = arith.constant 0 : i32
      %dma_wait3A_350 = tpu.memref_slice %arg4[%dma_wait3A_348, %dma_wait3A_349] : memref<10000x128xf32, #tpu.memory_space<hbm>> -> memref<10000x128xf32, #tpu.memory_space<hbm>>
      tpu.wait_indirect_dma semaphore(%arg23 : memref<!tpu.dma_semaphore, #tpu.memory_space<semaphore_mem>>) src(%dma_wait3A_350 : memref<10000x128xf32, #tpu.memory_space<hbm>>) dst(%dma_wait3A_344 : memref<128x128xf32, #tpu.memory_space<vmem>>)
      %scan3A_351 = arith.constant 0 : i32
      %scan3A_352 = arith.constant 128 : i32
      %scan3A_353 = arith.addi %scan3A_351, %scan3A_352 : i32
      %scan3A_354 = arith.constant 1 : i32
      scf.for %scan3A_427 = %scan3A_351 to %scan3A_353 step %scan3A_354  : i32 {
        %mul3A_428 = arith.constant 1 : i32
        %mul3A_429 = arith.muli %scan3A_427, %mul3A_428 : i32
        %add3A_430 = arith.constant 0 : i32
        %add3A_431 = arith.addi %add3A_430, %mul3A_429 : i32
        %get3A = arith.constant 1 : i32
        %get3A_432 = arith.index_cast %get3A : i32 to index
        %get3A_433 = arith.index_cast %add3A_431 : i32 to index
        %get3A_434 = arith.constant 0 : index
        %get3A_435 = tpu.vector_load %arg11[%get3A_432, %get3A_433, %get3A_434] {strides = array<i32>} : memref<3x128x128xf32, #tpu.memory_space<vmem>>, vector<1x1x16xf32>,
        %get3A_436 = vector.shape_cast %get3A_435 : vector<1x1x16xf32> to vector<16xf32>
        %max3A = arith.constant 0.000000e+00 : f32
        %max3A_437 = vector.broadcast %max3A : f32 to vector<16xf32>
        %max3A_438 = arith.maximumf %get3A_436, %max3A_437 : vector<16xf32>
        %swap3A = arith.constant 1 : i32
        %swap3A_439 = arith.index_cast %swap3A : i32 to index
        %swap3A_440 = arith.index_cast %add3A_431 : i32 to index
        %swap3A_441 = arith.constant 0 : index
        %swap3A_442 = tpu.vector_load %arg11[%swap3A_439, %swap3A_440, %swap3A_441] {strides = array<i32>} : memref<3x128x128xf32, #tpu.memory_space<vmem>>, vector<1x1x16xf32>,
        %swap3A_443 = vector.shape_cast %swap3A_442 : vector<1x1x16xf32> to vector<16xf32>
        %swap3A_444 = vector.shape_cast %max3A_438 : vector<16xf32> to vector<1x1x16xf32>
        tpu.vector_store %arg11[%swap3A_439, %swap3A_440, %swap3A_441], %swap3A_444 {strides = array<i32>} : memref<3x128x128xf32, #tpu.memory_space<vmem>>, vector<1x1x16xf32>,
        %get3A_445 = arith.constant 1 : i32
        %get3A_446 = arith.index_cast %get3A_445 : i32 to index
        %get3A_447 = arith.index_cast %add3A_431 : i32 to index
        %get3A_448 = arith.constant 16 : index
        %get3A_449 = tpu.vector_load %arg11[%get3A_446, %get3A_447, %get3A_448] {strides = array<i32>} : memref<3x128x128xf32, #tpu.memory_space<vmem>>, vector<1x1x16xf32>,
        %get3A_450 = vector.shape_cast %get3A_449 : vector<1x1x16xf32> to vector<16xf32>
        %max3A_451 = arith.constant 0.000000e+00 : f32
        %max3A_452 = vector.broadcast %max3A_451 : f32 to vector<16xf32>
        %max3A_453 = arith.maximumf %get3A_450, %max3A_452 : vector<16xf32>
        %swap3A_454 = arith.constant 1 : i32
        %swap3A_455 = arith.index_cast %swap3A_454 : i32 to index
        %swap3A_456 = arith.index_cast %add3A_431 : i32 to index
        %swap3A_457 = arith.constant 16 : index
        %swap3A_458 = tpu.vector_load %arg11[%swap3A_455, %swap3A_456, %swap3A_457] {strides = array<i32>} : memref<3x128x128xf32, #tpu.memory_space<vmem>>, vector<1x1x16xf32>,
        %swap3A_459 = vector.shape_cast %swap3A_458 : vector<1x1x16xf32> to vector<16xf32>
        %swap3A_460 = vector.shape_cast %max3A_453 : vector<16xf32> to vector<1x1x16xf32>
        tpu.vector_store %arg11[%swap3A_455, %swap3A_456, %swap3A_457], %swap3A_460 {strides = array<i32>} : memref<3x128x128xf32, #tpu.memory_space<vmem>>, vector<1x1x16xf32>,
        %get3A_461 = arith.constant 1 : i32
        %get3A_462 = arith.index_cast %get3A_461 : i32 to index
        %get3A_463 = arith.index_cast %add3A_431 : i32 to index
        %get3A_464 = arith.constant 32 : index
        %get3A_465 = tpu.vector_load %arg11[%get3A_462, %get3A_463, %get3A_464] {strides = array<i32>} : memref<3x128x128xf32, #tpu.memory_space<vmem>>, vector<1x1x16xf32>,
        %get3A_466 = vector.shape_cast %get3A_465 : vector<1x1x16xf32> to vector<16xf32>
        %max3A_467 = arith.constant 0.000000e+00 : f32
        %max3A_468 = vector.broadcast %max3A_467 : f32 to vector<16xf32>
        %max3A_469 = arith.maximumf %get3A_466, %max3A_468 : vector<16xf32>
        %swap3A_470 = arith.constant 1 : i32
        %swap3A_471 = arith.index_cast %swap3A_470 : i32 to index
        %swap3A_472 = arith.index_cast %add3A_431 : i32 to index
        %swap3A_473 = arith.constant 32 : index
        %swap3A_474 = tpu.vector_load %arg11[%swap3A_471, %swap3A_472, %swap3A_473] {strides = array<i32>} : memref<3x128x128xf32, #tpu.memory_space<vmem>>, vector<1x1x16xf32>,
        %swap3A_475 = vector.shape_cast %swap3A_474 : vector<1x1x16xf32> to vector<16xf32>
        %swap3A_476 = vector.shape_cast %max3A_469 : vector<16xf32> to vector<1x1x16xf32>
        tpu.vector_store %arg11[%swap3A_471, %swap3A_472, %swap3A_473], %swap3A_476 {strides = array<i32>} : memref<3x128x128xf32, #tpu.memory_space<vmem>>, vector<1x1x16xf32>,
        %get3A_477 = arith.constant 1 : i32
        %get3A_478 = arith.index_cast %get3A_477 : i32 to index
        %get3A_479 = arith.index_cast %add3A_431 : i32 to index
        %get3A_480 = arith.constant 48 : index
        %get3A_481 = tpu.vector_load %arg11[%get3A_478, %get3A_479, %get3A_480] {strides = array<i32>} : memref<3x128x128xf32, #tpu.memory_space<vmem>>, vector<1x1x16xf32>,
        %get3A_482 = vector.shape_cast %get3A_481 : vector<1x1x16xf32> to vector<16xf32>
        %max3A_483 = arith.constant 0.000000e+00 : f32
        %max3A_484 = vector.broadcast %max3A_483 : f32 to vector<16xf32>
        %max3A_485 = arith.maximumf %get3A_482, %max3A_484 : vector<16xf32>
        %swap3A_486 = arith.constant 1 : i32
        %swap3A_487 = arith.index_cast %swap3A_486 : i32 to index
        %swap3A_488 = arith.index_cast %add3A_431 : i32 to index
        %swap3A_489 = arith.constant 48 : index
        %swap3A_490 = tpu.vector_load %arg11[%swap3A_487, %swap3A_488, %swap3A_489] {strides = array<i32>} : memref<3x128x128xf32, #tpu.memory_space<vmem>>, vector<1x1x16xf32>,
        %swap3A_491 = vector.shape_cast %swap3A_490 : vector<1x1x16xf32> to vector<16xf32>
        %swap3A_492 = vector.shape_cast %max3A_485 : vector<16xf32> to vector<1x1x16xf32>
        tpu.vector_store %arg11[%swap3A_487, %swap3A_488, %swap3A_489], %swap3A_492 {strides = array<i32>} : memref<3x128x128xf32, #tpu.memory_space<vmem>>, vector<1x1x16xf32>,
        %get3A_493 = arith.constant 1 : i32
        %get3A_494 = arith.index_cast %get3A_493 : i32 to index
        %get3A_495 = arith.index_cast %add3A_431 : i32 to index
        %get3A_496 = arith.constant 64 : index
        %get3A_497 = tpu.vector_load %arg11[%get3A_494, %get3A_495, %get3A_496] {strides = array<i32>} : memref<3x128x128xf32, #tpu.memory_space<vmem>>, vector<1x1x16xf32>,
        %get3A_498 = vector.shape_cast %get3A_497 : vector<1x1x16xf32> to vector<16xf32>
        %max3A_499 = arith.constant 0.000000e+00 : f32
        %max3A_500 = vector.broadcast %max3A_499 : f32 to vector<16xf32>
        %max3A_501 = arith.maximumf %get3A_498, %max3A_500 : vector<16xf32>
        %swap3A_502 = arith.constant 1 : i32
        %swap3A_503 = arith.index_cast %swap3A_502 : i32 to index
        %swap3A_504 = arith.index_cast %add3A_431 : i32 to index
        %swap3A_505 = arith.constant 64 : index
        %swap3A_506 = tpu.vector_load %arg11[%swap3A_503, %swap3A_504, %swap3A_505] {strides = array<i32>} : memref<3x128x128xf32, #tpu.memory_space<vmem>>, vector<1x1x16xf32>,
        %swap3A_507 = vector.shape_cast %swap3A_506 : vector<1x1x16xf32> to vector<16xf32>
        %swap3A_508 = vector.shape_cast %max3A_501 : vector<16xf32> to vector<1x1x16xf32>
        tpu.vector_store %arg11[%swap3A_503, %swap3A_504, %swap3A_505], %swap3A_508 {strides = array<i32>} : memref<3x128x128xf32, #tpu.memory_space<vmem>>, vector<1x1x16xf32>,
        %get3A_509 = arith.constant 1 : i32
        %get3A_510 = arith.index_cast %get3A_509 : i32 to index
        %get3A_511 = arith.index_cast %add3A_431 : i32 to index
        %get3A_512 = arith.constant 80 : index
        %get3A_513 = tpu.vector_load %arg11[%get3A_510, %get3A_511, %get3A_512] {strides = array<i32>} : memref<3x128x128xf32, #tpu.memory_space<vmem>>, vector<1x1x16xf32>,
        %get3A_514 = vector.shape_cast %get3A_513 : vector<1x1x16xf32> to vector<16xf32>
        %max3A_515 = arith.constant 0.000000e+00 : f32
        %max3A_516 = vector.broadcast %max3A_515 : f32 to vector<16xf32>
        %max3A_517 = arith.maximumf %get3A_514, %max3A_516 : vector<16xf32>
        %swap3A_518 = arith.constant 1 : i32
        %swap3A_519 = arith.index_cast %swap3A_518 : i32 to index
        %swap3A_520 = arith.index_cast %add3A_431 : i32 to index
        %swap3A_521 = arith.constant 80 : index
        %swap3A_522 = tpu.vector_load %arg11[%swap3A_519, %swap3A_520, %swap3A_521] {strides = array<i32>} : memref<3x128x128xf32, #tpu.memory_space<vmem>>, vector<1x1x16xf32>,
        %swap3A_523 = vector.shape_cast %swap3A_522 : vector<1x1x16xf32> to vector<16xf32>
        %swap3A_524 = vector.shape_cast %max3A_517 : vector<16xf32> to vector<1x1x16xf32>
        tpu.vector_store %arg11[%swap3A_519, %swap3A_520, %swap3A_521], %swap3A_524 {strides = array<i32>} : memref<3x128x128xf32, #tpu.memory_space<vmem>>, vector<1x1x16xf32>,
        %get3A_525 = arith.constant 1 : i32
        %get3A_526 = arith.index_cast %get3A_525 : i32 to index
        %get3A_527 = arith.index_cast %add3A_431 : i32 to index
        %get3A_528 = arith.constant 96 : index
        %get3A_529 = tpu.vector_load %arg11[%get3A_526, %get3A_527, %get3A_528] {strides = array<i32>} : memref<3x128x128xf32, #tpu.memory_space<vmem>>, vector<1x1x16xf32>,
        %get3A_530 = vector.shape_cast %get3A_529 : vector<1x1x16xf32> to vector<16xf32>
        %max3A_531 = arith.constant 0.000000e+00 : f32
        %max3A_532 = vector.broadcast %max3A_531 : f32 to vector<16xf32>
        %max3A_533 = arith.maximumf %get3A_530, %max3A_532 : vector<16xf32>
        %swap3A_534 = arith.constant 1 : i32
        %swap3A_535 = arith.index_cast %swap3A_534 : i32 to index
        %swap3A_536 = arith.index_cast %add3A_431 : i32 to index
        %swap3A_537 = arith.constant 96 : index
        %swap3A_538 = tpu.vector_load %arg11[%swap3A_535, %swap3A_536, %swap3A_537] {strides = array<i32>} : memref<3x128x128xf32, #tpu.memory_space<vmem>>, vector<1x1x16xf32>,
        %swap3A_539 = vector.shape_cast %swap3A_538 : vector<1x1x16xf32> to vector<16xf32>
        %swap3A_540 = vector.shape_cast %max3A_533 : vector<16xf32> to vector<1x1x16xf32>
        tpu.vector_store %arg11[%swap3A_535, %swap3A_536, %swap3A_537], %swap3A_540 {strides = array<i32>} : memref<3x128x128xf32, #tpu.memory_space<vmem>>, vector<1x1x16xf32>,
        %get3A_541 = arith.constant 1 : i32
        %get3A_542 = arith.index_cast %get3A_541 : i32 to index
        %get3A_543 = arith.index_cast %add3A_431 : i32 to index
        %get3A_544 = arith.constant 112 : index
        %get3A_545 = tpu.vector_load %arg11[%get3A_542, %get3A_543, %get3A_544] {strides = array<i32>} : memref<3x128x128xf32, #tpu.memory_space<vmem>>, vector<1x1x16xf32>,
        %get3A_546 = vector.shape_cast %get3A_545 : vector<1x1x16xf32> to vector<16xf32>
        %max3A_547 = arith.constant 0.000000e+00 : f32
        %max3A_548 = vector.broadcast %max3A_547 : f32 to vector<16xf32>
        %max3A_549 = arith.maximumf %get3A_546, %max3A_548 : vector<16xf32>
        %swap3A_550 = arith.constant 1 : i32
        %swap3A_551 = arith.index_cast %swap3A_550 : i32 to index
        %swap3A_552 = arith.index_cast %add3A_431 : i32 to index
        %swap3A_553 = arith.constant 112 : index
        %swap3A_554 = tpu.vector_load %arg11[%swap3A_551, %swap3A_552, %swap3A_553] {strides = array<i32>} : memref<3x128x128xf32, #tpu.memory_space<vmem>>, vector<1x1x16xf32>,
        %swap3A_555 = vector.shape_cast %swap3A_554 : vector<1x1x16xf32> to vector<16xf32>
        %swap3A_556 = vector.shape_cast %max3A_549 : vector<16xf32> to vector<1x1x16xf32>
        tpu.vector_store %arg11[%swap3A_551, %swap3A_552, %swap3A_553], %swap3A_556 {strides = array<i32>} : memref<3x128x128xf32, #tpu.memory_space<vmem>>, vector<1x1x16xf32>,
      }
      %scan3A_355 = arith.constant 128 : i32
      %dma_start3A_356 = arith.constant 1 : i32
      %dma_start3A_357 = arith.constant 1 : i32
      %dma_start3A_358 = arith.constant 1 : i32
      %dma_start3A_359 = arith.constant 0 : i32
      %dma_start3A_360 = arith.constant 0 : i32
      %dma_start3A_361 = tpu.memref_slice %arg11[%dma_start3A_356, %dma_start3A_359, %dma_start3A_360] : memref<3x128x128xf32, #tpu.memory_space<vmem>> -> memref<1x128x128xf32, #tpu.memory_space<vmem>>
      %dma_start3A_362 = tpu.memref_squeeze %dma_start3A_361 : memref<1x128x128xf32, #tpu.memory_space<vmem>> -> memref<128x128xf32, #tpu.memory_space<vmem>>
      %dma_start3A_363 = arith.constant 0 : i32
      %dma_start3A_364 = tpu.memref_slice %arg10[%dma_start3A_357, %dma_start3A_358, %dma_start3A_363] : memref<3x2x128xi32, #tpu.memory_space<vmem>> -> memref<1x1x128xi32, #tpu.memory_space<vmem>>
      %dma_start3A_365 = tpu.memref_squeeze %dma_start3A_364 : memref<1x1x128xi32, #tpu.memory_space<vmem>> -> memref<128xi32, #tpu.memory_space<vmem>>
      %dma_start3A_366 = arith.constant 0 : i32
      %dma_start3A_367 = arith.constant 0 : i32
      %dma_start3A_368 = tpu.memref_slice %arg12[%dma_start3A_366, %dma_start3A_367] : memref<10112x128xf32, #tpu.memory_space<vmem_shared>> -> memref<10112x128xf32, #tpu.memory_space<vmem_shared>>
      tpu.enqueue_indirect_dma source(%dma_start3A_362 : memref<128x128xf32, #tpu.memory_space<vmem>>) target(%dma_start3A_368 : memref<10112x128xf32, #tpu.memory_space<vmem_shared>>) offsets(%dma_start3A_365 : memref<128xi32, #tpu.memory_space<vmem>>) semaphore(%arg26 : memref<!tpu.dma_semaphore, #tpu.memory_space<semaphore_mem>>) {add = true}
      %mul3A_369 = arith.constant 3 : i32
      %mul3A_370 = arith.muli %add3A_188, %mul3A_369 : i32
      %add3A_371 = arith.constant 2 : i32
      %add3A_372 = arith.addi %mul3A_370, %add3A_371 : i32
      %lt3A_373 = arith.constant 53 : i32
      %lt3A_374 = arith.cmpi slt, %add3A_188, %lt3A_373 : i32
      %convert_element_type3A_375 = arith.extui %lt3A_374 : i1 to i32
      %cond3A_376 = arith.constant 0 : i32
      %cond3A_377 = arith.cmpi ne, %convert_element_type3A_375, %cond3A_376 : i32
      scf.if %cond3A_377 {
        %add3A_427 = arith.constant 1 : i32
        %add3A_428 = arith.addi %add3A_372, %add3A_427 : i32
        %dma_wait3A_429 = arith.constant 0 : i32
        %dma_wait3A_430 = arith.constant 0 : i32
        %dma_wait3A_431 = arith.constant 0 : i32
        %dma_wait3A_432 = tpu.memref_slice %arg10[%dma_wait3A_429, %dma_wait3A_430, %dma_wait3A_431] : memref<3x2x128xi32, #tpu.memory_space<vmem>> -> memref<1x2x128xi32, #tpu.memory_space<vmem>>
        %dma_wait3A_433 = tpu.memref_squeeze %dma_wait3A_432 : memref<1x2x128xi32, #tpu.memory_space<vmem>> -> memref<2x128xi32, #tpu.memory_space<vmem>>
        %dma_wait3A_434 = arith.constant 0 : i32
        %dma_wait3A_435 = tpu.memref_slice %arg2[%dma_wait3A_434, %mul3A_0] : memref<2x331776xi32, #tpu.memory_space<hbm>> -> memref<2x128xi32, #tpu.memory_space<hbm>>
        %dma_wait3A_436 = arith.constant 0 : i32
        %dma_wait3A_437 = arith.constant 0 : i32
        %dma_wait3A_438 = tpu.memref_slice %arg10[%dma_wait3A_429, %dma_wait3A_436, %dma_wait3A_437] : memref<3x2x128xi32, #tpu.memory_space<vmem>> -> memref<1x2x128xi32, #tpu.memory_space<vmem>>
        %dma_wait3A_439 = tpu.memref_squeeze %dma_wait3A_438 : memref<1x2x128xi32, #tpu.memory_space<vmem>> -> memref<2x128xi32, #tpu.memory_space<vmem>>
        %dma_wait3A_440 = arith.constant 0 : i32
        %dma_wait3A_441 = tpu.memref_slice %arg2[%dma_wait3A_440, %mul3A_0] : memref<2x331776xi32, #tpu.memory_space<hbm>> -> memref<2x128xi32, #tpu.memory_space<hbm>>
        tpu.wait_dma2 semaphore(%arg13 : memref<!tpu.dma_semaphore, #tpu.memory_space<semaphore_mem>>) src(%dma_wait3A_441 : memref<2x128xi32, #tpu.memory_space<hbm>>) dst(%dma_wait3A_439 : memref<2x128xi32, #tpu.memory_space<vmem>>)
        %dma_wait3A_442 = arith.constant 0 : i32
        %dma_wait3A_443 = arith.constant 0 : i32
        %dma_wait3A_444 = arith.constant 0 : i32
        %dma_wait3A_445 = tpu.memref_slice %arg11[%dma_wait3A_442, %dma_wait3A_443, %dma_wait3A_444] : memref<3x128x128xf32, #tpu.memory_space<vmem>> -> memref<1x128x128xf32, #tpu.memory_space<vmem>>
        %dma_wait3A_446 = tpu.memref_squeeze %dma_wait3A_445 : memref<1x128x128xf32, #tpu.memory_space<vmem>> -> memref<128x128xf32, #tpu.memory_space<vmem>>
        %dma_wait3A_447 = arith.constant 0 : i32
        %dma_wait3A_448 = tpu.memref_slice %arg5[%mul3A_0, %dma_wait3A_447] : memref<331776x128xf32, #tpu.memory_space<hbm>> -> memref<128x128xf32, #tpu.memory_space<hbm>>
        %dma_wait3A_449 = arith.constant 0 : i32
        %dma_wait3A_450 = arith.constant 0 : i32
        %dma_wait3A_451 = tpu.memref_slice %arg11[%dma_wait3A_442, %dma_wait3A_449, %dma_wait3A_450] : memref<3x128x128xf32, #tpu.memory_space<vmem>> -> memref<1x128x128xf32, #tpu.memory_space<vmem>>
        %dma_wait3A_452 = tpu.memref_squeeze %dma_wait3A_451 : memref<1x128x128xf32, #tpu.memory_space<vmem>> -> memref<128x128xf32, #tpu.memory_space<vmem>>
        %dma_wait3A_453 = arith.constant 0 : i32
        %dma_wait3A_454 = tpu.memref_slice %arg5[%mul3A_0, %dma_wait3A_453] : memref<331776x128xf32, #tpu.memory_space<hbm>> -> memref<128x128xf32, #tpu.memory_space<hbm>>
        tpu.wait_dma2 semaphore(%arg16 : memref<!tpu.dma_semaphore, #tpu.memory_space<semaphore_mem>>) src(%dma_wait3A_454 : memref<128x128xf32, #tpu.memory_space<hbm>>) dst(%dma_wait3A_452 : memref<128x128xf32, #tpu.memory_space<vmem>>)
        %eq3A_455 = arith.constant 0 : i32
        %eq3A_456 = arith.cmpi eq, %arg0, %eq3A_455 : i32
        %convert_element_type3A_457 = arith.extui %eq3A_456 : i1 to i32
        %cond3A_458 = arith.constant 0 : i32
        %cond3A_459 = arith.cmpi ne, %convert_element_type3A_457, %cond3A_458 : i32
        scf.if %cond3A_459 {
          %dma_start3A_465 = arith.constant 0 : i32
          %dma_start3A_466 = arith.constant 0 : i32
          %dma_start3A_467 = arith.constant 0 : i32
          %dma_start3A_468 = arith.constant 0 : i32
          %dma_start3A_469 = arith.constant 0 : i32
          %dma_start3A_470 = tpu.memref_slice %arg11[%dma_start3A_467, %dma_start3A_468, %dma_start3A_469] : memref<3x128x128xf32, #tpu.memory_space<vmem>> -> memref<1x128x128xf32, #tpu.memory_space<vmem>>
          %dma_start3A_471 = tpu.memref_squeeze %dma_start3A_470 : memref<1x128x128xf32, #tpu.memory_space<vmem>> -> memref<128x128xf32, #tpu.memory_space<vmem>>
          %dma_start3A_472 = arith.constant 0 : i32
          %dma_start3A_473 = tpu.memref_slice %arg10[%dma_start3A_465, %dma_start3A_466, %dma_start3A_472] : memref<3x2x128xi32, #tpu.memory_space<vmem>> -> memref<1x1x128xi32, #tpu.memory_space<vmem>>
          %dma_start3A_474 = tpu.memref_squeeze %dma_start3A_473 : memref<1x1x128xi32, #tpu.memory_space<vmem>> -> memref<128xi32, #tpu.memory_space<vmem>>
          %dma_start3A_475 = arith.constant 0 : i32
          %dma_start3A_476 = arith.constant 0 : i32
          %dma_start3A_477 = tpu.memref_slice %arg3[%dma_start3A_475, %dma_start3A_476] : memref<10000x128xf32, #tpu.memory_space<hbm>> -> memref<10000x128xf32, #tpu.memory_space<hbm>>
          tpu.enqueue_indirect_dma source(%dma_start3A_477 : memref<10000x128xf32, #tpu.memory_space<hbm>>) target(%dma_start3A_471 : memref<128x128xf32, #tpu.memory_space<vmem>>) offsets(%dma_start3A_474 : memref<128xi32, #tpu.memory_space<vmem>>) semaphore(%arg19 : memref<!tpu.dma_semaphore, #tpu.memory_space<semaphore_mem>>) {add = true}
          %dma_start3A_478 = arith.constant 0 : i32
          %dma_start3A_479 = arith.constant 1 : i32
          %dma_start3A_480 = arith.constant 0 : i32
          %dma_start3A_481 = arith.constant 0 : i32
          %dma_start3A_482 = arith.constant 0 : i32
          %dma_start3A_483 = tpu.memref_slice %arg11[%dma_start3A_480, %dma_start3A_481, %dma_start3A_482] : memref<3x128x128xf32, #tpu.memory_space<vmem>> -> memref<1x128x128xf32, #tpu.memory_space<vmem>>
          %dma_start3A_484 = tpu.memref_squeeze %dma_start3A_483 : memref<1x128x128xf32, #tpu.memory_space<vmem>> -> memref<128x128xf32, #tpu.memory_space<vmem>>
          %dma_start3A_485 = arith.constant 0 : i32
          %dma_start3A_486 = tpu.memref_slice %arg10[%dma_start3A_478, %dma_start3A_479, %dma_start3A_485] : memref<3x2x128xi32, #tpu.memory_space<vmem>> -> memref<1x1x128xi32, #tpu.memory_space<vmem>>
          %dma_start3A_487 = tpu.memref_squeeze %dma_start3A_486 : memref<1x1x128xi32, #tpu.memory_space<vmem>> -> memref<128xi32, #tpu.memory_space<vmem>>
          %dma_start3A_488 = arith.constant 0 : i32
          %dma_start3A_489 = arith.constant 0 : i32
          %dma_start3A_490 = tpu.memref_slice %arg4[%dma_start3A_488, %dma_start3A_489] : memref<10000x128xf32, #tpu.memory_space<hbm>> -> memref<10000x128xf32, #tpu.memory_space<hbm>>
          tpu.enqueue_indirect_dma source(%dma_start3A_490 : memref<10000x128xf32, #tpu.memory_space<hbm>>) target(%dma_start3A_484 : memref<128x128xf32, #tpu.memory_space<vmem>>) offsets(%dma_start3A_487 : memref<128xi32, #tpu.memory_space<vmem>>) semaphore(%arg22 : memref<!tpu.dma_semaphore, #tpu.memory_space<semaphore_mem>>) {add = true}
        } else {
        }
        %eq3A_460 = arith.constant 1 : i32
        %eq3A_461 = arith.cmpi eq, %arg0, %eq3A_460 : i32
        %convert_element_type3A_462 = arith.extui %eq3A_461 : i1 to i32
        %cond3A_463 = arith.constant 0 : i32
        %cond3A_464 = arith.cmpi ne, %convert_element_type3A_462, %cond3A_463 : i32
        scf.if %cond3A_464 {
          %dma_start3A_465 = arith.constant 0 : i32
          %dma_start3A_466 = arith.constant 0 : i32
          %dma_start3A_467 = arith.constant 0 : i32
          %dma_start3A_468 = arith.constant 0 : i32
          %dma_start3A_469 = arith.constant 0 : i32
          %dma_start3A_470 = tpu.memref_slice %arg11[%dma_start3A_467, %dma_start3A_468, %dma_start3A_469] : memref<3x128x128xf32, #tpu.memory_space<vmem>> -> memref<1x128x128xf32, #tpu.memory_space<vmem>>
          %dma_start3A_471 = tpu.memref_squeeze %dma_start3A_470 : memref<1x128x128xf32, #tpu.memory_space<vmem>> -> memref<128x128xf32, #tpu.memory_space<vmem>>
          %dma_start3A_472 = arith.constant 0 : i32
          %dma_start3A_473 = tpu.memref_slice %arg10[%dma_start3A_465, %dma_start3A_466, %dma_start3A_472] : memref<3x2x128xi32, #tpu.memory_space<vmem>> -> memref<1x1x128xi32, #tpu.memory_space<vmem>>
          %dma_start3A_474 = tpu.memref_squeeze %dma_start3A_473 : memref<1x1x128xi32, #tpu.memory_space<vmem>> -> memref<128xi32, #tpu.memory_space<vmem>>
          %dma_start3A_475 = arith.constant 0 : i32
          %dma_start3A_476 = arith.constant 0 : i32
          %dma_start3A_477 = tpu.memref_slice %arg6[%dma_start3A_475, %dma_start3A_476] : memref<10000x128xf32, #tpu.memory_space<hbm>> -> memref<10000x128xf32, #tpu.memory_space<hbm>>
          tpu.enqueue_indirect_dma source(%dma_start3A_477 : memref<10000x128xf32, #tpu.memory_space<hbm>>) target(%dma_start3A_471 : memref<128x128xf32, #tpu.memory_space<vmem>>) offsets(%dma_start3A_474 : memref<128xi32, #tpu.memory_space<vmem>>) semaphore(%arg19 : memref<!tpu.dma_semaphore, #tpu.memory_space<semaphore_mem>>) {add = true}
          %dma_start3A_478 = arith.constant 0 : i32
          %dma_start3A_479 = arith.constant 1 : i32
          %dma_start3A_480 = arith.constant 0 : i32
          %dma_start3A_481 = arith.constant 0 : i32
          %dma_start3A_482 = arith.constant 0 : i32
          %dma_start3A_483 = tpu.memref_slice %arg11[%dma_start3A_480, %dma_start3A_481, %dma_start3A_482] : memref<3x128x128xf32, #tpu.memory_space<vmem>> -> memref<1x128x128xf32, #tpu.memory_space<vmem>>
          %dma_start3A_484 = tpu.memref_squeeze %dma_start3A_483 : memref<1x128x128xf32, #tpu.memory_space<vmem>> -> memref<128x128xf32, #tpu.memory_space<vmem>>
          %dma_start3A_485 = arith.constant 0 : i32
          %dma_start3A_486 = tpu.memref_slice %arg10[%dma_start3A_478, %dma_start3A_479, %dma_start3A_485] : memref<3x2x128xi32, #tpu.memory_space<vmem>> -> memref<1x1x128xi32, #tpu.memory_space<vmem>>
          %dma_start3A_487 = tpu.memref_squeeze %dma_start3A_486 : memref<1x1x128xi32, #tpu.memory_space<vmem>> -> memref<128xi32, #tpu.memory_space<vmem>>
          %dma_start3A_488 = arith.constant 0 : i32
          %dma_start3A_489 = arith.constant 0 : i32
          %dma_start3A_490 = tpu.memref_slice %arg7[%dma_start3A_488, %dma_start3A_489] : memref<10000x128xf32, #tpu.memory_space<hbm>> -> memref<10000x128xf32, #tpu.memory_space<hbm>>
          tpu.enqueue_indirect_dma source(%dma_start3A_490 : memref<10000x128xf32, #tpu.memory_space<hbm>>) target(%dma_start3A_484 : memref<128x128xf32, #tpu.memory_space<vmem>>) offsets(%dma_start3A_487 : memref<128xi32, #tpu.memory_space<vmem>>) semaphore(%arg22 : memref<!tpu.dma_semaphore, #tpu.memory_space<semaphore_mem>>) {add = true}
        } else {
        }
      } else {
      }
      %lt3A_378 = arith.constant 53 : i32
      %lt3A_379 = arith.cmpi slt, %add3A_188, %lt3A_378 : i32
      %convert_element_type3A_380 = arith.extui %lt3A_379 : i1 to i32
      %cond3A_381 = arith.constant 0 : i32
      %cond3A_382 = arith.cmpi ne, %convert_element_type3A_380, %cond3A_381 : i32
      scf.if %cond3A_382 {
        %dma_wait3A_427 = arith.constant 1 : i32
        %dma_wait3A_428 = arith.constant 1 : i32
        %dma_wait3A_429 = arith.constant 1 : i32
        %dma_wait3A_430 = arith.constant 0 : i32
        %dma_wait3A_431 = arith.constant 0 : i32
        %dma_wait3A_432 = tpu.memref_slice %arg11[%dma_wait3A_427, %dma_wait3A_430, %dma_wait3A_431] : memref<3x128x128xf32, #tpu.memory_space<vmem>> -> memref<1x128x128xf32, #tpu.memory_space<vmem>>
        %dma_wait3A_433 = tpu.memref_squeeze %dma_wait3A_432 : memref<1x128x128xf32, #tpu.memory_space<vmem>> -> memref<128x128xf32, #tpu.memory_space<vmem>>
        %dma_wait3A_434 = arith.constant 0 : i32
        %dma_wait3A_435 = tpu.memref_slice %arg10[%dma_wait3A_428, %dma_wait3A_429, %dma_wait3A_434] : memref<3x2x128xi32, #tpu.memory_space<vmem>> -> memref<1x1x128xi32, #tpu.memory_space<vmem>>
        %dma_wait3A_436 = tpu.memref_squeeze %dma_wait3A_435 : memref<1x1x128xi32, #tpu.memory_space<vmem>> -> memref<128xi32, #tpu.memory_space<vmem>>
        %dma_wait3A_437 = arith.constant 0 : i32
        %dma_wait3A_438 = arith.constant 0 : i32
        %dma_wait3A_439 = tpu.memref_slice %arg12[%dma_wait3A_437, %dma_wait3A_438] : memref<10112x128xf32, #tpu.memory_space<vmem_shared>> -> memref<10112x128xf32, #tpu.memory_space<vmem_shared>>
        tpu.wait_indirect_dma semaphore(%arg26 : memref<!tpu.dma_semaphore, #tpu.memory_space<semaphore_mem>>) src(%dma_wait3A_433 : memref<128x128xf32, #tpu.memory_space<vmem>>) dst(%dma_wait3A_439 : memref<10112x128xf32, #tpu.memory_space<vmem_shared>>)
        %add3A_440 = arith.constant 2 : i32
        %add3A_441 = arith.addi %add3A_372, %add3A_440 : i32
        %mul3A_442 = arith.constant 128 : i32
        %mul3A_443 = arith.muli %add3A_441, %mul3A_442 : i32
        %add3A_444 = arith.addi %mul3A_0, %mul3A_443 : i32
        %dma_start3A_445 = arith.constant 1 : i32
        %dma_start3A_446 = arith.constant 0 : i32
        %dma_start3A_447 = arith.constant 0 : i32
        %dma_start3A_448 = tpu.memref_slice %arg10[%dma_start3A_445, %dma_start3A_446, %dma_start3A_447] : memref<3x2x128xi32, #tpu.memory_space<vmem>> -> memref<1x2x128xi32, #tpu.memory_space<vmem>>
        %dma_start3A_449 = tpu.memref_squeeze %dma_start3A_448 : memref<1x2x128xi32, #tpu.memory_space<vmem>> -> memref<2x128xi32, #tpu.memory_space<vmem>>
        %dma_start3A_450 = arith.constant 0 : i32
        %dma_start3A_451 = tpu.memref_slice %arg2[%dma_start3A_450, %add3A_444] : memref<2x331776xi32, #tpu.memory_space<hbm>> -> memref<2x128xi32, #tpu.memory_space<hbm>>
        %dma_start3A_452 = arith.constant 0 : i32
        %dma_start3A_453 = arith.constant 0 : i32
        %dma_start3A_454 = tpu.memref_slice %arg10[%dma_start3A_445, %dma_start3A_452, %dma_start3A_453] : memref<3x2x128xi32, #tpu.memory_space<vmem>> -> memref<1x2x128xi32, #tpu.memory_space<vmem>>
        %dma_start3A_455 = tpu.memref_squeeze %dma_start3A_454 : memref<1x2x128xi32, #tpu.memory_space<vmem>> -> memref<2x128xi32, #tpu.memory_space<vmem>>
        %dma_start3A_456 = arith.constant 0 : i32
        %dma_start3A_457 = tpu.memref_slice %arg2[%dma_start3A_456, %add3A_444] : memref<2x331776xi32, #tpu.memory_space<hbm>> -> memref<2x128xi32, #tpu.memory_space<hbm>>
        tpu.enqueue_dma source(%dma_start3A_457 : memref<2x128xi32, #tpu.memory_space<hbm>>) target(%dma_start3A_455 : memref<2x128xi32, #tpu.memory_space<vmem>>) target_semaphore(%arg14 : memref<!tpu.dma_semaphore, #tpu.memory_space<semaphore_mem>>)
        %eq3A_458 = arith.constant 0 : i32
        %eq3A_459 = arith.cmpi eq, %arg0, %eq3A_458 : i32
        %convert_element_type3A_460 = arith.extui %eq3A_459 : i1 to i32
        %cond3A_461 = arith.constant 0 : i32
        %cond3A_462 = arith.cmpi ne, %convert_element_type3A_460, %cond3A_461 : i32
        scf.if %cond3A_462 {
          %dma_start3A_468 = arith.constant 1 : i32
          %dma_start3A_469 = arith.constant 0 : i32
          %dma_start3A_470 = arith.constant 0 : i32
          %dma_start3A_471 = tpu.memref_slice %arg11[%dma_start3A_468, %dma_start3A_469, %dma_start3A_470] : memref<3x128x128xf32, #tpu.memory_space<vmem>> -> memref<1x128x128xf32, #tpu.memory_space<vmem>>
          %dma_start3A_472 = tpu.memref_squeeze %dma_start3A_471 : memref<1x128x128xf32, #tpu.memory_space<vmem>> -> memref<128x128xf32, #tpu.memory_space<vmem>>
          %dma_start3A_473 = arith.constant 0 : i32
          %dma_start3A_474 = tpu.memref_slice %arg5[%add3A_444, %dma_start3A_473] : memref<331776x128xf32, #tpu.memory_space<hbm>> -> memref<128x128xf32, #tpu.memory_space<hbm>>
          %dma_start3A_475 = arith.constant 0 : i32
          %dma_start3A_476 = arith.constant 0 : i32
          %dma_start3A_477 = tpu.memref_slice %arg11[%dma_start3A_468, %dma_start3A_475, %dma_start3A_476] : memref<3x128x128xf32, #tpu.memory_space<vmem>> -> memref<1x128x128xf32, #tpu.memory_space<vmem>>
          %dma_start3A_478 = tpu.memref_squeeze %dma_start3A_477 : memref<1x128x128xf32, #tpu.memory_space<vmem>> -> memref<128x128xf32, #tpu.memory_space<vmem>>
          %dma_start3A_479 = arith.constant 0 : i32
          %dma_start3A_480 = tpu.memref_slice %arg5[%add3A_444, %dma_start3A_479] : memref<331776x128xf32, #tpu.memory_space<hbm>> -> memref<128x128xf32, #tpu.memory_space<hbm>>
          tpu.enqueue_dma source(%dma_start3A_480 : memref<128x128xf32, #tpu.memory_space<hbm>>) target(%dma_start3A_478 : memref<128x128xf32, #tpu.memory_space<vmem>>) target_semaphore(%arg17 : memref<!tpu.dma_semaphore, #tpu.memory_space<semaphore_mem>>)
        } else {
        }
        %eq3A_463 = arith.constant 1 : i32
        %eq3A_464 = arith.cmpi eq, %arg0, %eq3A_463 : i32
        %convert_element_type3A_465 = arith.extui %eq3A_464 : i1 to i32
        %cond3A_466 = arith.constant 0 : i32
        %cond3A_467 = arith.cmpi ne, %convert_element_type3A_465, %cond3A_466 : i32
        scf.if %cond3A_467 {
          %dma_start3A_468 = arith.constant 1 : i32
          %dma_start3A_469 = arith.constant 0 : i32
          %dma_start3A_470 = arith.constant 0 : i32
          %dma_start3A_471 = tpu.memref_slice %arg11[%dma_start3A_468, %dma_start3A_469, %dma_start3A_470] : memref<3x128x128xf32, #tpu.memory_space<vmem>> -> memref<1x128x128xf32, #tpu.memory_space<vmem>>
          %dma_start3A_472 = tpu.memref_squeeze %dma_start3A_471 : memref<1x128x128xf32, #tpu.memory_space<vmem>> -> memref<128x128xf32, #tpu.memory_space<vmem>>
          %dma_start3A_473 = arith.constant 0 : i32
          %dma_start3A_474 = tpu.memref_slice %arg8[%add3A_444, %dma_start3A_473] : memref<331776x128xf32, #tpu.memory_space<hbm>> -> memref<128x128xf32, #tpu.memory_space<hbm>>
          %dma_start3A_475 = arith.constant 0 : i32
          %dma_start3A_476 = arith.constant 0 : i32
          %dma_start3A_477 = tpu.memref_slice %arg11[%dma_start3A_468, %dma_start3A_475, %dma_start3A_476] : memref<3x128x128xf32, #tpu.memory_space<vmem>> -> memref<1x128x128xf32, #tpu.memory_space<vmem>>
          %dma_start3A_478 = tpu.memref_squeeze %dma_start3A_477 : memref<1x128x128xf32, #tpu.memory_space<vmem>> -> memref<128x128xf32, #tpu.memory_space<vmem>>
          %dma_start3A_479 = arith.constant 0 : i32
          %dma_start3A_480 = tpu.memref_slice %arg8[%add3A_444, %dma_start3A_479] : memref<331776x128xf32, #tpu.memory_space<hbm>> -> memref<128x128xf32, #tpu.memory_space<hbm>>
          tpu.enqueue_dma source(%dma_start3A_480 : memref<128x128xf32, #tpu.memory_space<hbm>>) target(%dma_start3A_478 : memref<128x128xf32, #tpu.memory_space<vmem>>) target_semaphore(%arg17 : memref<!tpu.dma_semaphore, #tpu.memory_space<semaphore_mem>>)
        } else {
        }
      } else {
      }
      %dma_wait3A_383 = arith.constant 2 : i32
      %dma_wait3A_384 = arith.constant 0 : i32
      %dma_wait3A_385 = arith.constant 2 : i32
      %dma_wait3A_386 = arith.constant 0 : i32
      %dma_wait3A_387 = arith.constant 0 : i32
      %dma_wait3A_388 = tpu.memref_slice %arg11[%dma_wait3A_385, %dma_wait3A_386, %dma_wait3A_387] : memref<3x128x128xf32, #tpu.memory_space<vmem>> -> memref<1x128x128xf32, #tpu.memory_space<vmem>>
      %dma_wait3A_389 = tpu.memref_squeeze %dma_wait3A_388 : memref<1x128x128xf32, #tpu.memory_space<vmem>> -> memref<128x128xf32, #tpu.memory_space<vmem>>
      %dma_wait3A_390 = arith.constant 0 : i32
      %dma_wait3A_391 = tpu.memref_slice %arg10[%dma_wait3A_383, %dma_wait3A_384, %dma_wait3A_390] : memref<3x2x128xi32, #tpu.memory_space<vmem>> -> memref<1x1x128xi32, #tpu.memory_space<vmem>>
      %dma_wait3A_392 = tpu.memref_squeeze %dma_wait3A_391 : memref<1x1x128xi32, #tpu.memory_space<vmem>> -> memref<128xi32, #tpu.memory_space<vmem>>
      %dma_wait3A_393 = arith.constant 0 : i32
      %dma_wait3A_394 = arith.constant 0 : i32
      %dma_wait3A_395 = tpu.memref_slice %arg3[%dma_wait3A_393, %dma_wait3A_394] : memref<10000x128xf32, #tpu.memory_space<hbm>> -> memref<10000x128xf32, #tpu.memory_space<hbm>>
      tpu.wait_indirect_dma semaphore(%arg21 : memref<!tpu.dma_semaphore, #tpu.memory_space<semaphore_mem>>) src(%dma_wait3A_395 : memref<10000x128xf32, #tpu.memory_space<hbm>>) dst(%dma_wait3A_389 : memref<128x128xf32, #tpu.memory_space<vmem>>)
      %dma_wait3A_396 = arith.constant 2 : i32
      %dma_wait3A_397 = arith.constant 1 : i32
      %dma_wait3A_398 = arith.constant 2 : i32
      %dma_wait3A_399 = arith.constant 0 : i32
      %dma_wait3A_400 = arith.constant 0 : i32
      %dma_wait3A_401 = tpu.memref_slice %arg11[%dma_wait3A_398, %dma_wait3A_399, %dma_wait3A_400] : memref<3x128x128xf32, #tpu.memory_space<vmem>> -> memref<1x128x128xf32, #tpu.memory_space<vmem>>
      %dma_wait3A_402 = tpu.memref_squeeze %dma_wait3A_401 : memref<1x128x128xf32, #tpu.memory_space<vmem>> -> memref<128x128xf32, #tpu.memory_space<vmem>>
      %dma_wait3A_403 = arith.constant 0 : i32
      %dma_wait3A_404 = tpu.memref_slice %arg10[%dma_wait3A_396, %dma_wait3A_397, %dma_wait3A_403] : memref<3x2x128xi32, #tpu.memory_space<vmem>> -> memref<1x1x128xi32, #tpu.memory_space<vmem>>
      %dma_wait3A_405 = tpu.memref_squeeze %dma_wait3A_404 : memref<1x1x128xi32, #tpu.memory_space<vmem>> -> memref<128xi32, #tpu.memory_space<vmem>>
      %dma_wait3A_406 = arith.constant 0 : i32
      %dma_wait3A_407 = arith.constant 0 : i32
      %dma_wait3A_408 = tpu.memref_slice %arg4[%dma_wait3A_406, %dma_wait3A_407] : memref<10000x128xf32, #tpu.memory_space<hbm>> -> memref<10000x128xf32, #tpu.memory_space<hbm>>
      tpu.wait_indirect_dma semaphore(%arg24 : memref<!tpu.dma_semaphore, #tpu.memory_space<semaphore_mem>>) src(%dma_wait3A_408 : memref<10000x128xf32, #tpu.memory_space<hbm>>) dst(%dma_wait3A_402 : memref<128x128xf32, #tpu.memory_space<vmem>>)
      %scan3A_409 = arith.constant 0 : i32
      %scan3A_410 = arith.constant 128 : i32
      %scan3A_411 = arith.addi %scan3A_409, %scan3A_410 : i32
      %scan3A_412 = arith.constant 1 : i32
      scf.for %scan3A_427 = %scan3A_409 to %scan3A_411 step %scan3A_412  : i32 {
        %mul3A_428 = arith.constant 1 : i32
        %mul3A_429 = arith.muli %scan3A_427, %mul3A_428 : i32
        %add3A_430 = arith.constant 0 : i32
        %add3A_431 = arith.addi %add3A_430, %mul3A_429 : i32
        %get3A = arith.constant 2 : i32
        %get3A_432 = arith.index_cast %get3A : i32 to index
        %get3A_433 = arith.index_cast %add3A_431 : i32 to index
        %get3A_434 = arith.constant 0 : index
        %get3A_435 = tpu.vector_load %arg11[%get3A_432, %get3A_433, %get3A_434] {strides = array<i32>} : memref<3x128x128xf32, #tpu.memory_space<vmem>>, vector<1x1x16xf32>,
        %get3A_436 = vector.shape_cast %get3A_435 : vector<1x1x16xf32> to vector<16xf32>
        %max3A = arith.constant 0.000000e+00 : f32
        %max3A_437 = vector.broadcast %max3A : f32 to vector<16xf32>
        %max3A_438 = arith.maximumf %get3A_436, %max3A_437 : vector<16xf32>
        %swap3A = arith.constant 2 : i32
        %swap3A_439 = arith.index_cast %swap3A : i32 to index
        %swap3A_440 = arith.index_cast %add3A_431 : i32 to index
        %swap3A_441 = arith.constant 0 : index
        %swap3A_442 = tpu.vector_load %arg11[%swap3A_439, %swap3A_440, %swap3A_441] {strides = array<i32>} : memref<3x128x128xf32, #tpu.memory_space<vmem>>, vector<1x1x16xf32>,
        %swap3A_443 = vector.shape_cast %swap3A_442 : vector<1x1x16xf32> to vector<16xf32>
        %swap3A_444 = vector.shape_cast %max3A_438 : vector<16xf32> to vector<1x1x16xf32>
        tpu.vector_store %arg11[%swap3A_439, %swap3A_440, %swap3A_441], %swap3A_444 {strides = array<i32>} : memref<3x128x128xf32, #tpu.memory_space<vmem>>, vector<1x1x16xf32>,
        %get3A_445 = arith.constant 2 : i32
        %get3A_446 = arith.index_cast %get3A_445 : i32 to index
        %get3A_447 = arith.index_cast %add3A_431 : i32 to index
        %get3A_448 = arith.constant 16 : index
        %get3A_449 = tpu.vector_load %arg11[%get3A_446, %get3A_447, %get3A_448] {strides = array<i32>} : memref<3x128x128xf32, #tpu.memory_space<vmem>>, vector<1x1x16xf32>,
        %get3A_450 = vector.shape_cast %get3A_449 : vector<1x1x16xf32> to vector<16xf32>
        %max3A_451 = arith.constant 0.000000e+00 : f32
        %max3A_452 = vector.broadcast %max3A_451 : f32 to vector<16xf32>
        %max3A_453 = arith.maximumf %get3A_450, %max3A_452 : vector<16xf32>
        %swap3A_454 = arith.constant 2 : i32
        %swap3A_455 = arith.index_cast %swap3A_454 : i32 to index
        %swap3A_456 = arith.index_cast %add3A_431 : i32 to index
        %swap3A_457 = arith.constant 16 : index
        %swap3A_458 = tpu.vector_load %arg11[%swap3A_455, %swap3A_456, %swap3A_457] {strides = array<i32>} : memref<3x128x128xf32, #tpu.memory_space<vmem>>, vector<1x1x16xf32>,
        %swap3A_459 = vector.shape_cast %swap3A_458 : vector<1x1x16xf32> to vector<16xf32>
        %swap3A_460 = vector.shape_cast %max3A_453 : vector<16xf32> to vector<1x1x16xf32>
        tpu.vector_store %arg11[%swap3A_455, %swap3A_456, %swap3A_457], %swap3A_460 {strides = array<i32>} : memref<3x128x128xf32, #tpu.memory_space<vmem>>, vector<1x1x16xf32>,
        %get3A_461 = arith.constant 2 : i32
        %get3A_462 = arith.index_cast %get3A_461 : i32 to index
        %get3A_463 = arith.index_cast %add3A_431 : i32 to index
        %get3A_464 = arith.constant 32 : index
        %get3A_465 = tpu.vector_load %arg11[%get3A_462, %get3A_463, %get3A_464] {strides = array<i32>} : memref<3x128x128xf32, #tpu.memory_space<vmem>>, vector<1x1x16xf32>,
        %get3A_466 = vector.shape_cast %get3A_465 : vector<1x1x16xf32> to vector<16xf32>
        %max3A_467 = arith.constant 0.000000e+00 : f32
        %max3A_468 = vector.broadcast %max3A_467 : f32 to vector<16xf32>
        %max3A_469 = arith.maximumf %get3A_466, %max3A_468 : vector<16xf32>
        %swap3A_470 = arith.constant 2 : i32
        %swap3A_471 = arith.index_cast %swap3A_470 : i32 to index
        %swap3A_472 = arith.index_cast %add3A_431 : i32 to index
        %swap3A_473 = arith.constant 32 : index
        %swap3A_474 = tpu.vector_load %arg11[%swap3A_471, %swap3A_472, %swap3A_473] {strides = array<i32>} : memref<3x128x128xf32, #tpu.memory_space<vmem>>, vector<1x1x16xf32>,
        %swap3A_475 = vector.shape_cast %swap3A_474 : vector<1x1x16xf32> to vector<16xf32>
        %swap3A_476 = vector.shape_cast %max3A_469 : vector<16xf32> to vector<1x1x16xf32>
        tpu.vector_store %arg11[%swap3A_471, %swap3A_472, %swap3A_473], %swap3A_476 {strides = array<i32>} : memref<3x128x128xf32, #tpu.memory_space<vmem>>, vector<1x1x16xf32>,
        %get3A_477 = arith.constant 2 : i32
        %get3A_478 = arith.index_cast %get3A_477 : i32 to index
        %get3A_479 = arith.index_cast %add3A_431 : i32 to index
        %get3A_480 = arith.constant 48 : index
        %get3A_481 = tpu.vector_load %arg11[%get3A_478, %get3A_479, %get3A_480] {strides = array<i32>} : memref<3x128x128xf32, #tpu.memory_space<vmem>>, vector<1x1x16xf32>,
        %get3A_482 = vector.shape_cast %get3A_481 : vector<1x1x16xf32> to vector<16xf32>
        %max3A_483 = arith.constant 0.000000e+00 : f32
        %max3A_484 = vector.broadcast %max3A_483 : f32 to vector<16xf32>
        %max3A_485 = arith.maximumf %get3A_482, %max3A_484 : vector<16xf32>
        %swap3A_486 = arith.constant 2 : i32
        %swap3A_487 = arith.index_cast %swap3A_486 : i32 to index
        %swap3A_488 = arith.index_cast %add3A_431 : i32 to index
        %swap3A_489 = arith.constant 48 : index
        %swap3A_490 = tpu.vector_load %arg11[%swap3A_487, %swap3A_488, %swap3A_489] {strides = array<i32>} : memref<3x128x128xf32, #tpu.memory_space<vmem>>, vector<1x1x16xf32>,
        %swap3A_491 = vector.shape_cast %swap3A_490 : vector<1x1x16xf32> to vector<16xf32>
        %swap3A_492 = vector.shape_cast %max3A_485 : vector<16xf32> to vector<1x1x16xf32>
        tpu.vector_store %arg11[%swap3A_487, %swap3A_488, %swap3A_489], %swap3A_492 {strides = array<i32>} : memref<3x128x128xf32, #tpu.memory_space<vmem>>, vector<1x1x16xf32>,
        %get3A_493 = arith.constant 2 : i32
        %get3A_494 = arith.index_cast %get3A_493 : i32 to index
        %get3A_495 = arith.index_cast %add3A_431 : i32 to index
        %get3A_496 = arith.constant 64 : index
        %get3A_497 = tpu.vector_load %arg11[%get3A_494, %get3A_495, %get3A_496] {strides = array<i32>} : memref<3x128x128xf32, #tpu.memory_space<vmem>>, vector<1x1x16xf32>,
        %get3A_498 = vector.shape_cast %get3A_497 : vector<1x1x16xf32> to vector<16xf32>
        %max3A_499 = arith.constant 0.000000e+00 : f32
        %max3A_500 = vector.broadcast %max3A_499 : f32 to vector<16xf32>
        %max3A_501 = arith.maximumf %get3A_498, %max3A_500 : vector<16xf32>
        %swap3A_502 = arith.constant 2 : i32
        %swap3A_503 = arith.index_cast %swap3A_502 : i32 to index
        %swap3A_504 = arith.index_cast %add3A_431 : i32 to index
        %swap3A_505 = arith.constant 64 : index
        %swap3A_506 = tpu.vector_load %arg11[%swap3A_503, %swap3A_504, %swap3A_505] {strides = array<i32>} : memref<3x128x128xf32, #tpu.memory_space<vmem>>, vector<1x1x16xf32>,
        %swap3A_507 = vector.shape_cast %swap3A_506 : vector<1x1x16xf32> to vector<16xf32>
        %swap3A_508 = vector.shape_cast %max3A_501 : vector<16xf32> to vector<1x1x16xf32>
        tpu.vector_store %arg11[%swap3A_503, %swap3A_504, %swap3A_505], %swap3A_508 {strides = array<i32>} : memref<3x128x128xf32, #tpu.memory_space<vmem>>, vector<1x1x16xf32>,
        %get3A_509 = arith.constant 2 : i32
        %get3A_510 = arith.index_cast %get3A_509 : i32 to index
        %get3A_511 = arith.index_cast %add3A_431 : i32 to index
        %get3A_512 = arith.constant 80 : index
        %get3A_513 = tpu.vector_load %arg11[%get3A_510, %get3A_511, %get3A_512] {strides = array<i32>} : memref<3x128x128xf32, #tpu.memory_space<vmem>>, vector<1x1x16xf32>,
        %get3A_514 = vector.shape_cast %get3A_513 : vector<1x1x16xf32> to vector<16xf32>
        %max3A_515 = arith.constant 0.000000e+00 : f32
        %max3A_516 = vector.broadcast %max3A_515 : f32 to vector<16xf32>
        %max3A_517 = arith.maximumf %get3A_514, %max3A_516 : vector<16xf32>
        %swap3A_518 = arith.constant 2 : i32
        %swap3A_519 = arith.index_cast %swap3A_518 : i32 to index
        %swap3A_520 = arith.index_cast %add3A_431 : i32 to index
        %swap3A_521 = arith.constant 80 : index
        %swap3A_522 = tpu.vector_load %arg11[%swap3A_519, %swap3A_520, %swap3A_521] {strides = array<i32>} : memref<3x128x128xf32, #tpu.memory_space<vmem>>, vector<1x1x16xf32>,
        %swap3A_523 = vector.shape_cast %swap3A_522 : vector<1x1x16xf32> to vector<16xf32>
        %swap3A_524 = vector.shape_cast %max3A_517 : vector<16xf32> to vector<1x1x16xf32>
        tpu.vector_store %arg11[%swap3A_519, %swap3A_520, %swap3A_521], %swap3A_524 {strides = array<i32>} : memref<3x128x128xf32, #tpu.memory_space<vmem>>, vector<1x1x16xf32>,
        %get3A_525 = arith.constant 2 : i32
        %get3A_526 = arith.index_cast %get3A_525 : i32 to index
        %get3A_527 = arith.index_cast %add3A_431 : i32 to index
        %get3A_528 = arith.constant 96 : index
        %get3A_529 = tpu.vector_load %arg11[%get3A_526, %get3A_527, %get3A_528] {strides = array<i32>} : memref<3x128x128xf32, #tpu.memory_space<vmem>>, vector<1x1x16xf32>,
        %get3A_530 = vector.shape_cast %get3A_529 : vector<1x1x16xf32> to vector<16xf32>
        %max3A_531 = arith.constant 0.000000e+00 : f32
        %max3A_532 = vector.broadcast %max3A_531 : f32 to vector<16xf32>
        %max3A_533 = arith.maximumf %get3A_530, %max3A_532 : vector<16xf32>
        %swap3A_534 = arith.constant 2 : i32
        %swap3A_535 = arith.index_cast %swap3A_534 : i32 to index
        %swap3A_536 = arith.index_cast %add3A_431 : i32 to index
        %swap3A_537 = arith.constant 96 : index
        %swap3A_538 = tpu.vector_load %arg11[%swap3A_535, %swap3A_536, %swap3A_537] {strides = array<i32>} : memref<3x128x128xf32, #tpu.memory_space<vmem>>, vector<1x1x16xf32>,
        %swap3A_539 = vector.shape_cast %swap3A_538 : vector<1x1x16xf32> to vector<16xf32>
        %swap3A_540 = vector.shape_cast %max3A_533 : vector<16xf32> to vector<1x1x16xf32>
        tpu.vector_store %arg11[%swap3A_535, %swap3A_536, %swap3A_537], %swap3A_540 {strides = array<i32>} : memref<3x128x128xf32, #tpu.memory_space<vmem>>, vector<1x1x16xf32>,
        %get3A_541 = arith.constant 2 : i32
        %get3A_542 = arith.index_cast %get3A_541 : i32 to index
        %get3A_543 = arith.index_cast %add3A_431 : i32 to index
        %get3A_544 = arith.constant 112 : index
        %get3A_545 = tpu.vector_load %arg11[%get3A_542, %get3A_543, %get3A_544] {strides = array<i32>} : memref<3x128x128xf32, #tpu.memory_space<vmem>>, vector<1x1x16xf32>,
        %get3A_546 = vector.shape_cast %get3A_545 : vector<1x1x16xf32> to vector<16xf32>
        %max3A_547 = arith.constant 0.000000e+00 : f32
        %max3A_548 = vector.broadcast %max3A_547 : f32 to vector<16xf32>
        %max3A_549 = arith.maximumf %get3A_546, %max3A_548 : vector<16xf32>
        %swap3A_550 = arith.constant 2 : i32
        %swap3A_551 = arith.index_cast %swap3A_550 : i32 to index
        %swap3A_552 = arith.index_cast %add3A_431 : i32 to index
        %swap3A_553 = arith.constant 112 : index
        %swap3A_554 = tpu.vector_load %arg11[%swap3A_551, %swap3A_552, %swap3A_553] {strides = array<i32>} : memref<3x128x128xf32, #tpu.memory_space<vmem>>, vector<1x1x16xf32>,
        %swap3A_555 = vector.shape_cast %swap3A_554 : vector<1x1x16xf32> to vector<16xf32>
        %swap3A_556 = vector.shape_cast %max3A_549 : vector<16xf32> to vector<1x1x16xf32>
        tpu.vector_store %arg11[%swap3A_551, %swap3A_552, %swap3A_553], %swap3A_556 {strides = array<i32>} : memref<3x128x128xf32, #tpu.memory_space<vmem>>, vector<1x1x16xf32>,
      }
      %scan3A_413 = arith.constant 128 : i32
      %dma_start3A_414 = arith.constant 2 : i32
      %dma_start3A_415 = arith.constant 2 : i32
      %dma_start3A_416 = arith.constant 1 : i32
      %dma_start3A_417 = arith.constant 0 : i32
      %dma_start3A_418 = arith.constant 0 : i32
      %dma_start3A_419 = tpu.memref_slice %arg11[%dma_start3A_414, %dma_start3A_417, %dma_start3A_418] : memref<3x128x128xf32, #tpu.memory_space<vmem>> -> memref<1x128x128xf32, #tpu.memory_space<vmem>>
      %dma_start3A_420 = tpu.memref_squeeze %dma_start3A_419 : memref<1x128x128xf32, #tpu.memory_space<vmem>> -> memref<128x128xf32, #tpu.memory_space<vmem>>
      %dma_start3A_421 = arith.constant 0 : i32
      %dma_start3A_422 = tpu.memref_slice %arg10[%dma_start3A_415, %dma_start3A_416, %dma_start3A_421] : memref<3x2x128xi32, #tpu.memory_space<vmem>> -> memref<1x1x128xi32, #tpu.memory_space<vmem>>
      %dma_start3A_423 = tpu.memref_squeeze %dma_start3A_422 : memref<1x1x128xi32, #tpu.memory_space<vmem>> -> memref<128xi32, #tpu.memory_space<vmem>>
      %dma_start3A_424 = arith.constant 0 : i32
      %dma_start3A_425 = arith.constant 0 : i32
      %dma_start3A_426 = tpu.memref_slice %arg12[%dma_start3A_424, %dma_start3A_425] : memref<10112x128xf32, #tpu.memory_space<vmem_shared>> -> memref<10112x128xf32, #tpu.memory_space<vmem_shared>>
      tpu.enqueue_indirect_dma source(%dma_start3A_420 : memref<128x128xf32, #tpu.memory_space<vmem>>) target(%dma_start3A_426 : memref<10112x128xf32, #tpu.memory_space<vmem_shared>>) offsets(%dma_start3A_423 : memref<128xi32, #tpu.memory_space<vmem>>) semaphore(%arg27 : memref<!tpu.dma_semaphore, #tpu.memory_space<semaphore_mem>>) {add = true}
    }
    %scan3A_139 = arith.constant 54 : i32
    %dma_wait3A_140 = arith.constant 0 : i32
    %dma_wait3A_141 = arith.constant 0 : i32
    %dma_wait3A_142 = arith.constant 1 : i32
    %dma_wait3A_143 = arith.constant 0 : i32
    %dma_wait3A_144 = arith.constant 0 : i32
    %dma_wait3A_145 = tpu.memref_slice %arg11[%dma_wait3A_140, %dma_wait3A_143, %dma_wait3A_144] : memref<3x128x128xf32, #tpu.memory_space<vmem>> -> memref<1x128x128xf32, #tpu.memory_space<vmem>>
    %dma_wait3A_146 = tpu.memref_squeeze %dma_wait3A_145 : memref<1x128x128xf32, #tpu.memory_space<vmem>> -> memref<128x128xf32, #tpu.memory_space<vmem>>
    %dma_wait3A_147 = arith.constant 0 : i32
    %dma_wait3A_148 = tpu.memref_slice %arg10[%dma_wait3A_141, %dma_wait3A_142, %dma_wait3A_147] : memref<3x2x128xi32, #tpu.memory_space<vmem>> -> memref<1x1x128xi32, #tpu.memory_space<vmem>>
    %dma_wait3A_149 = tpu.memref_squeeze %dma_wait3A_148 : memref<1x1x128xi32, #tpu.memory_space<vmem>> -> memref<128xi32, #tpu.memory_space<vmem>>
    %dma_wait3A_150 = arith.constant 0 : i32
    %dma_wait3A_151 = arith.constant 0 : i32
    %dma_wait3A_152 = tpu.memref_slice %arg12[%dma_wait3A_150, %dma_wait3A_151] : memref<10112x128xf32, #tpu.memory_space<vmem_shared>> -> memref<10112x128xf32, #tpu.memory_space<vmem_shared>>
    tpu.wait_indirect_dma semaphore(%arg25 : memref<!tpu.dma_semaphore, #tpu.memory_space<semaphore_mem>>) src(%dma_wait3A_146 : memref<128x128xf32, #tpu.memory_space<vmem>>) dst(%dma_wait3A_152 : memref<10112x128xf32, #tpu.memory_space<vmem_shared>>)
    %dma_wait3A_153 = arith.constant 1 : i32
    %dma_wait3A_154 = arith.constant 1 : i32
    %dma_wait3A_155 = arith.constant 1 : i32
    %dma_wait3A_156 = arith.constant 0 : i32
    %dma_wait3A_157 = arith.constant 0 : i32
    %dma_wait3A_158 = tpu.memref_slice %arg11[%dma_wait3A_153, %dma_wait3A_156, %dma_wait3A_157] : memref<3x128x128xf32, #tpu.memory_space<vmem>> -> memref<1x128x128xf32, #tpu.memory_space<vmem>>
    %dma_wait3A_159 = tpu.memref_squeeze %dma_wait3A_158 : memref<1x128x128xf32, #tpu.memory_space<vmem>> -> memref<128x128xf32, #tpu.memory_space<vmem>>
    %dma_wait3A_160 = arith.constant 0 : i32
    %dma_wait3A_161 = tpu.memref_slice %arg10[%dma_wait3A_154, %dma_wait3A_155, %dma_wait3A_160] : memref<3x2x128xi32, #tpu.memory_space<vmem>> -> memref<1x1x128xi32, #tpu.memory_space<vmem>>
    %dma_wait3A_162 = tpu.memref_squeeze %dma_wait3A_161 : memref<1x1x128xi32, #tpu.memory_space<vmem>> -> memref<128xi32, #tpu.memory_space<vmem>>
    %dma_wait3A_163 = arith.constant 0 : i32
    %dma_wait3A_164 = arith.constant 0 : i32
    %dma_wait3A_165 = tpu.memref_slice %arg12[%dma_wait3A_163, %dma_wait3A_164] : memref<10112x128xf32, #tpu.memory_space<vmem_shared>> -> memref<10112x128xf32, #tpu.memory_space<vmem_shared>>
    tpu.wait_indirect_dma semaphore(%arg26 : memref<!tpu.dma_semaphore, #tpu.memory_space<semaphore_mem>>) src(%dma_wait3A_159 : memref<128x128xf32, #tpu.memory_space<vmem>>) dst(%dma_wait3A_165 : memref<10112x128xf32, #tpu.memory_space<vmem_shared>>)
    %dma_wait3A_166 = arith.constant 2 : i32
    %dma_wait3A_167 = arith.constant 2 : i32
    %dma_wait3A_168 = arith.constant 1 : i32
    %dma_wait3A_169 = arith.constant 0 : i32
    %dma_wait3A_170 = arith.constant 0 : i32
    %dma_wait3A_171 = tpu.memref_slice %arg11[%dma_wait3A_166, %dma_wait3A_169, %dma_wait3A_170] : memref<3x128x128xf32, #tpu.memory_space<vmem>> -> memref<1x128x128xf32, #tpu.memory_space<vmem>>
    %dma_wait3A_172 = tpu.memref_squeeze %dma_wait3A_171 : memref<1x128x128xf32, #tpu.memory_space<vmem>> -> memref<128x128xf32, #tpu.memory_space<vmem>>
    %dma_wait3A_173 = arith.constant 0 : i32
    %dma_wait3A_174 = tpu.memref_slice %arg10[%dma_wait3A_167, %dma_wait3A_168, %dma_wait3A_173] : memref<3x2x128xi32, #tpu.memory_space<vmem>> -> memref<1x1x128xi32, #tpu.memory_space<vmem>>
    %dma_wait3A_175 = tpu.memref_squeeze %dma_wait3A_174 : memref<1x1x128xi32, #tpu.memory_space<vmem>> -> memref<128xi32, #tpu.memory_space<vmem>>
    %dma_wait3A_176 = arith.constant 0 : i32
    %dma_wait3A_177 = arith.constant 0 : i32
    %dma_wait3A_178 = tpu.memref_slice %arg12[%dma_wait3A_176, %dma_wait3A_177] : memref<10112x128xf32, #tpu.memory_space<vmem_shared>> -> memref<10112x128xf32, #tpu.memory_space<vmem_shared>>
    tpu.wait_indirect_dma semaphore(%arg27 : memref<!tpu.dma_semaphore, #tpu.memory_space<semaphore_mem>>) src(%dma_wait3A_172 : memref<128x128xf32, #tpu.memory_space<vmem>>) dst(%dma_wait3A_178 : memref<10112x128xf32, #tpu.memory_space<vmem_shared>>)
    %barrier3A_179 = arith.constant 0 : index
    tpu.barrier barrier_id(%barrier3A_179)
    %mul3A_180 = arith.constant 632 : i32
    %mul3A_181 = arith.muli %arg1, %mul3A_180 : i32
    %mul3A_182 = arith.constant 632 : i32
    %mul3A_183 = arith.muli %arg1, %mul3A_182 : i32
    "tpu.region"() ({
      %run_scoped3A_184 = tpu.sem_alloc : memref<!tpu.dma_semaphore, #tpu.memory_space<semaphore_mem>>
      %dma_start3A_185 = arith.constant 0 : i32
      %dma_start3A_186 = tpu.memref_slice %arg9[%arg0, %mul3A_183, %dma_start3A_185] : memref<2x10112x128xf32, #tpu.memory_space<hbm>> -> memref<1x632x128xf32, #tpu.memory_space<hbm>>
      %dma_start3A_187 = tpu.memref_squeeze %dma_start3A_186 : memref<1x632x128xf32, #tpu.memory_space<hbm>> -> memref<632x128xf32, #tpu.memory_space<hbm>>
      %dma_start3A_188 = arith.constant 0 : i32
      %dma_start3A_189 = tpu.memref_slice %arg12[%mul3A_181, %dma_start3A_188] : memref<10112x128xf32, #tpu.memory_space<vmem_shared>> -> memref<632x128xf32, #tpu.memory_space<vmem_shared>>
      tpu.enqueue_dma source(%dma_start3A_189 : memref<632x128xf32, #tpu.memory_space<vmem_shared>>) target(%dma_start3A_187 : memref<632x128xf32, #tpu.memory_space<hbm>>) target_semaphore(%run_scoped3A_184 : memref<!tpu.dma_semaphore, #tpu.memory_space<semaphore_mem>>)
      %dma_wait3A_190 = arith.constant 0 : i32
      %dma_wait3A_191 = tpu.memref_slice %arg9[%arg0, %mul3A_183, %dma_wait3A_190] : memref<2x10112x128xf32, #tpu.memory_space<hbm>> -> memref<1x632x128xf32, #tpu.memory_space<hbm>>
      %dma_wait3A_192 = tpu.memref_squeeze %dma_wait3A_191 : memref<1x632x128xf32, #tpu.memory_space<hbm>> -> memref<632x128xf32, #tpu.memory_space<hbm>>
      %dma_wait3A_193 = arith.constant 0 : i32
      %dma_wait3A_194 = tpu.memref_slice %arg12[%mul3A_181, %dma_wait3A_193] : memref<10112x128xf32, #tpu.memory_space<vmem_shared>> -> memref<632x128xf32, #tpu.memory_space<vmem_shared>>
      tpu.wait_dma2 semaphore(%run_scoped3A_184 : memref<!tpu.dma_semaphore, #tpu.memory_space<semaphore_mem>>) src(%dma_wait3A_194 : memref<632x128xf32, #tpu.memory_space<vmem_shared>>) dst(%dma_wait3A_192 : memref<632x128xf32, #tpu.memory_space<hbm>>)
      tpu.yield
    }) : () -> ()
    return
  }
}

module attributes {stable_mosaic.version = 14 : i64} {
  func.func @_node_tables_body(%arg0: i32, %arg1: memref<1000x128xf32, #tpu.memory_space<vmem>>, %arg2: memref<128x128xf32, #tpu.memory_space<vmem>>, %arg3: memref<128x128xf32, #tpu.memory_space<vmem>>, %arg4: memref<128x128xf32, #tpu.memory_space<vmem>>, %arg5: memref<128x128xf32, #tpu.memory_space<vmem>>, %arg6: memref<1000x128xf32, #tpu.memory_space<vmem>>, %arg7: memref<1000x128xf32, #tpu.memory_space<vmem>>, %arg8: memref<1000x128xf32, #tpu.memory_space<vmem>>, %arg9: memref<1000x128xf32, #tpu.memory_space<vmem>>) attributes {dimension_semantics = [#tpu.dimension_semantics<arbitrary>], iteration_bounds = array<i64: 10>, scalar_prefetch = 0 : i64, scratch_operands = 0 : i64, tpu.core_type = #tpu.core_type<tc>, window_params = [{transform_indices = @transform_0, window_bounds = array<i64: 1000, 128>}, {pipeline_mode = #tpu.pipeline_mode<synchronous>, transform_indices = @transform_1, window_bounds = array<i64: 128, 128>}, {pipeline_mode = #tpu.pipeline_mode<synchronous>, transform_indices = @transform_2, window_bounds = array<i64: 128, 128>}, {pipeline_mode = #tpu.pipeline_mode<synchronous>, transform_indices = @transform_3, window_bounds = array<i64: 128, 128>}, {pipeline_mode = #tpu.pipeline_mode<synchronous>, transform_indices = @transform_4, window_bounds = array<i64: 128, 128>}, {transform_indices = @transform_5, window_bounds = array<i64: 1000, 128>}, {transform_indices = @transform_6, window_bounds = array<i64: 1000, 128>}, {transform_indices = @transform_7, window_bounds = array<i64: 1000, 128>}, {transform_indices = @transform_8, window_bounds = array<i64: 1000, 128>}]} {
    %get3A = arith.constant 0 : index
    %get3A_0 = arith.constant 0 : index
    %get3A_1 = vector.load %arg1[%get3A, %get3A_0] : memref<1000x128xf32, #tpu.memory_space<vmem>>, vector<1000x128xf32>
    %get3A_2 = arith.constant 0 : index
    %get3A_3 = arith.constant 0 : index
    %get3A_4 = vector.load %arg2[%get3A_2, %get3A_3] : memref<128x128xf32, #tpu.memory_space<vmem>>, vector<128x128xf32>
    %dot_general3A = arith.constant dense<0.000000e+00> : vector<1000x128xf32>
    %dot_general3A_5 = tpu.matmul %get3A_1, %get3A_4, %dot_general3A {dimension_numbers = #tpu.dot_dimension_numbers<[1], [0], [0], [1], [0, 0, 1, 1], [], []>, precision = #tpu.contract_precision<fp32>, transpose_lhs_hint = false} : vector<1000x128xf32>, vector<128x128xf32>, vector<1000x128xf32> -> vector<1000x128xf32>
    %swap3A = arith.constant 0 : index
    %swap3A_6 = arith.constant 0 : index
    %swap3A_7 = vector.load %arg6[%swap3A, %swap3A_6] : memref<1000x128xf32, #tpu.memory_space<vmem>>, vector<1000x128xf32>
    tpu.vector_store %arg6[%swap3A, %swap3A_6], %dot_general3A_5 {strides = array<i32>} : memref<1000x128xf32, #tpu.memory_space<vmem>>, vector<1000x128xf32>,
    %get3A_8 = arith.constant 0 : index
    %get3A_9 = arith.constant 0 : index
    %get3A_10 = vector.load %arg3[%get3A_8, %get3A_9] : memref<128x128xf32, #tpu.memory_space<vmem>>, vector<128x128xf32>
    %dot_general3A_11 = arith.constant dense<0.000000e+00> : vector<1000x128xf32>
    %dot_general3A_12 = tpu.matmul %get3A_1, %get3A_10, %dot_general3A_11 {dimension_numbers = #tpu.dot_dimension_numbers<[1], [0], [0], [1], [0, 0, 1, 1], [], []>, precision = #tpu.contract_precision<fp32>, transpose_lhs_hint = false} : vector<1000x128xf32>, vector<128x128xf32>, vector<1000x128xf32> -> vector<1000x128xf32>
    %swap3A_13 = arith.constant 0 : index
    %swap3A_14 = arith.constant 0 : index
    %swap3A_15 = vector.load %arg7[%swap3A_13, %swap3A_14] : memref<1000x128xf32, #tpu.memory_space<vmem>>, vector<1000x128xf32>
    tpu.vector_store %arg7[%swap3A_13, %swap3A_14], %dot_general3A_12 {strides = array<i32>} : memref<1000x128xf32, #tpu.memory_space<vmem>>, vector<1000x128xf32>,
    %get3A_16 = arith.constant 0 : index
    %get3A_17 = arith.constant 0 : index
    %get3A_18 = vector.load %arg4[%get3A_16, %get3A_17] : memref<128x128xf32, #tpu.memory_space<vmem>>, vector<128x128xf32>
    %dot_general3A_19 = arith.constant dense<0.000000e+00> : vector<1000x128xf32>
    %dot_general3A_20 = tpu.matmul %get3A_1, %get3A_18, %dot_general3A_19 {dimension_numbers = #tpu.dot_dimension_numbers<[1], [0], [0], [1], [0, 0, 1, 1], [], []>, precision = #tpu.contract_precision<fp32>, transpose_lhs_hint = false} : vector<1000x128xf32>, vector<128x128xf32>, vector<1000x128xf32> -> vector<1000x128xf32>
    %swap3A_21 = arith.constant 0 : index
    %swap3A_22 = arith.constant 0 : index
    %swap3A_23 = vector.load %arg8[%swap3A_21, %swap3A_22] : memref<1000x128xf32, #tpu.memory_space<vmem>>, vector<1000x128xf32>
    tpu.vector_store %arg8[%swap3A_21, %swap3A_22], %dot_general3A_20 {strides = array<i32>} : memref<1000x128xf32, #tpu.memory_space<vmem>>, vector<1000x128xf32>,
    %get3A_24 = arith.constant 0 : index
    %get3A_25 = arith.constant 0 : index
    %get3A_26 = vector.load %arg5[%get3A_24, %get3A_25] : memref<128x128xf32, #tpu.memory_space<vmem>>, vector<128x128xf32>
    %dot_general3A_27 = arith.constant dense<0.000000e+00> : vector<1000x128xf32>
    %dot_general3A_28 = tpu.matmul %get3A_1, %get3A_26, %dot_general3A_27 {dimension_numbers = #tpu.dot_dimension_numbers<[1], [0], [0], [1], [0, 0, 1, 1], [], []>, precision = #tpu.contract_precision<fp32>, transpose_lhs_hint = false} : vector<1000x128xf32>, vector<128x128xf32>, vector<1000x128xf32> -> vector<1000x128xf32>
    %swap3A_29 = arith.constant 0 : index
    %swap3A_30 = arith.constant 0 : index
    %swap3A_31 = vector.load %arg9[%swap3A_29, %swap3A_30] : memref<1000x128xf32, #tpu.memory_space<vmem>>, vector<1000x128xf32>
    tpu.vector_store %arg9[%swap3A_29, %swap3A_30], %dot_general3A_28 {strides = array<i32>} : memref<1000x128xf32, #tpu.memory_space<vmem>>, vector<1000x128xf32>,
    return
  }
  func.func @transform_0(%arg0: i32) -> (i32, i32) {
    %c0_i32 = arith.constant 0 : i32
    %c0_i32_0 = arith.constant 0 : i32
    return %arg0, %c0_i32 : i32, i32
  }
  func.func @transform_1(%arg0: i32) -> (i32, i32) {
    %c0_i32 = arith.constant 0 : i32
    %c0_i32_0 = arith.constant 0 : i32
    %c0_i32_1 = arith.constant 0 : i32
    return %c0_i32, %c0_i32_0 : i32, i32
  }
  func.func @transform_2(%arg0: i32) -> (i32, i32) {
    %c0_i32 = arith.constant 0 : i32
    %c0_i32_0 = arith.constant 0 : i32
    %c0_i32_1 = arith.constant 0 : i32
    return %c0_i32, %c0_i32_0 : i32, i32
  }
  func.func @transform_3(%arg0: i32) -> (i32, i32) {
    %c0_i32 = arith.constant 0 : i32
    %c0_i32_0 = arith.constant 0 : i32
    %c0_i32_1 = arith.constant 0 : i32
    return %c0_i32, %c0_i32_0 : i32, i32
  }
  func.func @transform_4(%arg0: i32) -> (i32, i32) {
    %c0_i32 = arith.constant 0 : i32
    %c0_i32_0 = arith.constant 0 : i32
    %c0_i32_1 = arith.constant 0 : i32
    return %c0_i32, %c0_i32_0 : i32, i32
  }
  func.func @transform_5(%arg0: i32) -> (i32, i32) {
    %c0_i32 = arith.constant 0 : i32
    %c0_i32_0 = arith.constant 0 : i32
    return %arg0, %c0_i32 : i32, i32
  }
  func.func @transform_6(%arg0: i32) -> (i32, i32) {
    %c0_i32 = arith.constant 0 : i32
    %c0_i32_0 = arith.constant 0 : i32
    return %arg0, %c0_i32 : i32, i32
  }
  func.func @transform_7(%arg0: i32) -> (i32, i32) {
    %c0_i32 = arith.constant 0 : i32
    %c0_i32_0 = arith.constant 0 : i32
    return %arg0, %c0_i32 : i32, i32
  }
  func.func @transform_8(%arg0: i32) -> (i32, i32) {
    %c0_i32 = arith.constant 0 : i32
    %c0_i32_0 = arith.constant 0 : i32
    return %arg0, %c0_i32 : i32, i32
  }
}

module attributes {stable_mosaic.version = 14 : i64} {
  func.func @_edge_tables_body(%arg0: i32, %arg1: memref<2048x16xf32, #tpu.memory_space<vmem>>, %arg2: memref<16x128xf32, #tpu.memory_space<vmem>>, %arg3: memref<1x128xf32, #tpu.memory_space<vmem>>, %arg4: memref<16x128xf32, #tpu.memory_space<vmem>>, %arg5: memref<1x128xf32, #tpu.memory_space<vmem>>, %arg6: memref<2048x128xf32, #tpu.memory_space<vmem>>, %arg7: memref<2048x128xf32, #tpu.memory_space<vmem>>) attributes {dimension_semantics = [#tpu.dimension_semantics<arbitrary>], iteration_bounds = array<i64: 162>, scalar_prefetch = 0 : i64, scratch_operands = 0 : i64, tpu.core_type = #tpu.core_type<tc>, window_params = [{transform_indices = @transform_0, window_bounds = array<i64: 2048, 16>}, {pipeline_mode = #tpu.pipeline_mode<synchronous>, transform_indices = @transform_1, window_bounds = array<i64: 16, 128>}, {pipeline_mode = #tpu.pipeline_mode<synchronous>, transform_indices = @transform_2, window_bounds = array<i64: 1, 128>}, {pipeline_mode = #tpu.pipeline_mode<synchronous>, transform_indices = @transform_3, window_bounds = array<i64: 16, 128>}, {pipeline_mode = #tpu.pipeline_mode<synchronous>, transform_indices = @transform_4, window_bounds = array<i64: 1, 128>}, {transform_indices = @transform_5, window_bounds = array<i64: 2048, 128>}, {transform_indices = @transform_6, window_bounds = array<i64: 2048, 128>}]} {
    %get3A = arith.constant 0 : index
    %get3A_0 = arith.constant 0 : index
    %get3A_1 = vector.load %arg1[%get3A, %get3A_0] : memref<2048x16xf32, #tpu.memory_space<vmem>>, vector<2048x16xf32>
    %mul3A = arith.constant 2048 : i32
    %mul3A_2 = arith.muli %arg0, %mul3A : i32
    %iota3A = tpu.iota {dimensions = array<i32: 0>} : vector<2048x1xi32>
    %add3A = vector.broadcast %mul3A_2 : i32 to vector<2048x1xi32>
    %add3A_3 = arith.addi %add3A, %iota3A : vector<2048x1xi32>
    %lt3A = arith.constant 320000 : i32
    %lt3A_4 = vector.broadcast %lt3A : i32 to vector<2048x1xi32>
    %lt3A_5 = arith.cmpi slt, %add3A_3, %lt3A_4 : vector<2048x1xi32>
    %get3A_6 = arith.constant 0 : index
    %get3A_7 = arith.constant 0 : index
    %get3A_8 = vector.load %arg2[%get3A_6, %get3A_7] : memref<16x128xf32, #tpu.memory_space<vmem>>, vector<16x128xf32>
    %dot_general3A = arith.constant dense<0.000000e+00> : vector<2048x128xf32>
    %dot_general3A_9 = tpu.matmul %get3A_1, %get3A_8, %dot_general3A {dimension_numbers = #tpu.dot_dimension_numbers<[1], [0], [0], [1], [0, 0, 1, 1], [], []>, precision = #tpu.contract_precision<fp32>, transpose_lhs_hint = false} : vector<2048x16xf32>, vector<16x128xf32>, vector<2048x128xf32> -> vector<2048x128xf32>
    %get3A_10 = arith.constant 0 : index
    %get3A_11 = arith.constant 0 : index
    %get3A_12 = vector.load %arg3[%get3A_10, %get3A_11] : memref<1x128xf32, #tpu.memory_space<vmem>>, vector<1x128xf32>
    %add3A_13 = vector.broadcast %get3A_12 : vector<1x128xf32> to vector<2048x128xf32>
    %add3A_14 = arith.addf %dot_general3A_9, %add3A_13 : vector<2048x128xf32>
    %get3A_15 = arith.constant 0 : index
    %get3A_16 = arith.constant 0 : index
    %get3A_17 = vector.load %arg4[%get3A_15, %get3A_16] : memref<16x128xf32, #tpu.memory_space<vmem>>, vector<16x128xf32>
    %dot_general3A_18 = arith.constant dense<0.000000e+00> : vector<2048x128xf32>
    %dot_general3A_19 = tpu.matmul %get3A_1, %get3A_17, %dot_general3A_18 {dimension_numbers = #tpu.dot_dimension_numbers<[1], [0], [0], [1], [0, 0, 1, 1], [], []>, precision = #tpu.contract_precision<fp32>, transpose_lhs_hint = false} : vector<2048x16xf32>, vector<16x128xf32>, vector<2048x128xf32> -> vector<2048x128xf32>
    %get3A_20 = arith.constant 0 : index
    %get3A_21 = arith.constant 0 : index
    %get3A_22 = vector.load %arg5[%get3A_20, %get3A_21] : memref<1x128xf32, #tpu.memory_space<vmem>>, vector<1x128xf32>
    %add3A_23 = vector.broadcast %get3A_22 : vector<1x128xf32> to vector<2048x128xf32>
    %add3A_24 = arith.addf %dot_general3A_19, %add3A_23 : vector<2048x128xf32>
    %jit3A = arith.constant -1.000000e+30 : f32
    %broadcast_in_dim3A = vector.shape_cast %lt3A_5 : vector<2048x1xi1> to vector<2048x1xi1>
    %broadcast_in_dim3A_25 = vector.broadcast %broadcast_in_dim3A : vector<2048x1xi1> to vector<2048x128xi1>
    %broadcast_in_dim3A_26 = vector.broadcast %jit3A : f32 to vector<2048x128xf32>
    %select_n3A = arith.select %broadcast_in_dim3A_25, %add3A_14, %broadcast_in_dim3A_26 : vector<2048x128xi1>, vector<2048x128xf32>
    %swap3A = arith.constant 0 : index
    %swap3A_27 = arith.constant 0 : index
    %swap3A_28 = vector.load %arg6[%swap3A, %swap3A_27] : memref<2048x128xf32, #tpu.memory_space<vmem>>, vector<2048x128xf32>
    tpu.vector_store %arg6[%swap3A, %swap3A_27], %select_n3A {strides = array<i32>} : memref<2048x128xf32, #tpu.memory_space<vmem>>, vector<2048x128xf32>,
    %jit3A_29 = arith.constant -1.000000e+30 : f32
    %broadcast_in_dim3A_30 = vector.shape_cast %lt3A_5 : vector<2048x1xi1> to vector<2048x1xi1>
    %broadcast_in_dim3A_31 = vector.broadcast %broadcast_in_dim3A_30 : vector<2048x1xi1> to vector<2048x128xi1>
    %broadcast_in_dim3A_32 = vector.broadcast %jit3A_29 : f32 to vector<2048x128xf32>
    %select_n3A_33 = arith.select %broadcast_in_dim3A_31, %add3A_24, %broadcast_in_dim3A_32 : vector<2048x128xi1>, vector<2048x128xf32>
    %swap3A_34 = arith.constant 0 : index
    %swap3A_35 = arith.constant 0 : index
    %swap3A_36 = vector.load %arg7[%swap3A_34, %swap3A_35] : memref<2048x128xf32, #tpu.memory_space<vmem>>, vector<2048x128xf32>
    tpu.vector_store %arg7[%swap3A_34, %swap3A_35], %select_n3A_33 {strides = array<i32>} : memref<2048x128xf32, #tpu.memory_space<vmem>>, vector<2048x128xf32>,
    return
  }
  func.func @transform_0(%arg0: i32) -> (i32, i32) {
    %c0_i32 = arith.constant 0 : i32
    %c0_i32_0 = arith.constant 0 : i32
    return %arg0, %c0_i32 : i32, i32
  }
  func.func @transform_1(%arg0: i32) -> (i32, i32) {
    %c0_i32 = arith.constant 0 : i32
    %c0_i32_0 = arith.constant 0 : i32
    %c0_i32_1 = arith.constant 0 : i32
    return %c0_i32, %c0_i32_0 : i32, i32
  }
  func.func @transform_2(%arg0: i32) -> (i32, i32) {
    %c0_i32 = arith.constant 0 : i32
    %c0_i32_0 = arith.constant 0 : i32
    %c0_i32_1 = arith.constant 0 : i32
    return %c0_i32, %c0_i32_0 : i32, i32
  }
  func.func @transform_3(%arg0: i32) -> (i32, i32) {
    %c0_i32 = arith.constant 0 : i32
    %c0_i32_0 = arith.constant 0 : i32
    %c0_i32_1 = arith.constant 0 : i32
    return %c0_i32, %c0_i32_0 : i32, i32
  }
  func.func @transform_4(%arg0: i32) -> (i32, i32) {
    %c0_i32 = arith.constant 0 : i32
    %c0_i32_0 = arith.constant 0 : i32
    %c0_i32_1 = arith.constant 0 : i32
    return %c0_i32, %c0_i32_0 : i32, i32
  }
  func.func @transform_5(%arg0: i32) -> (i32, i32) {
    %c0_i32 = arith.constant 0 : i32
    %c0_i32_0 = arith.constant 0 : i32
    return %arg0, %c0_i32 : i32, i32
  }
  func.func @transform_6(%arg0: i32) -> (i32, i32) {
    %c0_i32 = arith.constant 0 : i32
    %c0_i32_0 = arith.constant 0 : i32
    return %arg0, %c0_i32 : i32, i32
  }
}

module attributes {stable_mosaic.version = 14 : i64} {
  func.func @_update_body(%arg0: i32, %arg1: memref<1000x128xf32, #tpu.memory_space<vmem>>, %arg2: memref<2x1000x128xf32, #tpu.memory_space<vmem>>, %arg3: memref<128x128xf32, #tpu.memory_space<vmem>>, %arg4: memref<128x128xf32, #tpu.memory_space<vmem>>, %arg5: memref<1x128xf32, #tpu.memory_space<vmem>>, %arg6: memref<128x128xf32, #tpu.memory_space<vmem>>, %arg7: memref<128x128xf32, #tpu.memory_space<vmem>>, %arg8: memref<1x128xf32, #tpu.memory_space<vmem>>, %arg9: memref<2xf32, #tpu.memory_space<smem>>, %arg10: memref<1000x128xf32, #tpu.memory_space<vmem>>) attributes {dimension_semantics = [#tpu.dimension_semantics<arbitrary>], iteration_bounds = array<i64: 10>, scalar_prefetch = 0 : i64, scratch_operands = 0 : i64, tpu.core_type = #tpu.core_type<tc>, window_params = [{transform_indices = @transform_0, window_bounds = array<i64: 1000, 128>}, {transform_indices = @transform_1, window_bounds = array<i64: 2, 1000, 128>}, {pipeline_mode = #tpu.pipeline_mode<synchronous>, transform_indices = @transform_2, window_bounds = array<i64: 128, 128>}, {pipeline_mode = #tpu.pipeline_mode<synchronous>, transform_indices = @transform_3, window_bounds = array<i64: 128, 128>}, {pipeline_mode = #tpu.pipeline_mode<synchronous>, transform_indices = @transform_4, window_bounds = array<i64: 1, 128>}, {pipeline_mode = #tpu.pipeline_mode<synchronous>, transform_indices = @transform_5, window_bounds = array<i64: 128, 128>}, {pipeline_mode = #tpu.pipeline_mode<synchronous>, transform_indices = @transform_6, window_bounds = array<i64: 128, 128>}, {pipeline_mode = #tpu.pipeline_mode<synchronous>, transform_indices = @transform_7, window_bounds = array<i64: 1, 128>}, {transform_indices = @transform_8, window_bounds = array<i64: 2>}, {transform_indices = @transform_9, window_bounds = array<i64: 1000, 128>}]} {
    %get3A = arith.constant 0 : index
    %get3A_0 = arith.constant 0 : index
    %get3A_1 = vector.load %arg1[%get3A, %get3A_0] : memref<1000x128xf32, #tpu.memory_space<vmem>>, vector<1000x128xf32>
    %get3A_2 = arith.constant 0 : index
    %get3A_3 = arith.constant 0 : index
    %get3A_4 = arith.constant 0 : index
    %get3A_5 = vector.load %arg2[%get3A_2, %get3A_3, %get3A_4] : memref<2x1000x128xf32, #tpu.memory_space<vmem>>, vector<1x1000x128xf32>
    %get3A_6 = vector.shape_cast %get3A_5 : vector<1x1000x128xf32> to vector<1000x128xf32>
    %get3A_7 = arith.constant 1 : index
    %get3A_8 = arith.constant 0 : index
    %get3A_9 = arith.constant 0 : index
    %get3A_10 = vector.load %arg2[%get3A_7, %get3A_8, %get3A_9] : memref<2x1000x128xf32, #tpu.memory_space<vmem>>, vector<1x1000x128xf32>
    %get3A_11 = vector.shape_cast %get3A_10 : vector<1x1000x128xf32> to vector<1000x128xf32>
    %get3A_12 = arith.constant 0 : index
    %get3A_13 = arith.constant 0 : index
    %get3A_14 = vector.load %arg3[%get3A_12, %get3A_13] : memref<128x128xf32, #tpu.memory_space<vmem>>, vector<128x128xf32>
    %dot_general3A = arith.constant dense<0.000000e+00> : vector<1000x128xf32>
    %dot_general3A_15 = tpu.matmul %get3A_1, %get3A_14, %dot_general3A {dimension_numbers = #tpu.dot_dimension_numbers<[1], [0], [0], [1], [0, 0, 1, 1], [], []>, precision = #tpu.contract_precision<fp32>, transpose_lhs_hint = false} : vector<1000x128xf32>, vector<128x128xf32>, vector<1000x128xf32> -> vector<1000x128xf32>
    %get3A_16 = arith.constant 0 : index
    %get3A_17 = arith.constant 0 : index
    %get3A_18 = vector.load %arg4[%get3A_16, %get3A_17] : memref<128x128xf32, #tpu.memory_space<vmem>>, vector<128x128xf32>
    %dot_general3A_19 = arith.constant dense<0.000000e+00> : vector<1000x128xf32>
    %dot_general3A_20 = tpu.matmul %get3A_6, %get3A_18, %dot_general3A_19 {dimension_numbers = #tpu.dot_dimension_numbers<[1], [0], [0], [1], [0, 0, 1, 1], [], []>, precision = #tpu.contract_precision<fp32>, transpose_lhs_hint = false} : vector<1000x128xf32>, vector<128x128xf32>, vector<1000x128xf32> -> vector<1000x128xf32>
    %add3A = arith.addf %dot_general3A_15, %dot_general3A_20 : vector<1000x128xf32>
    %get3A_21 = arith.constant 0 : index
    %get3A_22 = arith.constant 0 : index
    %get3A_23 = vector.load %arg5[%get3A_21, %get3A_22] : memref<1x128xf32, #tpu.memory_space<vmem>>, vector<1x128xf32>
    %add3A_24 = vector.broadcast %get3A_23 : vector<1x128xf32> to vector<1000x128xf32>
    %add3A_25 = arith.addf %add3A, %add3A_24 : vector<1000x128xf32>
    %max3A = arith.constant 0.000000e+00 : f32
    %max3A_26 = vector.broadcast %max3A : f32 to vector<1000x128xf32>
    %max3A_27 = arith.maximumf %add3A_25, %max3A_26 : vector<1000x128xf32>
    %get3A_28 = arith.constant 0 : index
    %get3A_29 = arith.constant 0 : index
    %get3A_30 = vector.load %arg6[%get3A_28, %get3A_29] : memref<128x128xf32, #tpu.memory_space<vmem>>, vector<128x128xf32>
    %dot_general3A_31 = arith.constant dense<0.000000e+00> : vector<1000x128xf32>
    %dot_general3A_32 = tpu.matmul %get3A_1, %get3A_30, %dot_general3A_31 {dimension_numbers = #tpu.dot_dimension_numbers<[1], [0], [0], [1], [0, 0, 1, 1], [], []>, precision = #tpu.contract_precision<fp32>, transpose_lhs_hint = false} : vector<1000x128xf32>, vector<128x128xf32>, vector<1000x128xf32> -> vector<1000x128xf32>
    %get3A_33 = arith.constant 0 : index
    %get3A_34 = arith.constant 0 : index
    %get3A_35 = vector.load %arg7[%get3A_33, %get3A_34] : memref<128x128xf32, #tpu.memory_space<vmem>>, vector<128x128xf32>
    %dot_general3A_36 = arith.constant dense<0.000000e+00> : vector<1000x128xf32>
    %dot_general3A_37 = tpu.matmul %get3A_11, %get3A_35, %dot_general3A_36 {dimension_numbers = #tpu.dot_dimension_numbers<[1], [0], [0], [1], [0, 0, 1, 1], [], []>, precision = #tpu.contract_precision<fp32>, transpose_lhs_hint = false} : vector<1000x128xf32>, vector<128x128xf32>, vector<1000x128xf32> -> vector<1000x128xf32>
    %add3A_38 = arith.addf %dot_general3A_32, %dot_general3A_37 : vector<1000x128xf32>
    %get3A_39 = arith.constant 0 : index
    %get3A_40 = arith.constant 0 : index
    %get3A_41 = vector.load %arg8[%get3A_39, %get3A_40] : memref<1x128xf32, #tpu.memory_space<vmem>>, vector<1x128xf32>
    %add3A_42 = vector.broadcast %get3A_41 : vector<1x128xf32> to vector<1000x128xf32>
    %add3A_43 = arith.addf %add3A_38, %add3A_42 : vector<1000x128xf32>
    %max3A_44 = arith.constant 0.000000e+00 : f32
    %max3A_45 = vector.broadcast %max3A_44 : f32 to vector<1000x128xf32>
    %max3A_46 = arith.maximumf %add3A_43, %max3A_45 : vector<1000x128xf32>
    %get3A_47 = arith.constant 0 : index
    %get3A_48 = memref.load %arg9[%get3A_47] : memref<2xf32, #tpu.memory_space<smem>>
    %mul3A = vector.broadcast %get3A_48 : f32 to vector<1000x128xf32>
    %mul3A_49 = arith.mulf %mul3A, %max3A_27 : vector<1000x128xf32>
    %get3A_50 = arith.constant 1 : index
    %get3A_51 = memref.load %arg9[%get3A_50] : memref<2xf32, #tpu.memory_space<smem>>
    %mul3A_52 = vector.broadcast %get3A_51 : f32 to vector<1000x128xf32>
    %mul3A_53 = arith.mulf %mul3A_52, %max3A_46 : vector<1000x128xf32>
    %add3A_54 = arith.addf %mul3A_49, %mul3A_53 : vector<1000x128xf32>
    %swap3A = arith.constant 0 : index
    %swap3A_55 = arith.constant 0 : index
    %swap3A_56 = vector.load %arg10[%swap3A, %swap3A_55] : memref<1000x128xf32, #tpu.memory_space<vmem>>, vector<1000x128xf32>
    tpu.vector_store %arg10[%swap3A, %swap3A_55], %add3A_54 {strides = array<i32>} : memref<1000x128xf32, #tpu.memory_space<vmem>>, vector<1000x128xf32>,
    return
  }
  func.func @transform_0(%arg0: i32) -> (i32, i32) {
    %c0_i32 = arith.constant 0 : i32
    %c0_i32_0 = arith.constant 0 : i32
    return %arg0, %c0_i32 : i32, i32
  }
  func.func @transform_1(%arg0: i32) -> (i32, i32, i32) {
    %c0_i32 = arith.constant 0 : i32
    %c0_i32_0 = arith.constant 0 : i32
    %c0_i32_1 = arith.constant 0 : i32
    return %c0_i32, %arg0, %c0_i32_0 : i32, i32, i32
  }
  func.func @transform_2(%arg0: i32) -> (i32, i32) {
    %c0_i32 = arith.constant 0 : i32
    %c0_i32_0 = arith.constant 0 : i32
    %c0_i32_1 = arith.constant 0 : i32
    return %c0_i32, %c0_i32_0 : i32, i32
  }
  func.func @transform_3(%arg0: i32) -> (i32, i32) {
    %c0_i32 = arith.constant 0 : i32
    %c0_i32_0 = arith.constant 0 : i32
    %c0_i32_1 = arith.constant 0 : i32
    return %c0_i32, %c0_i32_0 : i32, i32
  }
  func.func @transform_4(%arg0: i32) -> (i32, i32) {
    %c0_i32 = arith.constant 0 : i32
    %c0_i32_0 = arith.constant 0 : i32
    %c0_i32_1 = arith.constant 0 : i32
    return %c0_i32, %c0_i32_0 : i32, i32
  }
  func.func @transform_5(%arg0: i32) -> (i32, i32) {
    %c0_i32 = arith.constant 0 : i32
    %c0_i32_0 = arith.constant 0 : i32
    %c0_i32_1 = arith.constant 0 : i32
    return %c0_i32, %c0_i32_0 : i32, i32
  }
  func.func @transform_6(%arg0: i32) -> (i32, i32) {
    %c0_i32 = arith.constant 0 : i32
    %c0_i32_0 = arith.constant 0 : i32
    %c0_i32_1 = arith.constant 0 : i32
    return %c0_i32, %c0_i32_0 : i32, i32
  }
  func.func @transform_7(%arg0: i32) -> (i32, i32) {
    %c0_i32 = arith.constant 0 : i32
    %c0_i32_0 = arith.constant 0 : i32
    %c0_i32_1 = arith.constant 0 : i32
    return %c0_i32, %c0_i32_0 : i32, i32
  }
  func.func @transform_8(%arg0: i32) -> i32 {
    %c0_i32 = arith.constant 0 : i32
    %c0_i32_0 = arith.constant 0 : i32
    return %c0_i32 : i32
  }
  func.func @transform_9(%arg0: i32) -> (i32, i32) {
    %c0_i32 = arith.constant 0 : i32
    %c0_i32_0 = arith.constant 0 : i32
    return %arg0, %c0_i32 : i32, i32
  }
}

</mosaic_0001>

<sc_bundles>
// kernel: kernel.6.cloned.1.call-start
scs
__scs_entry_jumppad:
0x0: {  	(pc) =	sbr.rel $0x88, $3  }
0x1: {  	(tag) =	ssettag $0x0;
	lr =	simm.s32 $0x1  }
0x2: {  	[smem:$0x3F94] =	sst lr;
	_ =	strace $0xD0000000  }
0x3: {  	_ = 	snop  }
0x4: {  	_ = 	snop  }
0x5: {  	_ = 	snop  }
0x6: {  	_ = 	snop  }
0x7: {  	_ = 	snop  }
__scs_overlays_trampoline_lowered:
0x8: {  	[smem:$0x3FA3] =	sst s0  }
0x9: {  	[smem:$0x3FA4] =	sst s1  }
0xa: {  	[smem:$0x3FA5] =	sst s2  }
0xb: {  	[smem:$0x3FA6] =	sst s3  }
0xc: {  	[smem:$0x3FA7] =	sst s4  }
0xd: {  	[smem:$0x3FA8] =	sst s5  }
0xe: {  	[smem:$0x3FA9] =	sst s6  }
0xf: {  	[smem:$0x3FAA] =	sst s7  }
0x10: {  	[smem:$0x3FAB] =	sst s8  }
0x11: {  	[smem:$0x3FAC] =	sst s9;
	s0 =	simm.s32 @!p0 $0x0  }
0x12: {  	s1 =	sld [smem:$0x3F92];
	s0 =	simm.s32 @p0 $0x1  }
0x13: {  	[smem:$0x3FAD] =	sst s0;
	s0 =	simm.s32 @!p1 $0x0  }
0x14: {  	s2 =	sld [smem:$0x3F91];
	s0 =	simm.s32 @p1 $0x1  }
0x15: {  	[smem:$0x3FAE] =	sst s0;
	s0 =	simm.s32 @!p2 $0x0  }
0x16: {  	s3 =	sld [smem:$0x3FDB];
	s0 =	simm.s32 @p2 $0x1  }
0x17: {  	s4 =	simm.s32 $0x1BF5;
	[smem:$0x3FB0] =	sst s0  }
0x18: {  	s0 =	sld [smem:$0x3F93];
	_ =	swait.ge [sflag:s4], $0x0  }
0x19: {  	s7 =	sld [smem:$0x3F94]  }
0x1a: {  	s8 =	sadd.s32 $0xFFFFE003, lr  }
0x1b: {  	s9 =	sadd.s32 $0xFFFFFEF7, lr;
	s5 =	simm.s32 $0xFFFFFFFF;
	p2 =	slt.u32 s8, $0xFFFFF086  }
0x1c: {  	p1 =	slt.u32 s9, $0xF7A;
	s5 =	simm.s32 @!p2 $0x0  }
0x1d: {  	s5 =	simm.s32 @p1 $0x1;
	p0 =	seq.s32 s7, s2  }
0x1e: {  	s7 =	smul.u32 @!p0 $0xF7A, s2;
	p2 =	seq.s32 @!p0 s5, $0x0  }
0x1f: {  	s9 =	smul.u32 $0xF7A, s1;
	s8 =	simm.s32 @!p0 $0x1BF5;
	p2 =	por !p2, p0  }
0x20: {  	[sflag:s8] =	ssyncset.s32 @!p0 $0xFFFFF086;
	s6 =	sadd.s32 @!p0 s3, s7;
	s7 =	simm.s32 @!p0 $0x108  }
0x21: {  	s3 =	sadd.s32 s3, s9;
	s6 =	sadd.s32 @!p0 $0x88, s6;
	s7 =	simm.s32 @p2 $0x1082  }
0x22: {  	[simem:s7], [sflag:s8] =	dma.local @!p0 [hbm:s6], $0xF7A  }
0x23: {  	s9 =	sor.u32 $0xD0000000, s2;
	s6 =	simm.s32 $0x108;
	_ =	swait.ge @!p0 [sflag:s8], $0x0  }
0x24: {  	s3 =	sadd.s32 $0x88, s3;
	s6 =	simm.s32 @!p1 $0x1082;
	[sflag:s4] =	ssyncset.s32 $0xFFFFF086  }
0x25: {  	[simem:s6], [sflag:s4] =	dma.local [hbm:s3], $0xF7A  }
0x26: {  	[smem:$0x3F94] =	sst s1;
	(tag) =	ssettag s2;
	_ =	strace s9  }
0x27: {  	s1 =	sld [smem:$0x3FA4]  }
0x28: {  	s2 =	sld [smem:$0x3FA5]  }
0x29: {  	s4 =	sld [smem:$0x3FA7]  }
0x2a: {  	p0 =	seq.s32 s5, $0x0;
	s5 =	sld [smem:$0x3FA8]  }
0x2b: {  	s6 =	sld [smem:$0x3FA9]  }
0x2c: {  	s7 =	sld [smem:$0x3FAA]  }
0x2d: {  	s3 =	simm.s32 $0x108;
	s8 =	sld [smem:$0x3FAB]  }
0x2e: {  	s3 =	simm.s32 @!p0 $0x1082;
	s9 =	sld [smem:$0x3FAC]  }
0x2f: {  	lr =	sadd.s32 s0, s3;
	s0 =	sld [smem:$0x3FA3]  }
0x30: {  	s3 =	sld [smem:$0x3FA6]  }
0x31: {  	[smem:$0x3FAF] =	sst s10  }
0x32: {  	s10 =	sld [smem:$0x3FAD];
	_ =	sdelay $0x3  }
0x33: {  	p0 =	seq.s32 s10, $0x1;
	s10 =	sld [smem:$0x3FAF];
	_ =	sdelay $0x3  }
0x34: {  	[smem:$0x3FAF] =	sst s10  }
0x35: {  	s10 =	sld [smem:$0x3FAE];
	_ =	sdelay $0x3  }
0x36: {  	p1 =	seq.s32 s10, $0x1;
	s10 =	sld [smem:$0x3FAF];
	_ =	sdelay $0x3  }
0x37: {  	[smem:$0x3FAF] =	sst s10  }
0x38: {  	s10 =	sld [smem:$0x3FB0]  }
0x39: {  	_ = 	snop;
	(pc) =	sbr.ind lr, $3  }
0x3a: {  	_ = 	snop  }
0x3b: {  	_ = 	snop  }
0x3c: {  	p2 =	seq.s32 s10, $0x1;
	s10 =	sld [smem:$0x3FAF]  }
0x3d: {  	_ =	shalt  }
0x3e: {  	_ =	shalt  }
0x3f: {  	_ =	shalt  }
0x40: {  	_ =	shalt  }
0x41: {  	_ =	shalt  }
0x42: {  	_ =	shalt  }
0x43: {  	_ =	shalt  }
0x44: {  	_ =	shalt  }
0x45: {  	_ =	shalt  }
0x46: {  	_ =	shalt  }
0x47: {  	_ =	shalt  }
0x48: {  	_ =	shalt  }
0x49: {  	_ =	shalt  }
0x4a: {  	_ =	shalt  }
0x4b: {  	_ =	shalt  }
0x4c: {  	_ =	shalt  }
0x4d: {  	_ =	shalt  }
0x4e: {  	_ =	shalt  }
0x4f: {  	_ =	shalt  }
0x50: {  	_ =	shalt  }
0x51: {  	_ =	shalt  }
0x52: {  	_ =	shalt  }
0x53: {  	_ =	shalt  }
0x54: {  	_ =	shalt  }
0x55: {  	_ =	shalt  }
0x56: {  	_ =	shalt  }
0x57: {  	_ =	shalt  }
0x58: {  	_ =	shalt  }
0x59: {  	_ =	shalt  }
0x5a: {  	_ =	shalt  }
0x5b: {  	_ =	shalt  }
0x5c: {  	_ =	shalt  }
0x5d: {  	_ =	shalt  }
0x5e: {  	_ =	shalt  }
0x5f: {  	_ =	shalt  }
0x60: {  	_ =	shalt  }
0x61: {  	_ =	shalt  }
0x62: {  	_ =	shalt  }
0x63: {  	_ =	shalt  }
0x64: {  	_ =	shalt  }
0x65: {  	_ =	shalt  }
0x66: {  	_ =	shalt  }
0x67: {  	_ =	shalt  }
0x68: {  	_ =	shalt  }
0x69: {  	_ =	shalt  }
0x6a: {  	_ =	shalt  }
0x6b: {  	_ =	shalt  }
0x6c: {  	_ =	shalt  }
0x6d: {  	_ =	shalt  }
0x6e: {  	_ =	shalt  }
0x6f: {  	_ =	shalt  }
0x70: {  	_ =	shalt  }
0x71: {  	_ =	shalt  }
0x72: {  	_ =	shalt  }
0x73: {  	_ =	shalt  }
0x74: {  	_ =	shalt  }
0x75: {  	_ =	shalt  }
0x76: {  	_ =	shalt  }
0x77: {  	_ =	shalt  }
0x78: {  	_ =	shalt  }
0x79: {  	_ =	shalt  }
0x7a: {  	_ =	shalt  }
0x7b: {  	_ =	shalt  }
0x7c: {  	_ =	shalt  }
0x7d: {  	_ =	shalt  }
0x7e: {  	_ =	shalt  }
0x7f: {  	_ =	shalt  }
0x80: {  	_ =	shalt  }
0x81: {  	_ =	shalt  }
0x82: {  	_ =	shalt  }
0x83: {  	_ =	shalt  }
0x84: {  	_ =	shalt  }
0x85: {  	_ =	shalt  }
0x86: {  	_ =	shalt  }
0x87: {  	_ =	shalt  }
.Lfunc_end0:
.L_simem_size_0:
called_computation_lowered:
.L_overlay_start_0:
0x88: {  	s2 =	sld [smem:$0x3FD9]  }
0x89: {  	s3 =	sld [smem:$0x3FFE];
	_ =	sdelay $0x1  }
0x8a: {  	s1 =	srdreg.scid  }
0x8b: {  	s0 =	sand.u32 $0x1, s1  }
0x8c: {  	s17 =	sshll.u32 s0, $0xA;
	s2 =	sadd.s32 s3, s2  }
0x8d: {  	s2 =	sadd.s32 s2, s17  }
0x8e: {  	[smem:$0x3FBB] =	sst s2  }
0x8f: {  	_ = 	snop  }
0x90: {  	s2 =	sld [smem:$0x3FD0];
	(tm) =	ssettm $0x1  }
0x91: {  	s18 =	sld [smem:$0x3FFB];
	_ =	sdelay $0x3  }
0x92: {  	_ =	strace s18  }
0x93: {  	s3 =	sld [smem:$0x3FFC];
	_ =	sdelay $0x3  }
0x94: {  	_ =	strace s3  }
0x95: {  	s3 =	sld [smem:$0x3FFD];
	_ =	sdelay $0x3  }
0x96: {  	_ =	strace s3  }
0x97: {  	_ =	strace $0x8FFFFFFF  }
0x98: {  	s19 =	sld [smem:$0x3FDB];
	_ =	sdelay $0x1  }
0x99: {  	s4 =	simm.s32 $_scs_section_size  }
0x9a: {  	s5 =	simm.s32 $_size__tile_overlayer_lowered;
	s6 =	simm.s32 $_tile_overlayer_lowered  }
0x9b: {  	s22 =	simm.s32 $0x1BFF;
	s21 =	sshll.u32 s6, $0x1;
	s3 =	sadd.s32 s4, s19  }
0x9c: {  	s7 =	simm.s32 $0x0;
	s20 =	sshll.u32 s5, $0x1;
	s5 =	sadd.s32 s21, s3  }
0x9d: {  	[timem:s7], [sflag:s22] =	dma.local [hbm:s5], s20  }
0x9e: {  	_ =	swait.ge [sflag:s22], s20  }
0x9f: {  	s4 =	ssub.s32 $0x0, s20;
	[sflag:s22] =	ssyncset.done $0x0  }
0xa0: {  	[sflag:s22] =	ssyncadd.s32 s4;
	_ =	sdelay $0x1  }
0xa1: {  	s23 =	simm.s32 $0x1B8B  }
0xa2: {  	_ =	swait.ge [sflag:s23], $0x1  }
0xa3: {  	[sflag:s23] =	ssyncset.done $0x0  }
0xa4: {  	s25 =	simm.s32 $0x1B8E;
	s24 =	sld [smem:$0x3FFE];
	[sflag:s23] =	ssyncadd.s32 $0xFFFFFFFF  }
0xa5: {  	s26 =	simm.s32 $execute0_lowered;
	[smem:$0x3FD2] =	sst s25  }
0xa6: {  	s5 =	sshll.u32 s26, $0x1;
	_ =	strace $0x80000046;
	[dreg:$0x1] =	wrdreg $0xFFFFFFFF  }
0xa7: {  	s28 =	simm.s32 $_size_execute0_lowered;
	s3 =	sadd.s32 s3, s5;
	[dreg:$0x0] =	wrdreg $0x0  }
0xa8: {  	s5 =	sshll.u32 s28, $0x1;
	[dreg:$0x2] =	wrdreg s3  }
0xa9: {  	[dreg:$0x3] =	wrdreg s5  }
0xaa: {  	[dreg:$0x4] =	wrdreg $0xC0  }
0xab: {  	_ =	task [dreg:s7], $0x5FFFF  }
0xac: {  	[dreg:$0x1] =	wrdreg $0xFFFFFFFF  }
0xad: {  	[dreg:$0x0] =	wrdreg $0x60  }
0xae: {  	[dreg:$0x2] =	wrdreg s24  }
0xaf: {  	[dreg:$0x3] =	wrdreg s2  }
0xb0: {  	[dreg:$0x4] =	wrdreg $0xC3000  }
0xb1: {  	[dreg:$0x5] =	wrdreg $0x9  }
0xb2: {  	_ =	task.clear_ibuf [dreg:s7], $0x6FFFF;
	_ =	strace $0x90000046  }
0xb3: {  	s29 =	simm.s32 $0x9;
	_ =	strace $0x80000048  }
0xb4: {  	_ =	swait.ge [sflag:s29], $0x1  }
0xb5: {  	[sflag:s29] =	ssyncadd.s32 $0xFFFFFFFF  }
0xb6: {  	_ =	strace $0x90000048  }
0xb7: {  	_ =	sfence  }
0xb8: {  	s30 =	sld [smem:$0x0];
	_ =	sdelay $0x2  }
0xb9: {  	s31 =	sshll.u32 s1, $0xD;
	s1 =	sshrl.u32 s1, $0x2  }
0xba: {  	s3 =	sand.u32 $0x4000, s31;
	s1 =	sadd.s32 s1, s30  }
0xbb: {  	s0 =	sor.u32 s3, s0;
	s1 =	sshll.u32 s1, $0x11  }
0xbc: {  	s0 =	sor.u32 s1, s0  }
0xbd: {  	s0 =	sadd.s32 $0x8F2B, s0  }
0xbe: {  	[sflag:s0] =	ssyncadd.remote.s32 $0x1  }
0xbf: {  	_ =	sfence.sel $0xFFFF  }
0xc0: {  	[dreg:$0x0] =	wrdreg $0xFFFFFFFF;
	(pc) =	sbr.abs _section_cstart, $3  }
0xc1: {  	[dreg:$0x1] =	wrdreg $0xFFFFFFFF  }
0xc2: {  	_ =	task.clear_ibuf [dreg:s7], $0x2FFFF;
	_ =	strace $0x9FFFFFFF  }
0xc3: {  	(tm) =	ssettm $0x7FFFFFFF  }
tec
execute0_lowered:
.L_overlay_start_1:
0x0: {  	(tag) =	ssettag $0x1  }
0x1: {  	s0 =	rddreg [dreg:$0x0]  }
0x2: {  	s2 =	rddreg [dreg:$0x1]  }
0x3: {  	s1 =	rddreg [dreg:$0x2];
	s14 =	stileid.u32  }
0x4: {  	s25 =	simm.s32 $0x0;
	s3 =	srdreg.scid;
	s7 =	smul.u32 $0x13C00, s14  }
0x5: {  	s28 =	simm.s32 $0x4300;
	s29 =	simm.s32 $0x200;
	s11 =	smul.u32 $0x4F000, s14  }
0x6: {  	s30 =	simm.s32 $0x8300;
	[smem:$0x7FF] =	sst s25;
	s13 =	smul.u32 $0x5100, s14  }
0x7: {  	s3 =	sand.u32 $0x1, s3;
	s4 =	sadd.s32 $0x2800, s0;
	s22 =	smul.u32 $0x1440, s14  }
0x8: {  	s8 =	sadd.s32 $0x16C00, s0;
	s9 =	sadd.s32 $0x9F4800, s0;
	s16 =	smul.u32 $0x51000, s14  }
0x9: {  	s5 =	sadd.s32 $0x3DE00, s0;
	s6 =	smul.u32 $0x13C000, s3;
	_ =	strace $0x80000047  }
0xa: {  	s21 =	ssub.s32 $0x2, s3;
	p0 =	seq.s32 s3, $0x0;
	s11 =	sshrl.u32 s11, $0x2  }
0xb: {  	s12 =	sshrl.u32 s21, $0x1;
	s15 =	sor.u32 $0x80, s13;
	s14 =	sadd.s32 $0x100, s13  }
0xc: {  	s17 =	sadd.s32 $0x180, s13;
	s18 =	sadd.s32 $0x200, s13;
	s5 =	smov.u32 @p0 s2  }
0xd: {  	s2 =	simm.s32 $0x80;
	s13 =	simm.s32 $0xA;
	s10 =	sadd.s32 s7, s6  }
0xe: {  	s6 =	sadd.s32 $0x65000, s0;
	s7 =	sadd.s32 $0xF04800, s0;
	s31 =	sadd.s32 s11, s1  }
0xf: {  	s19 =	sshrl.u32 s15, $0x2;
	s3 =	sshll.u32 s15, $0x4;
	s20 =	sshrl.u32 s14, $0x2  }
0x10: {  	s15 =	simm.s32 $0x3;
	s10 =	sshrl.u32 s10, $0x3;
	s11 =	sadd.s32 $0x4000, s31  }
0x11: {  	s23 =	sadd.s32 $0x8000, s31;
	s24 =	sadd.s32 $0xC000, s31;
	[dreg:$0x5] =	wrdreg s31  }
0x12: {  	s26 =	sadd.s32 $0x10000, s31;
	s7 =	smov.u32 @p0 s9;
	[dreg:$0x6] =	wrdreg s11  }
0x13: {  	s6 =	smov.u32 @p0 s8;
	s8 =	simm.s32 $0x10;
	[dreg:$0x7] =	wrdreg s23  }
0x14: {  	s9 =	simm.s32 $0x2;
	s0 =	sadd.s32 s10, s0;
	[dreg:$0x8] =	wrdreg s24  }
0x15: {  	s10 =	ssub.s32 s21, s12;
	[dreg:$0x9] =	wrdreg s26;
	s11 =	sadd.s32 s4, s22  }
0x16: {  	s12 =	sadd.s32 s4, s19;
	s21 =	sshll.u32 s14, $0x4;
	[dreg:$0xa] =	wrdreg s11  }
0x17: {  	s23 =	sadd.s32 s7, s16;
	s24 =	sadd.s32 s7, s3;
	[dreg:$0xb] =	wrdreg s12  }
0x18: {  	s16 =	simm.s32 $0x6;
	s19 =	simm.s32 $0x280;
	[dreg:$0xf] =	wrdreg s23  }
0x19: {  	s12 =	sadd.s32 s4, s20;
	s0 =	sadd.s32 $0x8C200, s0;
	[dreg:$0x10] =	wrdreg s24  }
0x1a: {  	s22 =	smax.u32 s10, $0x1;
	s26 =	sadd.s32 s7, s21;
	[dreg:$0xc] =	wrdreg s12  }
0x1b: {  	s24 =	simm.s32 $0x300;
	s10 =	simm.s32 $0x5;
	[dreg:$0xd] =	wrdreg s0  }
0x1c: {  	s11 =	simm.s32 $0x180;
	s20 =	simm.s32 $0x8;
	[dreg:$0xe] =	wrdreg s22  }
0x1d: {  	s21 =	simm.s32 $0xB;
	s23 =	simm.s32 $0xC;
	[dreg:$0x11] =	wrdreg s26  }
0x1e: {  	v0 =	vimm.f32 $0.0e+00;
	s26 =	simm.s32 $0x100;
	s12 =	simm.s32 $0x7;
	s22 =	simm.s32 $0x9  }
.LBB2_1:
0x1f: {  	[dreg:$0x4] =	wrdreg s25;
	s0 =	simm.s32 $0x0;
	s3 =	simm.s32 $0x200  }
.LBB2_2:
0x20: {  	p0 =	sne.s32 s3, $0xFE00;
	[tilespmem:s0+$0x370] =	vst v0  }
0x21: {  	[tilespmem:s0+$0x300] =	vst v0  }
0x22: {  	[tilespmem:s0+$0x310] =	vst v0  }
.Ltmp0:
0x23: {  	[tilespmem:s0+$0x320] =	vst v0;
	(pc) =	sbr.rel @p0 .LBB2_2-.Ltmp0, $4  }
0x24: {  	[tilespmem:s0+$0x330] =	vst v0  }
0x25: {  	[tilespmem:s0+$0x340] =	vst v0  }
0x26: {  	[tilespmem:s0+$0x350] =	vst v0  }
0x27: {  	[tilespmem:s0+$0x360] =	vst v0;
	s0 =	sshra.s32 s3, $0x2;
	s3 =	sadd.s32 $0x200, s3  }
0x28: {  	[tilespmem:s0+$0x370] =	vst v0  }
0x29: {  	[tilespmem:s0+$0x300] =	vst v0  }
0x2a: {  	[tilespmem:s0+$0x310] =	vst v0  }
0x2b: {  	[tilespmem:s0+$0x320] =	vst v0  }
0x2c: {  	[tilespmem:s0+$0x330] =	vst v0  }
0x2d: {  	[tilespmem:s0+$0x340] =	vst v0  }
0x2e: {  	[tilespmem:s0+$0x350] =	vst v0  }
0x2f: {  	[tilespmem:s0+$0x360] =	vst v0  }
0x30: {  	[spmem:s31] =	stream.linear.scatter [tilespmem:s24], [sflag:$0x10], $0x4000, $0x38;
	[tilespmem:$0x1FF00] =	vst v63  }
0x31: {  	_ =	swait.ge [sflag:s8], $0x4000  }
0x32: {  	[sflag:s8] =	ssyncset.done $0x0  }
0x33: {  	s25 =	rddreg [dreg:$0x6];
	[sflag:s8] =	ssyncadd.s32 $0xFFFFC000  }
0x34: {  	[spmem:s25] =	stream.linear.scatter [tilespmem:s24], [sflag:$0x10], $0x4000, $0x38;
	[tilespmem:$0x1FF00] =	vst v63  }
0x35: {  	_ =	swait.ge [sflag:s8], $0x4000  }
0x36: {  	[sflag:s8] =	ssyncset.done $0x0  }
0x37: {  	s31 =	rddreg [dreg:$0x7];
	[sflag:s8] =	ssyncadd.s32 $0xFFFFC000  }
0x38: {  	[spmem:s31] =	stream.linear.scatter [tilespmem:s24], [sflag:$0x10], $0x4000, $0x38;
	[tilespmem:$0x1FF00] =	vst v63  }
0x39: {  	_ =	swait.ge [sflag:s8], $0x4000  }
0x3a: {  	[sflag:s8] =	ssyncset.done $0x0  }
0x3b: {  	s3 =	rddreg [dreg:$0x8];
	[sflag:s8] =	ssyncadd.s32 $0xFFFFC000  }
0x3c: {  	[spmem:s3] =	stream.linear.scatter [tilespmem:s24], [sflag:$0x10], $0x4000, $0x38;
	[tilespmem:$0x1FF00] =	vst v63  }
0x3d: {  	_ =	swait.ge [sflag:s8], $0x4000  }
0x3e: {  	[sflag:s8] =	ssyncset.done $0x0  }
0x3f: {  	s25 =	rddreg [dreg:$0x9];
	[sflag:s8] =	ssyncadd.s32 $0xFFFFC000  }
0x40: {  	[spmem:s25] =	stream.linear.scatter [tilespmem:s24], [sflag:$0x10], $0x3C00, $0x38;
	[tilespmem:$0x1FF00] =	vst v63  }
0x41: {  	_ =	swait.ge [sflag:s8], $0x3C00  }
0x42: {  	[sflag:s8] =	ssyncset.done $0x0  }
0x43: {  	[sflag:s8] =	ssyncadd.s32 $0xFFFFC400  }
0x44: {  	[bflag:$0x0] =	sbarrier.arrive $0xFFFF  }
0x45: {  	s0 =	simm.s32 $0x0;
	s3 =	rddreg [dreg:$0xa]  }
0x46: {  	[tilespmem:s0], [sflag:$0x1] =	stream.linear.gather [hbm4b:s3+s0], $0x100, $0x38;
	[tilespmem:$0x1FF00] =	vst v63  }
0x47: {  	s31 =	rddreg [dreg:$0xf]  }
0x48: {  	[tilespmem:s24], [sflag:$0x4] =	stream.linear.gather [hbm4b:s31+s0], $0x4000, $0x38;
	[tilespmem:$0x1FF00] =	vst v63  }
0x49: {  	s8 =	rddreg [dreg:$0xb]  }
0x4a: {  	[tilespmem:s26], [sflag:$0x2] =	stream.linear.gather [hbm4b:s8+s0], $0x100, $0x38;
	[tilespmem:$0x1FF00] =	vst v63  }
0x4b: {  	s25 =	rddreg [dreg:$0x10]  }
0x4c: {  	[tilespmem:s28], [sflag:$0x5] =	stream.linear.gather [hbm4b:s25+s0], $0x4000, $0x38;
	[tilespmem:$0x1FF00] =	vst v63  }
0x4d: {  	s31 =	rddreg [dreg:$0xc]  }
0x4e: {  	[tilespmem:s29], [sflag:$0x3] =	stream.linear.gather [hbm4b:s31+s0], $0x100, $0x38;
	[tilespmem:$0x1FF00] =	vst v63  }
0x4f: {  	s8 =	rddreg [dreg:$0x11];
	s25 =	simm.s32 $0x1  }
0x50: {  	[tilespmem:s30], [sflag:$0x6] =	stream.linear.gather [hbm4b:s8+s0], $0x4000, $0x38;
	[tilespmem:$0x1FF00] =	vst v63  }
0x51: {  	_ =	swait.ge [sflag:s25], $0x100  }
0x52: {  	[sflag:s25] =	ssyncset.done $0x0  }
0x53: {  	s31 =	simm.s32 $0x4;
	[sflag:s25] =	ssyncadd.s32 $0xFFFFFF00  }
0x54: {  	_ =	swait.ge [sflag:s31], $0x4000  }
0x55: {  	[sflag:s31] =	ssyncset.done $0x0  }
0x56: {  	[sflag:s31] =	ssyncadd.s32 $0xFFFFC000  }
0x57: {  	[tilespmem:s24], [sflag:$0x7] =	stream.indirect.gather.add.f32 [hbm:s5], $0x80, s0, s2, $0xb8;
	[tilespmem:$0x1FF00] =	vst v63  }
0x58: {  	_ = 	snop  }
0x59: {  	[tilespmem:s24], [sflag:$0xA] =	stream.indirect.gather.add.f32 [hbm:s6], $0x80, s2, s2, $0xb8;
	[tilespmem:$0x1FF00] =	vst v63  }
.LBB2_4:
0x5a: {  	_ =	swait.ge [sflag:s9], $0x100  }
0x5b: {  	[sflag:s9] =	ssyncset.done $0x0  }
0x5c: {  	[sflag:s9] =	ssyncadd.s32 $0xFFFFFF00  }
0x5d: {  	_ =	swait.ge [sflag:s10], $0x4000  }
0x5e: {  	[sflag:s10] =	ssyncset.done $0x0  }
0x5f: {  	p0 =	seq.s32 s0, $0x0;
	[sflag:s10] =	ssyncadd.s32 $0xFFFFC000  }
0x60: {  	[tilespmem:s28], [sflag:$0x8] =	stream.indirect.gather.add.f32 [hbm:s5], $0x80, s26, s2, $0xb8;
	[tilespmem:$0x1FF00] =	vst v63  }
0x61: {  	s3 =	simm.s32 @!p0 $0xF;
	s8 =	smul.u32 @!p0 $0x180, s0  }
0x62: {  	[tilespmem:s28], [sflag:$0xB] =	stream.indirect.gather.add.f32 [hbm:s6], $0x80, s11, s2, $0xb8;
	[tilespmem:$0x1FF00] =	vst v63  }
0x63: {  	_ =	swait.ge @!p0 [sflag:s3], $0x4000  }
0x64: {  	s8 =	sadd.s32 @!p0 s8, s14;
	[sflag:s3] =	ssyncset.done @!p0 $0x0  }
0x65: {  	[sflag:s3] =	ssyncadd.s32 @!p0 $0xFFFFC000;
	s3 =	sshrl.u32 @!p0 s8, $0x2  }
0x66: {  	s31 =	simm.s32 @!p0 $0x0;
	s25 =	simm.s32 @!p0 $0x200;
	s3 =	sadd.s32 @!p0 s4, s3  }
0x67: {  	[tilespmem:s25], [sflag:$0x3] =	stream.linear.gather @!p0 [hbm4b:s3+s31], $0x100, $0x38;
	[tilespmem:$0x1FF00] =	vst v63  }
0x68: {  	s3 =	sshll.u32 @!p0 s8, $0x4  }
0x69: {  	s8 =	simm.s32 @!p0 $0x8300;
	s3 =	sadd.s32 @!p0 s7, s3  }
0x6a: {  	[tilespmem:s8], [sflag:$0x6] =	stream.linear.gather @!p0 [hbm4b:s3+s31], $0x4000, $0x38;
	[tilespmem:$0x1FF00] =	vst v63  }
0x6b: {  	_ =	swait.ge [sflag:s12], $0x4000  }
0x6c: {  	[sflag:s12] =	ssyncset.done $0x0  }
0x6d: {  	[sflag:s12] =	ssyncadd.s32 $0xFFFFC000  }
0x6e: {  	_ =	swait.ge [sflag:s13], $0x4000  }
0x6f: {  	[sflag:s13] =	ssyncset.done $0x0  }
0x70: {  	s31 =	simm.s32 $0x0;
	[sflag:s13] =	ssyncadd.s32 $0xFFFFC000  }
0x71: {  	v3 =	vld [tilespmem:s31+$0x300]  }
0x72: {  	v5 =	vld [tilespmem:s31+$0x310]  }
0x73: {  	v4 =	vld [tilespmem:s31+$0x320]  }
0x74: {  	v2 =	vld [tilespmem:s31+$0x330]  }
0x75: {  	v1 =	vld [tilespmem:s31+$0x340]  }
0x76: {  	v6 =	vmax.f32 v3, $0.0e+00;
	v3 =	vld [tilespmem:s31+$0x350]  }
0x77: {  	s8 =	simm.s32 $0x200;
	[tilespmem:s31+$0x300] =	vst v6;
	v6 =	vmax.f32 v5, $0.0e+00;
	v5 =	vld [tilespmem:s31+$0x360]  }
.LBB2_5:
0x78: {  	s3 =	sshra.s32 s8, $0x2;
	p0 =	sne.s32 s8, $0xFE00;
	[tilespmem:s31+$0x310] =	vst v6;
	v4 =	vmax.f32 v4, $0.0e+00;
	v6 =	vld [tilespmem:s31+$0x370]  }
0x79: {  	v7 =	vld [tilespmem:s3+$0x300];
	[tilespmem:s31+$0x320] =	vst v4;
	v2 =	vmax.f32 v2, $0.0e+00  }
0x7a: {  	v8 =	vld [tilespmem:s3+$0x310];
	[tilespmem:s31+$0x330] =	vst v2;
	v1 =	vmax.f32 v1, $0.0e+00  }
.Ltmp1:
0x7b: {  	v4 =	vld [tilespmem:s3+$0x320];
	[tilespmem:s31+$0x340] =	vst v1;
	v1 =	vmax.f32 v3, $0.0e+00;
	(pc) =	sbr.rel @p0 .LBB2_5-.Ltmp1, $4  }
0x7c: {  	v2 =	vld [tilespmem:s3+$0x330];
	[tilespmem:s31+$0x350] =	vst v1;
	v3 =	vmax.f32 v5, $0.0e+00  }
0x7d: {  	v1 =	vld [tilespmem:s3+$0x340];
	[tilespmem:s31+$0x360] =	vst v3;
	v5 =	vmax.f32 v6, $0.0e+00  }
0x7e: {  	v6 =	vmax.f32 v7, $0.0e+00;
	v3 =	vld [tilespmem:s3+$0x350];
	[tilespmem:s31+$0x370] =	vst v5;
	s31 =	smov.u32 s3  }
0x7f: {  	s8 =	sadd.s32 $0x200, s8;
	[tilespmem:s31+$0x300] =	vst v6;
	v6 =	vmax.f32 v8, $0.0e+00;
	v5 =	vld [tilespmem:s31+$0x360]  }
0x80: {  	[tilespmem:s31+$0x310] =	vst v6;
	v4 =	vmax.f32 v4, $0.0e+00;
	v6 =	vld [tilespmem:s31+$0x370]  }
0x81: {  	[tilespmem:s31+$0x320] =	vst v4;
	v2 =	vmax.f32 v2, $0.0e+00  }
0x82: {  	[tilespmem:s31+$0x330] =	vst v2;
	v1 =	vmax.f32 v1, $0.0e+00  }
0x83: {  	[tilespmem:s31+$0x340] =	vst v1;
	v1 =	vmax.f32 v3, $0.0e+00  }
0x84: {  	[tilespmem:s31+$0x350] =	vst v1;
	v1 =	vmax.f32 v5, $0.0e+00  }
0x85: {  	[tilespmem:s31+$0x360] =	vst v1;
	v1 =	vmax.f32 v6, $0.0e+00  }
0x86: {  	[tilespmem:s31+$0x370] =	vst v1  }
0x87: {  	[spmem:s1] =	stream.indirect.scatter.add.f32 [tilespmem:s24], [sflag:$0xD], $0x80, s2, s2, $0xb8;
	[tilespmem:$0x1FF00] =	vst v63  }
0x88: {  	_ =	swait.ge [sflag:s15], $0x100  }
0x89: {  	[sflag:s15] =	ssyncset.done $0x0  }
0x8a: {  	[sflag:s15] =	ssyncadd.s32 $0xFFFFFF00  }
0x8b: {  	_ =	swait.ge [sflag:s16], $0x4000  }
0x8c: {  	[sflag:s16] =	ssyncset.done $0x0  }
0x8d: {  	p0 =	seq.s32 s0, $0x35;
	[sflag:s16] =	ssyncadd.s32 $0xFFFFC000  }
0x8e: {  	[tilespmem:s30], [sflag:$0x9] =	stream.indirect.gather.add.f32 [hbm:s5], $0x80, s29, s2, $0xb8;
	[tilespmem:$0x1FF00] =	vst v63  }
0x8f: {  	s3 =	simm.s32 @!p0 $0xD;
	s31 =	smul.u32 @!p0 $0x180, s0  }
0x90: {  	[tilespmem:s30], [sflag:$0xC] =	stream.indirect.gather.add.f32 [hbm:s6], $0x80, s19, s2, $0xb8;
	[tilespmem:$0x1FF00] =	vst v63  }
0x91: {  	s8 =	sadd.s32 @!p0 s31, s17;
	_ =	swait.ge @!p0 [sflag:s3], $0x4000  }
0x92: {  	s25 =	sshrl.u32 @!p0 s8, $0x2;
	[sflag:s3] =	ssyncset.done @!p0 $0x0  }
0x93: {  	[sflag:s3] =	ssyncadd.s32 @!p0 $0xFFFFC000;
	s3 =	sadd.s32 @!p0 s4, s25;
	s25 =	simm.s32 @!p0 $0x0  }
0x94: {  	[tilespmem:s25], [sflag:$0x1] =	stream.linear.gather @!p0 [hbm4b:s3+s25], $0x100, $0x38;
	[tilespmem:$0x1FF00] =	vst v63  }
0x95: {  	s3 =	sshll.u32 @!p0 s8, $0x4  }
0x96: {  	s8 =	simm.s32 @!p0 $0x300;
	s3 =	sadd.s32 @!p0 s7, s3  }
0x97: {  	[tilespmem:s8], [sflag:$0x4] =	stream.linear.gather @!p0 [hbm4b:s3+s25], $0x4000, $0x38;
	[tilespmem:$0x1FF00] =	vst v63  }
0x98: {  	_ =	swait.ge [sflag:s20], $0x4000  }
0x99: {  	[sflag:s20] =	ssyncset.done $0x0  }
0x9a: {  	[sflag:s20] =	ssyncadd.s32 $0xFFFFC000  }
0x9b: {  	_ =	swait.ge [sflag:s21], $0x4000  }
0x9c: {  	[sflag:s21] =	ssyncset.done $0x0  }
0x9d: {  	s8 =	simm.s32 $0x0;
	[sflag:s21] =	ssyncadd.s32 $0xFFFFC000  }
0x9e: {  	v3 =	vld [tilespmem:s8+$0x4300]  }
0x9f: {  	v5 =	vld [tilespmem:s8+$0x4310]  }
0xa0: {  	v4 =	vld [tilespmem:s8+$0x4320]  }
0xa1: {  	v2 =	vld [tilespmem:s8+$0x4330]  }
0xa2: {  	v1 =	vld [tilespmem:s8+$0x4340]  }
0xa3: {  	v6 =	vmax.f32 v3, $0.0e+00;
	v3 =	vld [tilespmem:s8+$0x4350]  }
0xa4: {  	s3 =	simm.s32 $0x200;
	[tilespmem:s8+$0x4300] =	vst v6;
	v6 =	vmax.f32 v5, $0.0e+00;
	v5 =	vld [tilespmem:s8+$0x4360]  }
.LBB2_7:
0xa5: {  	s25 =	sshra.s32 s3, $0x2;
	p1 =	sne.s32 s3, $0xFE00;
	[tilespmem:s8+$0x4310] =	vst v6;
	v4 =	vmax.f32 v4, $0.0e+00;
	v6 =	vld [tilespmem:s8+$0x4370]  }
0xa6: {  	v7 =	vld [tilespmem:s25+$0x4300];
	[tilespmem:s8+$0x4320] =	vst v4;
	v2 =	vmax.f32 v2, $0.0e+00  }
0xa7: {  	v8 =	vld [tilespmem:s25+$0x4310];
	[tilespmem:s8+$0x4330] =	vst v2;
	v1 =	vmax.f32 v1, $0.0e+00  }
.Ltmp2:
0xa8: {  	v4 =	vld [tilespmem:s25+$0x4320];
	[tilespmem:s8+$0x4340] =	vst v1;
	v1 =	vmax.f32 v3, $0.0e+00;
	(pc) =	sbr.rel @p1 .LBB2_7-.Ltmp2, $4  }
0xa9: {  	v2 =	vld [tilespmem:s25+$0x4330];
	[tilespmem:s8+$0x4350] =	vst v1;
	v3 =	vmax.f32 v5, $0.0e+00  }
0xaa: {  	v1 =	vld [tilespmem:s25+$0x4340];
	[tilespmem:s8+$0x4360] =	vst v3;
	v5 =	vmax.f32 v6, $0.0e+00  }
0xab: {  	v6 =	vmax.f32 v7, $0.0e+00;
	v3 =	vld [tilespmem:s25+$0x4350];
	[tilespmem:s8+$0x4370] =	vst v5;
	s8 =	smov.u32 s25  }
0xac: {  	s3 =	sadd.s32 $0x200, s3;
	[tilespmem:s8+$0x4300] =	vst v6;
	v6 =	vmax.f32 v8, $0.0e+00;
	v5 =	vld [tilespmem:s8+$0x4360]  }
0xad: {  	[tilespmem:s8+$0x4310] =	vst v6;
	v4 =	vmax.f32 v4, $0.0e+00;
	v6 =	vld [tilespmem:s8+$0x4370]  }
0xae: {  	[tilespmem:s8+$0x4320] =	vst v4;
	v2 =	vmax.f32 v2, $0.0e+00  }
0xaf: {  	[tilespmem:s8+$0x4330] =	vst v2;
	v1 =	vmax.f32 v1, $0.0e+00  }
0xb0: {  	[tilespmem:s8+$0x4340] =	vst v1;
	v1 =	vmax.f32 v3, $0.0e+00  }
0xb1: {  	[tilespmem:s8+$0x4350] =	vst v1;
	v1 =	vmax.f32 v5, $0.0e+00  }
0xb2: {  	[tilespmem:s8+$0x4360] =	vst v1;
	v1 =	vmax.f32 v6, $0.0e+00  }
0xb3: {  	s3 =	simm.s32 @!p0 $0x1;
	[tilespmem:s8+$0x4370] =	vst v1  }
0xb4: {  	[spmem:s1] =	stream.indirect.scatter.add.f32 [tilespmem:s28], [sflag:$0xE], $0x80, s11, s2, $0xb8;
	[tilespmem:$0x1FF00] =	vst v63  }
0xb5: {  	_ =	swait.ge @!p0 [sflag:s3], $0x100  }
0xb6: {  	[sflag:s3] =	ssyncset.done @!p0 $0x0  }
0xb7: {  	[sflag:s3] =	ssyncadd.s32 @!p0 $0xFFFFFF00;
	s3 =	simm.s32 @!p0 $0x4  }
0xb8: {  	_ =	swait.ge @!p0 [sflag:s3], $0x4000  }
0xb9: {  	s25 =	simm.s32 @!p0 $0x300;
	[sflag:s3] =	ssyncset.done @!p0 $0x0  }
0xba: {  	s8 =	simm.s32 @!p0 $0x0;
	[sflag:s3] =	ssyncadd.s32 @!p0 $0xFFFFC000;
	s3 =	simm.s32 @!p0 $0x80  }
0xbb: {  	[tilespmem:s25], [sflag:$0x7] =	stream.indirect.gather.add.f32 @!p0 [hbm:s5], $0x80, s8, s3, $0xb8;
	[tilespmem:$0x1FF00] =	vst v63  }
0xbc: {  	_ = 	snop  }
0xbd: {  	[tilespmem:s25], [sflag:$0xA] =	stream.indirect.gather.add.f32 @!p0 [hbm:s6], $0x80, s3, s3, $0xb8;
	[tilespmem:$0x1FF00] =	vst v63  }
0xbe: {  	s3 =	simm.s32 @!p0 $0xE  }
0xbf: {  	s25 =	sadd.s32 @!p0 s31, s18;
	_ =	swait.ge @!p0 [sflag:s3], $0x4000  }
0xc0: {  	s31 =	sshrl.u32 @!p0 s25, $0x2;
	[sflag:s3] =	ssyncset.done @!p0 $0x0  }
0xc1: {  	[sflag:s3] =	ssyncadd.s32 @!p0 $0xFFFFC000;
	s3 =	sadd.s32 @!p0 s4, s31;
	s31 =	simm.s32 @!p0 $0x100  }
0xc2: {  	[tilespmem:s31], [sflag:$0x2] =	stream.linear.gather @!p0 [hbm4b:s3+s8], $0x100, $0x38;
	[tilespmem:$0x1FF00] =	vst v63  }
0xc3: {  	s3 =	sshll.u32 @!p0 s25, $0x4  }
0xc4: {  	s25 =	simm.s32 @!p0 $0x4300;
	s3 =	sadd.s32 @!p0 s7, s3  }
0xc5: {  	[tilespmem:s25], [sflag:$0x5] =	stream.linear.gather @!p0 [hbm4b:s3+s8], $0x4000, $0x38;
	[tilespmem:$0x1FF00] =	vst v63  }
0xc6: {  	_ =	swait.ge [sflag:s22], $0x4000  }
0xc7: {  	[sflag:s22] =	ssyncset.done $0x0  }
0xc8: {  	[sflag:s22] =	ssyncadd.s32 $0xFFFFC000  }
0xc9: {  	_ =	swait.ge [sflag:s23], $0x4000  }
0xca: {  	[sflag:s23] =	ssyncset.done $0x0  }
0xcb: {  	s8 =	simm.s32 $0x0;
	[sflag:s23] =	ssyncadd.s32 $0xFFFFC000  }
0xcc: {  	v3 =	vld [tilespmem:s8+$0x8300]  }
0xcd: {  	v5 =	vld [tilespmem:s8+$0x8310]  }
0xce: {  	v4 =	vld [tilespmem:s8+$0x8320]  }
0xcf: {  	v2 =	vld [tilespmem:s8+$0x8330]  }
0xd0: {  	v1 =	vld [tilespmem:s8+$0x8340]  }
0xd1: {  	v6 =	vmax.f32 v3, $0.0e+00;
	v3 =	vld [tilespmem:s8+$0x8350]  }
0xd2: {  	s3 =	simm.s32 $0x200;
	[tilespmem:s8+$0x8300] =	vst v6;
	v6 =	vmax.f32 v5, $0.0e+00;
	v5 =	vld [tilespmem:s8+$0x8360]  }
.LBB2_9:
0xd3: {  	s25 =	sshra.s32 s3, $0x2;
	p0 =	sne.s32 s3, $0xFE00;
	[tilespmem:s8+$0x8310] =	vst v6;
	v4 =	vmax.f32 v4, $0.0e+00;
	v6 =	vld [tilespmem:s8+$0x8370]  }
0xd4: {  	v7 =	vld [tilespmem:s25+$0x8300];
	[tilespmem:s8+$0x8320] =	vst v4;
	v2 =	vmax.f32 v2, $0.0e+00  }
0xd5: {  	v8 =	vld [tilespmem:s25+$0x8310];
	[tilespmem:s8+$0x8330] =	vst v2;
	v1 =	vmax.f32 v1, $0.0e+00  }
.Ltmp3:
0xd6: {  	v4 =	vld [tilespmem:s25+$0x8320];
	[tilespmem:s8+$0x8340] =	vst v1;
	v1 =	vmax.f32 v3, $0.0e+00;
	(pc) =	sbr.rel @p0 .LBB2_9-.Ltmp3, $4  }
0xd7: {  	v2 =	vld [tilespmem:s25+$0x8330];
	[tilespmem:s8+$0x8350] =	vst v1;
	v3 =	vmax.f32 v5, $0.0e+00  }
0xd8: {  	v1 =	vld [tilespmem:s25+$0x8340];
	[tilespmem:s8+$0x8360] =	vst v3;
	v5 =	vmax.f32 v6, $0.0e+00  }
0xd9: {  	v6 =	vmax.f32 v7, $0.0e+00;
	v3 =	vld [tilespmem:s25+$0x8350];
	[tilespmem:s8+$0x8370] =	vst v5;
	s8 =	smov.u32 s25  }
0xda: {  	s3 =	sadd.s32 $0x200, s3;
	[tilespmem:s8+$0x8300] =	vst v6;
	v6 =	vmax.f32 v8, $0.0e+00;
	v5 =	vld [tilespmem:s8+$0x8360]  }
0xdb: {  	[tilespmem:s8+$0x8310] =	vst v6;
	v4 =	vmax.f32 v4, $0.0e+00;
	v63 =	vld [tilespmem:s8+$0x8370]  }
0xdc: {  	s0 =	sadd.s32 $0x1, s0;
	[tilespmem:s8+$0x8320] =	vst v4;
	v2 =	vmax.f32 v2, $0.0e+00  }
0xdd: {  	p0 =	sne.s32 s0, $0x36;
	[tilespmem:s8+$0x8330] =	vst v2;
	v1 =	vmax.f32 v1, $0.0e+00  }
.Ltmp4:
0xde: {  	[tilespmem:s8+$0x8340] =	vst v1;
	v1 =	vmax.f32 v3, $0.0e+00;
	(pc) =	sbr.rel @p0 .LBB2_4-.Ltmp4, $4  }
0xdf: {  	[tilespmem:s8+$0x8350] =	vst v1;
	v1 =	vmax.f32 v5, $0.0e+00  }
0xe0: {  	[tilespmem:s8+$0x8360] =	vst v1;
	v1 =	vmax.f32 v63, $0.0e+00  }
0xe1: {  	[tilespmem:s8+$0x8370] =	vst v1  }
0xe2: {  	[spmem:s1] =	stream.indirect.scatter.add.f32 [tilespmem:s30], [sflag:$0xF], $0x80, s19, s2, $0xb8;
	[tilespmem:$0x1FF00] =	vst v63  }
0xe3: {  	s0 =	simm.s32 $0xD  }
0xe4: {  	_ =	swait.ge [sflag:s0], $0x4000  }
0xe5: {  	[sflag:s0] =	ssyncset.done $0x0  }
0xe6: {  	s3 =	simm.s32 $0xE;
	[sflag:s0] =	ssyncadd.s32 $0xFFFFC000  }
0xe7: {  	_ =	swait.ge [sflag:s3], $0x4000  }
0xe8: {  	[sflag:s3] =	ssyncset.done $0x0  }
0xe9: {  	s8 =	simm.s32 $0xF;
	[sflag:s3] =	ssyncadd.s32 $0xFFFFC000  }
0xea: {  	_ =	swait.ge [sflag:s8], $0x4000  }
0xeb: {  	[sflag:s8] =	ssyncset.done $0x0  }
0xec: {  	[sflag:s8] =	ssyncadd.s32 $0xFFFFC000  }
0xed: {  	s25 =	stileid.u32;
	[bflag:$0x0] =	sbarrier.arrive $0xFFFF  }
0xee: {  	s0 =	sshll.u32 s25, $0x6;
	s31 =	rddreg [dreg:$0x5]  }
0xef: {  	s0 =	sor.u32 $0x1C10, s0;
	s8 =	rddreg [dreg:$0xd];
	s3 =	sshrl.u32 s31, $0x3  }
0xf0: {  	[hbm:s8], [sflag:s0] =	dma.local [spmem:s3], $0x2780  }
0xf1: {  	s8 =	simm.s32 $0x10  }
0xf2: {  	_ =	swait.ge [sflag:s8], $0x2780  }
0xf3: {  	s25 =	rddreg [dreg:$0x4]  }
0xf4: {  	s3 =	rddreg [dreg:$0xe];
	s25 =	sadd.s32 $0x1, s25  }
0xf5: {  	p0 =	sne.s32 s25, s3  }
.Ltmp5:
0xf6: {  	_ = 	snop;
	(pc) =	sbr.rel @p0 .LBB2_1-.Ltmp5, $3  }
0xf7: {  	_ =	sdelay $0x1  }
0xf8: {  	[sflag:s8] =	ssyncset.done $0x0  }
0xf9: {  	[sflag:s8] =	ssyncadd.s32 $0xFFFFD880  }
0xfa: {  	_ =	sfence.sel $0x180000  }
0xfb: {  	[bflag:$0x0] =	sbarrier.arrive $0xFFFF  }
0xfc: {  	_ =	strace $0x90000047  }
0xfd: {  	s0 =	stileid.u32;
	[bflag:$0x2] =	sbarrier.arrive $0xFFFF  }
0xfe: {  	p0 =	sne.s32 s0, $0x0;
	s0 =	rddreg [dreg:$0x3]  }
0xff: {  	s0 =	sadd.s32 @!p0 $0x100000, s0  }
0x100: {  	[sflag:s0] =	ssyncadd.tile.s32 @!p0 $0x1;
	_ =	shalt  }
.Lfunc_end2:
_tile_overlayer_lowered:
.L_overlay_start_2:
0x101: {  	(tag) =	ssettag $0x2  }
0x102: {  	s0 =	rddreg [dreg:$0x0];
	s2 =	stileid.u32  }
0x103: {  	s1 =	rddreg [dreg:$0x1];
	p0 =	sne.s32 s2, $0x0  }
0x104: {  	s3 =	rddreg [dreg:$0x2];
	[bflag:$0x3] =	sbarrier.arrive $0xFFFF;
	s2 =	simm.s32 @!p0 $0x1C10  }
0x105: {  	[timem:s3], [sflag:s2] =	dma.local @!p0 [hbm:s0], s1  }
0x106: {  	s0 =	simm.s32 @!p0 $0x10  }
0x107: {  	_ =	swait.ge @!p0 [sflag:s0], s1  }
0x108: {  	s1 =	ssub.s32 @!p0 $0x0, s1;
	[sflag:s0] =	ssyncset.done @!p0 $0x0  }
0x109: {  	[sflag:s0] =	ssyncadd.s32 @!p0 s1  }
0x10a: {  	[bflag:$0x3] =	sbarrier.arrive $0xFFFF  }
0x10b: {  	_ =	shalt  }

</sc_bundles>
